<compile_context>
chip_gen: v7x
topology: tpu7x:2x2x1
jax: 0.10.2.dev20260603
libtpu: 0.0.44.dev20260713+nightly
codegen_flags: <defaults>
</compile_context>

<pallas_src>
import functools

import jax
import jax.numpy as jnp
import numpy as np
from jax import lax
from jax.experimental import pallas as pl
from jax.experimental.pallas import tpu as pltpu
from jax.experimental.pallas import tpu_sc as plsc

_M = 65536
_D = 256
_LANES = 16
_VECS = _D // _LANES
_NC = 2
_NS = 16
_NW = _NC * _NS
_ROWS_PER_W = _M // _NW
_CHUNK = 64
_CHUNKS_PER_W = _ROWS_PER_W // _CHUNK
_ROUND_C = np.float32(12582912.0)

_TC_BLOCK = 2048


def _quantize_chunk(ibuf, obuf):

    @plsc.parallel_loop(0, _CHUNK, 1, unroll=8)
    def row_body(r):
        vecs = [ibuf[r, pl.ds(j * _LANES, _LANES)] for j in range(_VECS)]
        m = jnp.abs(vecs[0])
        for j in range(1, _VECS):
            m = jnp.maximum(m, jnp.abs(vecs[j]))
        mv = lax.broadcast_in_dim(jnp.max(m), (_LANES,), ())
        nonzero = mv > 0.0
        inv = jnp.where(nonzero, 7.0 / mv, np.float32(1.0))
        scale = jnp.where(nonzero, mv * np.float32(1.0 / 7.0), np.float32(1.0))
        for j in range(_VECS):
            y = vecs[j] * inv
            q = (y + _ROUND_C) - _ROUND_C
            obuf[r, pl.ds(j * _LANES, _LANES)] = q * scale


def _sc_body(x_hbm, out_hbm, ibuf, obuf, isems, osems):
    wid = lax.axis_index("s") * _NC + lax.axis_index("c")
    base = wid * _ROWS_PER_W

    def in_copy(c, b):
        return pltpu.make_async_copy(
            x_hbm.at[pl.ds(base + c * _CHUNK, _CHUNK)], ibuf.at[b], isems.at[b])

    def out_copy(c, b):
        return pltpu.make_async_copy(
            obuf.at[b], out_hbm.at[pl.ds(base + c * _CHUNK, _CHUNK)], osems.at[b])

    in_copy(0, 0).start()

    def pair_body(i, carry):
        c0 = 2 * i
        in_copy(c0 + 1, 1).start()
        in_copy(c0, 0).wait()

        @pl.when(i > 0)
        def _():
            out_copy(c0, 0).wait()

        _quantize_chunk(ibuf.at[0], obuf.at[0])
        out_copy(c0, 0).start()

        @pl.when(c0 + 2 < _CHUNKS_PER_W)
        def _():
            in_copy(c0 + 2, 0).start()

        in_copy(c0 + 1, 1).wait()

        @pl.when(i > 0)
        def _():
            out_copy(c0 + 1, 1).wait()

        _quantize_chunk(ibuf.at[1], obuf.at[1])
        out_copy(c0 + 1, 1).start()
        return carry

    lax.fori_loop(0, _CHUNKS_PER_W // 2, pair_body, 0)
    out_copy(_CHUNKS_PER_W - 2, 0).wait()
    out_copy(_CHUNKS_PER_W - 1, 1).wait()


def _sc_quantize(x):
    out = jax.ShapeDtypeStruct((_M, _D), jnp.float32)
    mesh = plsc.VectorSubcoreMesh(core_axis_name="c", subcore_axis_name="s")
    f = functools.partial(
        pl.kernel,
        out_type=out,
        mesh=mesh,
        compiler_params=pltpu.CompilerParams(needs_layout_passes=False),
        scratch_types=[
            pltpu.VMEM((2, _CHUNK, _D), jnp.float32),
            pltpu.VMEM((2, _CHUNK, _D), jnp.float32),
            pltpu.SemaphoreType.DMA((2,)),
            pltpu.SemaphoreType.DMA((2,)),
        ],
    )(_sc_body)
    return f(x)


def _tc_body(x_ref, o_ref):
    x = x_ref[...]
    maxabs = jnp.max(jnp.abs(x), axis=1, keepdims=True)
    scale = jnp.where(maxabs > 0, maxabs * np.float32(1.0 / 7.0),
                      np.float32(1.0))
    inv = jnp.where(maxabs > 0, 7.0 / maxabs, np.float32(1.0))
    q = (x * inv + _ROUND_C) - _ROUND_C
    o_ref[...] = q * scale


def _tc_quantize(x):
    return pl.pallas_call(
        _tc_body,
        grid=(_M // _TC_BLOCK,),
        in_specs=[pl.BlockSpec((_TC_BLOCK, _D), lambda i: (i, 0))],
        out_specs=pl.BlockSpec((_TC_BLOCK, _D), lambda i: (i, 0)),
        out_shape=jax.ShapeDtypeStruct((_M, _D), jnp.float32),
        compiler_params=pltpu.CompilerParams(
            vmem_limit_bytes=128 * 1024 * 1024),
    )(x)


@jax.jit
def kernel(memory_mean, memory_logvar):
    logvar_deq = _sc_quantize(memory_logvar)
    mean_deq = _tc_quantize(memory_mean)
    return mean_deq, logvar_deq

# --- scband reference (transcript-rebuilt; emitter-appended) ---
"""Pipeline reference for scband-quantized-memory-slots4bit-75728863363366 (READ-ONLY COPY).

The authoritative reference and input builder live on the scoring server;
editing this copy changes nothing except your own understanding.
"""

import jax, jax.numpy as jnp
import numpy as np

MEMORY_SIZE = 65536
CODE_SIZE = 256


def setup_inputs(seed: int = 0):
    key = jax.random.key(seed)
    k1, k2 = jax.random.split(key)
    memory_mean = jax.random.normal(k1, (MEMORY_SIZE, CODE_SIZE), dtype=jnp.float32)
    memory_logvar = jax.random.normal(k2, (MEMORY_SIZE, CODE_SIZE), dtype=jnp.float32)
    return {"memory_mean": memory_mean, "memory_logvar": memory_logvar}


def _quantize_4bit_symmetric_rows(x):
    # per-row symmetric 4-bit quantization: scale = max|x| / 7, q in [-8, 7]
    maxabs = jnp.max(jnp.abs(x), axis=1, keepdims=True)
    scale = jnp.where(maxabs > 0, maxabs / 7.0, jnp.ones_like(maxabs))
    q = jnp.clip(jnp.round(x / scale), -8.0, 7.0).astype(jnp.int8)
    return q, scale


def _pack_4bit(q_int8):
    # pack two 4-bit values into each uint8 byte (row-wise; CODE_SIZE is even)
    u = (q_int8.astype(jnp.int16) + 8).astype(jnp.uint8)
    packed = u[:, ::2] | (u[:, 1::2] << 4)
    return packed


def _unpack_4bit(packed, original_size):
    lower = packed & jnp.uint8(15)
    upper = (packed >> 4) & jnp.uint8(15)
    interleaved = jnp.stack([lower, upper], axis=-1).reshape(packed.shape[0], -1)
    interleaved = interleaved[:, :original_size]
    return interleaved.astype(jnp.int8) - 8


def reference(memory_mean, memory_logvar):
    # quantize_memory (dense-tensor branch) followed by dequantize_memory
    qm, sm = _quantize_4bit_symmetric_rows(memory_mean)
    packed_mean = _pack_4bit(qm)
    ql, sl = _quantize_4bit_symmetric_rows(memory_logvar)
    packed_logvar = _pack_4bit(ql)

    mean_deq = _unpack_4bit(packed_mean, CODE_SIZE).astype(jnp.float32) * sm
    logvar_deq = _unpack_4bit(packed_logvar, CODE_SIZE).astype(jnp.float32) * sl
    return mean_deq, logvar_deq

if __name__ == "__main__":
    import jax
    _d = setup_inputs()
    print(jax.jit(kernel)(*tuple(_d.values())))

</pallas_src>

<mosaic_0001>
#map = affine_map<(d0, d1) -> (0, 0)>
module attributes {stable_mosaic.version = 14 : i64} {
  func.func @_sc_body(%arg0: i32, %arg1: i32, %arg2: memref<65536x256xf32, #tpu.memory_space<hbm>>, %arg3: memref<65536x256xf32, #tpu.memory_space<hbm>>, %arg4: memref<2x64x256xf32, #tpu.memory_space<vmem>>, %arg5: memref<2x64x256xf32, #tpu.memory_space<vmem>>, %arg6: memref<2x!tpu.dma_semaphore, #tpu.memory_space<semaphore_mem>>, %arg7: memref<2x!tpu.dma_semaphore, #tpu.memory_space<semaphore_mem>>) attributes {dimension_semantics = [#tpu.dimension_semantics<core_parallel>, #tpu.dimension_semantics<subcore_parallel>], iteration_bounds = array<i64: 2, 16>, scalar_prefetch = 0 : i64, scratch_operands = 4 : i64, tpu.core_type = #tpu.core_type<sc_vector_subcore>, window_params = [{transform_indices = #map}, {transform_indices = #map}]} {
    %mul3A = arith.constant 2 : i32
    %mul3A_0 = arith.muli %arg1, %mul3A : i32
    %add3A = arith.addi %mul3A_0, %arg0 : i32
    %mul3A_1 = arith.constant 2048 : i32
    %mul3A_2 = arith.muli %add3A, %mul3A_1 : i32
    %add3A_3 = arith.constant 0 : i32
    %add3A_4 = arith.addi %mul3A_2, %add3A_3 : i32
    %dma_start3A = arith.constant 0 : i32
    %dma_start3A_5 = arith.constant 0 : i32
    %dma_start3A_6 = arith.constant 0 : i32
    %dma_start3A_7 = arith.constant 0 : i32
    %dma_start3A_8 = tpu.memref_slice %arg4[%dma_start3A, %dma_start3A_6, %dma_start3A_7] : memref<2x64x256xf32, #tpu.memory_space<vmem>> -> memref<1x64x256xf32, #tpu.memory_space<vmem>>
    %dma_start3A_9 = tpu.memref_squeeze %dma_start3A_8 : memref<1x64x256xf32, #tpu.memory_space<vmem>> -> memref<64x256xf32, #tpu.memory_space<vmem>>
    %dma_start3A_10 = arith.constant 0 : i32
    %dma_start3A_11 = tpu.memref_slice %arg2[%add3A_4, %dma_start3A_10] : memref<65536x256xf32, #tpu.memory_space<hbm>> -> memref<64x256xf32, #tpu.memory_space<hbm>>
    %dma_start3A_12 = tpu.memref_slice %arg6[%dma_start3A_5] : memref<2x!tpu.dma_semaphore, #tpu.memory_space<semaphore_mem>> -> memref<1x!tpu.dma_semaphore, #tpu.memory_space<semaphore_mem>>
    %dma_start3A_13 = tpu.memref_squeeze %dma_start3A_12 : memref<1x!tpu.dma_semaphore, #tpu.memory_space<semaphore_mem>> -> memref<!tpu.dma_semaphore, #tpu.memory_space<semaphore_mem>>
    %dma_start3A_14 = arith.constant 0 : i32
    %dma_start3A_15 = arith.constant 0 : i32
    %dma_start3A_16 = tpu.memref_slice %arg4[%dma_start3A, %dma_start3A_14, %dma_start3A_15] : memref<2x64x256xf32, #tpu.memory_space<vmem>> -> memref<1x64x256xf32, #tpu.memory_space<vmem>>
    %dma_start3A_17 = tpu.memref_squeeze %dma_start3A_16 : memref<1x64x256xf32, #tpu.memory_space<vmem>> -> memref<64x256xf32, #tpu.memory_space<vmem>>
    %dma_start3A_18 = arith.constant 0 : i32
    %dma_start3A_19 = tpu.memref_slice %arg2[%add3A_4, %dma_start3A_18] : memref<65536x256xf32, #tpu.memory_space<hbm>> -> memref<64x256xf32, #tpu.memory_space<hbm>>
    tpu.enqueue_dma source(%dma_start3A_19 : memref<64x256xf32, #tpu.memory_space<hbm>>) target(%dma_start3A_17 : memref<64x256xf32, #tpu.memory_space<vmem>>) target_semaphore(%dma_start3A_13 : memref<!tpu.dma_semaphore, #tpu.memory_space<semaphore_mem>>)
    %scan3A = arith.constant 0 : i32
    %scan3A_20 = arith.constant 0 : i32
    %scan3A_21 = arith.constant 16 : i32
    %scan3A_22 = arith.addi %scan3A_20, %scan3A_21 : i32
    %scan3A_23 = arith.constant 1 : i32
    scf.for %scan3A_60 = %scan3A_20 to %scan3A_22 step %scan3A_23  : i32 {
      %mul3A_61 = arith.constant 2 : i32
      %mul3A_62 = arith.muli %mul3A_61, %scan3A_60 : i32
      %add3A_63 = arith.constant 1 : i32
      %add3A_64 = arith.addi %mul3A_62, %add3A_63 : i32
      %mul3A_65 = arith.constant 64 : i32
      %mul3A_66 = arith.muli %add3A_64, %mul3A_65 : i32
      %add3A_67 = arith.addi %mul3A_2, %mul3A_66 : i32
      %dma_start3A_68 = arith.constant 1 : i32
      %dma_start3A_69 = arith.constant 1 : i32
      %dma_start3A_70 = arith.constant 0 : i32
      %dma_start3A_71 = arith.constant 0 : i32
      %dma_start3A_72 = tpu.memref_slice %arg4[%dma_start3A_68, %dma_start3A_70, %dma_start3A_71] : memref<2x64x256xf32, #tpu.memory_space<vmem>> -> memref<1x64x256xf32, #tpu.memory_space<vmem>>
      %dma_start3A_73 = tpu.memref_squeeze %dma_start3A_72 : memref<1x64x256xf32, #tpu.memory_space<vmem>> -> memref<64x256xf32, #tpu.memory_space<vmem>>
      %dma_start3A_74 = arith.constant 0 : i32
      %dma_start3A_75 = tpu.memref_slice %arg2[%add3A_67, %dma_start3A_74] : memref<65536x256xf32, #tpu.memory_space<hbm>> -> memref<64x256xf32, #tpu.memory_space<hbm>>
      %dma_start3A_76 = tpu.memref_slice %arg6[%dma_start3A_69] : memref<2x!tpu.dma_semaphore, #tpu.memory_space<semaphore_mem>> -> memref<1x!tpu.dma_semaphore, #tpu.memory_space<semaphore_mem>>
      %dma_start3A_77 = tpu.memref_squeeze %dma_start3A_76 : memref<1x!tpu.dma_semaphore, #tpu.memory_space<semaphore_mem>> -> memref<!tpu.dma_semaphore, #tpu.memory_space<semaphore_mem>>
      %dma_start3A_78 = arith.constant 0 : i32
      %dma_start3A_79 = arith.constant 0 : i32
      %dma_start3A_80 = tpu.memref_slice %arg4[%dma_start3A_68, %dma_start3A_78, %dma_start3A_79] : memref<2x64x256xf32, #tpu.memory_space<vmem>> -> memref<1x64x256xf32, #tpu.memory_space<vmem>>
      %dma_start3A_81 = tpu.memref_squeeze %dma_start3A_80 : memref<1x64x256xf32, #tpu.memory_space<vmem>> -> memref<64x256xf32, #tpu.memory_space<vmem>>
      %dma_start3A_82 = arith.constant 0 : i32
      %dma_start3A_83 = tpu.memref_slice %arg2[%add3A_67, %dma_start3A_82] : memref<65536x256xf32, #tpu.memory_space<hbm>> -> memref<64x256xf32, #tpu.memory_space<hbm>>
      tpu.enqueue_dma source(%dma_start3A_83 : memref<64x256xf32, #tpu.memory_space<hbm>>) target(%dma_start3A_81 : memref<64x256xf32, #tpu.memory_space<vmem>>) target_semaphore(%dma_start3A_77 : memref<!tpu.dma_semaphore, #tpu.memory_space<semaphore_mem>>)
      %mul3A_84 = arith.constant 64 : i32
      %mul3A_85 = arith.muli %mul3A_62, %mul3A_84 : i32
      %add3A_86 = arith.addi %mul3A_2, %mul3A_85 : i32
      %dma_wait3A_87 = arith.constant 0 : i32
      %dma_wait3A_88 = arith.constant 0 : i32
      %dma_wait3A_89 = arith.constant 0 : i32
      %dma_wait3A_90 = arith.constant 0 : i32
      %dma_wait3A_91 = tpu.memref_slice %arg4[%dma_wait3A_87, %dma_wait3A_89, %dma_wait3A_90] : memref<2x64x256xf32, #tpu.memory_space<vmem>> -> memref<1x64x256xf32, #tpu.memory_space<vmem>>
      %dma_wait3A_92 = tpu.memref_squeeze %dma_wait3A_91 : memref<1x64x256xf32, #tpu.memory_space<vmem>> -> memref<64x256xf32, #tpu.memory_space<vmem>>
      %dma_wait3A_93 = arith.constant 0 : i32
      %dma_wait3A_94 = tpu.memref_slice %arg2[%add3A_86, %dma_wait3A_93] : memref<65536x256xf32, #tpu.memory_space<hbm>> -> memref<64x256xf32, #tpu.memory_space<hbm>>
      %dma_wait3A_95 = tpu.memref_slice %arg6[%dma_wait3A_88] : memref<2x!tpu.dma_semaphore, #tpu.memory_space<semaphore_mem>> -> memref<1x!tpu.dma_semaphore, #tpu.memory_space<semaphore_mem>>
      %dma_wait3A_96 = tpu.memref_squeeze %dma_wait3A_95 : memref<1x!tpu.dma_semaphore, #tpu.memory_space<semaphore_mem>> -> memref<!tpu.dma_semaphore, #tpu.memory_space<semaphore_mem>>
      %dma_wait3A_97 = arith.constant 0 : i32
      %dma_wait3A_98 = arith.constant 0 : i32
      %dma_wait3A_99 = tpu.memref_slice %arg4[%dma_wait3A_87, %dma_wait3A_97, %dma_wait3A_98] : memref<2x64x256xf32, #tpu.memory_space<vmem>> -> memref<1x64x256xf32, #tpu.memory_space<vmem>>
      %dma_wait3A_100 = tpu.memref_squeeze %dma_wait3A_99 : memref<1x64x256xf32, #tpu.memory_space<vmem>> -> memref<64x256xf32, #tpu.memory_space<vmem>>
      %dma_wait3A_101 = arith.constant 0 : i32
      %dma_wait3A_102 = tpu.memref_slice %arg2[%add3A_86, %dma_wait3A_101] : memref<65536x256xf32, #tpu.memory_space<hbm>> -> memref<64x256xf32, #tpu.memory_space<hbm>>
      tpu.wait_dma2 semaphore(%dma_wait3A_96 : memref<!tpu.dma_semaphore, #tpu.memory_space<semaphore_mem>>) src(%dma_wait3A_102 : memref<64x256xf32, #tpu.memory_space<hbm>>) dst(%dma_wait3A_100 : memref<64x256xf32, #tpu.memory_space<vmem>>)
      %gt3A = arith.constant 0 : i32
      %gt3A_103 = arith.cmpi sgt, %scan3A_60, %gt3A : i32
      %convert_element_type3A = arith.extui %gt3A_103 : i1 to i32
      %cond3A = arith.constant 0 : i32
      %cond3A_104 = arith.cmpi ne, %convert_element_type3A, %cond3A : i32
      scf.if %cond3A_104 {
        %mul3A_186 = arith.constant 64 : i32
        %mul3A_187 = arith.muli %mul3A_62, %mul3A_186 : i32
        %add3A_188 = arith.addi %mul3A_2, %mul3A_187 : i32
        %dma_wait3A_189 = arith.constant 0 : i32
        %dma_wait3A_190 = arith.constant 0 : i32
        %dma_wait3A_191 = arith.constant 0 : i32
        %dma_wait3A_192 = arith.constant 0 : i32
        %dma_wait3A_193 = tpu.memref_slice %arg5[%dma_wait3A_189, %dma_wait3A_191, %dma_wait3A_192] : memref<2x64x256xf32, #tpu.memory_space<vmem>> -> memref<1x64x256xf32, #tpu.memory_space<vmem>>
        %dma_wait3A_194 = tpu.memref_squeeze %dma_wait3A_193 : memref<1x64x256xf32, #tpu.memory_space<vmem>> -> memref<64x256xf32, #tpu.memory_space<vmem>>
        %dma_wait3A_195 = arith.constant 0 : i32
        %dma_wait3A_196 = tpu.memref_slice %arg3[%add3A_188, %dma_wait3A_195] : memref<65536x256xf32, #tpu.memory_space<hbm>> -> memref<64x256xf32, #tpu.memory_space<hbm>>
        %dma_wait3A_197 = tpu.memref_slice %arg7[%dma_wait3A_190] : memref<2x!tpu.dma_semaphore, #tpu.memory_space<semaphore_mem>> -> memref<1x!tpu.dma_semaphore, #tpu.memory_space<semaphore_mem>>
        %dma_wait3A_198 = tpu.memref_squeeze %dma_wait3A_197 : memref<1x!tpu.dma_semaphore, #tpu.memory_space<semaphore_mem>> -> memref<!tpu.dma_semaphore, #tpu.memory_space<semaphore_mem>>
        %dma_wait3A_199 = arith.constant 0 : i32
        %dma_wait3A_200 = tpu.memref_slice %arg3[%add3A_188, %dma_wait3A_199] : memref<65536x256xf32, #tpu.memory_space<hbm>> -> memref<64x256xf32, #tpu.memory_space<hbm>>
        %dma_wait3A_201 = arith.constant 0 : i32
        %dma_wait3A_202 = arith.constant 0 : i32
        %dma_wait3A_203 = tpu.memref_slice %arg5[%dma_wait3A_189, %dma_wait3A_201, %dma_wait3A_202] : memref<2x64x256xf32, #tpu.memory_space<vmem>> -> memref<1x64x256xf32, #tpu.memory_space<vmem>>
        %dma_wait3A_204 = tpu.memref_squeeze %dma_wait3A_203 : memref<1x64x256xf32, #tpu.memory_space<vmem>> -> memref<64x256xf32, #tpu.memory_space<vmem>>
        tpu.wait_dma2 semaphore(%dma_wait3A_198 : memref<!tpu.dma_semaphore, #tpu.memory_space<semaphore_mem>>) src(%dma_wait3A_204 : memref<64x256xf32, #tpu.memory_space<vmem>>) dst(%dma_wait3A_200 : memref<64x256xf32, #tpu.memory_space<hbm>>)
      } else {
      }
      %parallel_loop3A = arith.constant 0 : i32
      %parallel_loop3A_105 = arith.constant 64 : i32
      %parallel_loop3A_106 = arith.constant 1 : i32
      %parallel_loop3A_107 = arith.constant 0 : i32
      %parallel_loop3A_108 = arith.constant 0 : i32
      scf.for %parallel_loop3A_186 = %parallel_loop3A to %parallel_loop3A_105 step %parallel_loop3A_106  : i32 {
        %parallel_loop3A_187 = arith.constant 0 : i32
        %parallel_loop3A_188 = arith.constant 0 : i32
        %parallel_loop3A_189 = tpu.memref_slice %arg4[%parallel_loop3A_107, %parallel_loop3A_187, %parallel_loop3A_188] : memref<2x64x256xf32, #tpu.memory_space<vmem>> -> memref<1x64x256xf32, #tpu.memory_space<vmem>>
        %parallel_loop3A_190 = tpu.memref_squeeze %parallel_loop3A_189 : memref<1x64x256xf32, #tpu.memory_space<vmem>> -> memref<64x256xf32, #tpu.memory_space<vmem>>
        %parallel_loop3A_191 = arith.index_cast %parallel_loop3A_186 : i32 to index
        %parallel_loop3A_192 = arith.constant 0 : index
        %parallel_loop3A_193 = tpu.vector_load %parallel_loop3A_190[%parallel_loop3A_191, %parallel_loop3A_192] {strides = array<i32>} : memref<64x256xf32, #tpu.memory_space<vmem>>, vector<16xf32>,
        %parallel_loop3A_194 = arith.constant 0 : i32
        %parallel_loop3A_195 = arith.constant 0 : i32
        %parallel_loop3A_196 = tpu.memref_slice %arg4[%parallel_loop3A_107, %parallel_loop3A_194, %parallel_loop3A_195] : memref<2x64x256xf32, #tpu.memory_space<vmem>> -> memref<1x64x256xf32, #tpu.memory_space<vmem>>
        %parallel_loop3A_197 = tpu.memref_squeeze %parallel_loop3A_196 : memref<1x64x256xf32, #tpu.memory_space<vmem>> -> memref<64x256xf32, #tpu.memory_space<vmem>>
        %parallel_loop3A_198 = arith.index_cast %parallel_loop3A_186 : i32 to index
        %parallel_loop3A_199 = arith.constant 16 : index
        %parallel_loop3A_200 = tpu.vector_load %parallel_loop3A_197[%parallel_loop3A_198, %parallel_loop3A_199] {strides = array<i32>} : memref<64x256xf32, #tpu.memory_space<vmem>>, vector<16xf32>,
        %parallel_loop3A_201 = arith.constant 0 : i32
        %parallel_loop3A_202 = arith.constant 0 : i32
        %parallel_loop3A_203 = tpu.memref_slice %arg4[%parallel_loop3A_107, %parallel_loop3A_201, %parallel_loop3A_202] : memref<2x64x256xf32, #tpu.memory_space<vmem>> -> memref<1x64x256xf32, #tpu.memory_space<vmem>>
        %parallel_loop3A_204 = tpu.memref_squeeze %parallel_loop3A_203 : memref<1x64x256xf32, #tpu.memory_space<vmem>> -> memref<64x256xf32, #tpu.memory_space<vmem>>
        %parallel_loop3A_205 = arith.index_cast %parallel_loop3A_186 : i32 to index
        %parallel_loop3A_206 = arith.constant 32 : index
        %parallel_loop3A_207 = tpu.vector_load %parallel_loop3A_204[%parallel_loop3A_205, %parallel_loop3A_206] {strides = array<i32>} : memref<64x256xf32, #tpu.memory_space<vmem>>, vector<16xf32>,
        %parallel_loop3A_208 = arith.constant 0 : i32
        %parallel_loop3A_209 = arith.constant 0 : i32
        %parallel_loop3A_210 = tpu.memref_slice %arg4[%parallel_loop3A_107, %parallel_loop3A_208, %parallel_loop3A_209] : memref<2x64x256xf32, #tpu.memory_space<vmem>> -> memref<1x64x256xf32, #tpu.memory_space<vmem>>
        %parallel_loop3A_211 = tpu.memref_squeeze %parallel_loop3A_210 : memref<1x64x256xf32, #tpu.memory_space<vmem>> -> memref<64x256xf32, #tpu.memory_space<vmem>>
        %parallel_loop3A_212 = arith.index_cast %parallel_loop3A_186 : i32 to index
        %parallel_loop3A_213 = arith.constant 48 : index
        %parallel_loop3A_214 = tpu.vector_load %parallel_loop3A_211[%parallel_loop3A_212, %parallel_loop3A_213] {strides = array<i32>} : memref<64x256xf32, #tpu.memory_space<vmem>>, vector<16xf32>,
        %parallel_loop3A_215 = arith.constant 0 : i32
        %parallel_loop3A_216 = arith.constant 0 : i32
        %parallel_loop3A_217 = tpu.memref_slice %arg4[%parallel_loop3A_107, %parallel_loop3A_215, %parallel_loop3A_216] : memref<2x64x256xf32, #tpu.memory_space<vmem>> -> memref<1x64x256xf32, #tpu.memory_space<vmem>>
        %parallel_loop3A_218 = tpu.memref_squeeze %parallel_loop3A_217 : memref<1x64x256xf32, #tpu.memory_space<vmem>> -> memref<64x256xf32, #tpu.memory_space<vmem>>
        %parallel_loop3A_219 = arith.index_cast %parallel_loop3A_186 : i32 to index
        %parallel_loop3A_220 = arith.constant 64 : index
        %parallel_loop3A_221 = tpu.vector_load %parallel_loop3A_218[%parallel_loop3A_219, %parallel_loop3A_220] {strides = array<i32>} : memref<64x256xf32, #tpu.memory_space<vmem>>, vector<16xf32>,
        %parallel_loop3A_222 = arith.constant 0 : i32
        %parallel_loop3A_223 = arith.constant 0 : i32
        %parallel_loop3A_224 = tpu.memref_slice %arg4[%parallel_loop3A_107, %parallel_loop3A_222, %parallel_loop3A_223] : memref<2x64x256xf32, #tpu.memory_space<vmem>> -> memref<1x64x256xf32, #tpu.memory_space<vmem>>
        %parallel_loop3A_225 = tpu.memref_squeeze %parallel_loop3A_224 : memref<1x64x256xf32, #tpu.memory_space<vmem>> -> memref<64x256xf32, #tpu.memory_space<vmem>>
        %parallel_loop3A_226 = arith.index_cast %parallel_loop3A_186 : i32 to index
        %parallel_loop3A_227 = arith.constant 80 : index
        %parallel_loop3A_228 = tpu.vector_load %parallel_loop3A_225[%parallel_loop3A_226, %parallel_loop3A_227] {strides = array<i32>} : memref<64x256xf32, #tpu.memory_space<vmem>>, vector<16xf32>,
        %parallel_loop3A_229 = arith.constant 0 : i32
        %parallel_loop3A_230 = arith.constant 0 : i32
        %parallel_loop3A_231 = tpu.memref_slice %arg4[%parallel_loop3A_107, %parallel_loop3A_229, %parallel_loop3A_230] : memref<2x64x256xf32, #tpu.memory_space<vmem>> -> memref<1x64x256xf32, #tpu.memory_space<vmem>>
        %parallel_loop3A_232 = tpu.memref_squeeze %parallel_loop3A_231 : memref<1x64x256xf32, #tpu.memory_space<vmem>> -> memref<64x256xf32, #tpu.memory_space<vmem>>
        %parallel_loop3A_233 = arith.index_cast %parallel_loop3A_186 : i32 to index
        %parallel_loop3A_234 = arith.constant 96 : index
        %parallel_loop3A_235 = tpu.vector_load %parallel_loop3A_232[%parallel_loop3A_233, %parallel_loop3A_234] {strides = array<i32>} : memref<64x256xf32, #tpu.memory_space<vmem>>, vector<16xf32>,
        %parallel_loop3A_236 = arith.constant 0 : i32
        %parallel_loop3A_237 = arith.constant 0 : i32
        %parallel_loop3A_238 = tpu.memref_slice %arg4[%parallel_loop3A_107, %parallel_loop3A_236, %parallel_loop3A_237] : memref<2x64x256xf32, #tpu.memory_space<vmem>> -> memref<1x64x256xf32, #tpu.memory_space<vmem>>
        %parallel_loop3A_239 = tpu.memref_squeeze %parallel_loop3A_238 : memref<1x64x256xf32, #tpu.memory_space<vmem>> -> memref<64x256xf32, #tpu.memory_space<vmem>>
        %parallel_loop3A_240 = arith.index_cast %parallel_loop3A_186 : i32 to index
        %parallel_loop3A_241 = arith.constant 112 : index
        %parallel_loop3A_242 = tpu.vector_load %parallel_loop3A_239[%parallel_loop3A_240, %parallel_loop3A_241] {strides = array<i32>} : memref<64x256xf32, #tpu.memory_space<vmem>>, vector<16xf32>,
        %parallel_loop3A_243 = arith.constant 0 : i32
        %parallel_loop3A_244 = arith.constant 0 : i32
        %parallel_loop3A_245 = tpu.memref_slice %arg4[%parallel_loop3A_107, %parallel_loop3A_243, %parallel_loop3A_244] : memref<2x64x256xf32, #tpu.memory_space<vmem>> -> memref<1x64x256xf32, #tpu.memory_space<vmem>>
        %parallel_loop3A_246 = tpu.memref_squeeze %parallel_loop3A_245 : memref<1x64x256xf32, #tpu.memory_space<vmem>> -> memref<64x256xf32, #tpu.memory_space<vmem>>
        %parallel_loop3A_247 = arith.index_cast %parallel_loop3A_186 : i32 to index
        %parallel_loop3A_248 = arith.constant 128 : index
        %parallel_loop3A_249 = tpu.vector_load %parallel_loop3A_246[%parallel_loop3A_247, %parallel_loop3A_248] {strides = array<i32>} : memref<64x256xf32, #tpu.memory_space<vmem>>, vector<16xf32>,
        %parallel_loop3A_250 = arith.constant 0 : i32
        %parallel_loop3A_251 = arith.constant 0 : i32
        %parallel_loop3A_252 = tpu.memref_slice %arg4[%parallel_loop3A_107, %parallel_loop3A_250, %parallel_loop3A_251] : memref<2x64x256xf32, #tpu.memory_space<vmem>> -> memref<1x64x256xf32, #tpu.memory_space<vmem>>
        %parallel_loop3A_253 = tpu.memref_squeeze %parallel_loop3A_252 : memref<1x64x256xf32, #tpu.memory_space<vmem>> -> memref<64x256xf32, #tpu.memory_space<vmem>>
        %parallel_loop3A_254 = arith.index_cast %parallel_loop3A_186 : i32 to index
        %parallel_loop3A_255 = arith.constant 144 : index
        %parallel_loop3A_256 = tpu.vector_load %parallel_loop3A_253[%parallel_loop3A_254, %parallel_loop3A_255] {strides = array<i32>} : memref<64x256xf32, #tpu.memory_space<vmem>>, vector<16xf32>,
        %parallel_loop3A_257 = arith.constant 0 : i32
        %parallel_loop3A_258 = arith.constant 0 : i32
        %parallel_loop3A_259 = tpu.memref_slice %arg4[%parallel_loop3A_107, %parallel_loop3A_257, %parallel_loop3A_258] : memref<2x64x256xf32, #tpu.memory_space<vmem>> -> memref<1x64x256xf32, #tpu.memory_space<vmem>>
        %parallel_loop3A_260 = tpu.memref_squeeze %parallel_loop3A_259 : memref<1x64x256xf32, #tpu.memory_space<vmem>> -> memref<64x256xf32, #tpu.memory_space<vmem>>
        %parallel_loop3A_261 = arith.index_cast %parallel_loop3A_186 : i32 to index
        %parallel_loop3A_262 = arith.constant 160 : index
        %parallel_loop3A_263 = tpu.vector_load %parallel_loop3A_260[%parallel_loop3A_261, %parallel_loop3A_262] {strides = array<i32>} : memref<64x256xf32, #tpu.memory_space<vmem>>, vector<16xf32>,
        %parallel_loop3A_264 = arith.constant 0 : i32
        %parallel_loop3A_265 = arith.constant 0 : i32
        %parallel_loop3A_266 = tpu.memref_slice %arg4[%parallel_loop3A_107, %parallel_loop3A_264, %parallel_loop3A_265] : memref<2x64x256xf32, #tpu.memory_space<vmem>> -> memref<1x64x256xf32, #tpu.memory_space<vmem>>
        %parallel_loop3A_267 = tpu.memref_squeeze %parallel_loop3A_266 : memref<1x64x256xf32, #tpu.memory_space<vmem>> -> memref<64x256xf32, #tpu.memory_space<vmem>>
        %parallel_loop3A_268 = arith.index_cast %parallel_loop3A_186 : i32 to index
        %parallel_loop3A_269 = arith.constant 176 : index
        %parallel_loop3A_270 = tpu.vector_load %parallel_loop3A_267[%parallel_loop3A_268, %parallel_loop3A_269] {strides = array<i32>} : memref<64x256xf32, #tpu.memory_space<vmem>>, vector<16xf32>,
        %parallel_loop3A_271 = arith.constant 0 : i32
        %parallel_loop3A_272 = arith.constant 0 : i32
        %parallel_loop3A_273 = tpu.memref_slice %arg4[%parallel_loop3A_107, %parallel_loop3A_271, %parallel_loop3A_272] : memref<2x64x256xf32, #tpu.memory_space<vmem>> -> memref<1x64x256xf32, #tpu.memory_space<vmem>>
        %parallel_loop3A_274 = tpu.memref_squeeze %parallel_loop3A_273 : memref<1x64x256xf32, #tpu.memory_space<vmem>> -> memref<64x256xf32, #tpu.memory_space<vmem>>
        %parallel_loop3A_275 = arith.index_cast %parallel_loop3A_186 : i32 to index
        %parallel_loop3A_276 = arith.constant 192 : index
        %parallel_loop3A_277 = tpu.vector_load %parallel_loop3A_274[%parallel_loop3A_275, %parallel_loop3A_276] {strides = array<i32>} : memref<64x256xf32, #tpu.memory_space<vmem>>, vector<16xf32>,
        %parallel_loop3A_278 = arith.constant 0 : i32
        %parallel_loop3A_279 = arith.constant 0 : i32
        %parallel_loop3A_280 = tpu.memref_slice %arg4[%parallel_loop3A_107, %parallel_loop3A_278, %parallel_loop3A_279] : memref<2x64x256xf32, #tpu.memory_space<vmem>> -> memref<1x64x256xf32, #tpu.memory_space<vmem>>
        %parallel_loop3A_281 = tpu.memref_squeeze %parallel_loop3A_280 : memref<1x64x256xf32, #tpu.memory_space<vmem>> -> memref<64x256xf32, #tpu.memory_space<vmem>>
        %parallel_loop3A_282 = arith.index_cast %parallel_loop3A_186 : i32 to index
        %parallel_loop3A_283 = arith.constant 208 : index
        %parallel_loop3A_284 = tpu.vector_load %parallel_loop3A_281[%parallel_loop3A_282, %parallel_loop3A_283] {strides = array<i32>} : memref<64x256xf32, #tpu.memory_space<vmem>>, vector<16xf32>,
        %parallel_loop3A_285 = arith.constant 0 : i32
        %parallel_loop3A_286 = arith.constant 0 : i32
        %parallel_loop3A_287 = tpu.memref_slice %arg4[%parallel_loop3A_107, %parallel_loop3A_285, %parallel_loop3A_286] : memref<2x64x256xf32, #tpu.memory_space<vmem>> -> memref<1x64x256xf32, #tpu.memory_space<vmem>>
        %parallel_loop3A_288 = tpu.memref_squeeze %parallel_loop3A_287 : memref<1x64x256xf32, #tpu.memory_space<vmem>> -> memref<64x256xf32, #tpu.memory_space<vmem>>
        %parallel_loop3A_289 = arith.index_cast %parallel_loop3A_186 : i32 to index
        %parallel_loop3A_290 = arith.constant 224 : index
        %parallel_loop3A_291 = tpu.vector_load %parallel_loop3A_288[%parallel_loop3A_289, %parallel_loop3A_290] {strides = array<i32>} : memref<64x256xf32, #tpu.memory_space<vmem>>, vector<16xf32>,
        %parallel_loop3A_292 = arith.constant 0 : i32
        %parallel_loop3A_293 = arith.constant 0 : i32
        %parallel_loop3A_294 = tpu.memref_slice %arg4[%parallel_loop3A_107, %parallel_loop3A_292, %parallel_loop3A_293] : memref<2x64x256xf32, #tpu.memory_space<vmem>> -> memref<1x64x256xf32, #tpu.memory_space<vmem>>
        %parallel_loop3A_295 = tpu.memref_squeeze %parallel_loop3A_294 : memref<1x64x256xf32, #tpu.memory_space<vmem>> -> memref<64x256xf32, #tpu.memory_space<vmem>>
        %parallel_loop3A_296 = arith.index_cast %parallel_loop3A_186 : i32 to index
        %parallel_loop3A_297 = arith.constant 240 : index
        %parallel_loop3A_298 = tpu.vector_load %parallel_loop3A_295[%parallel_loop3A_296, %parallel_loop3A_297] {strides = array<i32>} : memref<64x256xf32, #tpu.memory_space<vmem>>, vector<16xf32>,
        %parallel_loop3A_299 = math.absf %parallel_loop3A_193 : vector<16xf32>
        %parallel_loop3A_300 = math.absf %parallel_loop3A_200 : vector<16xf32>
        %parallel_loop3A_301 = arith.maximumf %parallel_loop3A_299, %parallel_loop3A_300 : vector<16xf32>
        %parallel_loop3A_302 = math.absf %parallel_loop3A_207 : vector<16xf32>
        %parallel_loop3A_303 = arith.maximumf %parallel_loop3A_301, %parallel_loop3A_302 : vector<16xf32>
        %parallel_loop3A_304 = math.absf %parallel_loop3A_214 : vector<16xf32>
        %parallel_loop3A_305 = arith.maximumf %parallel_loop3A_303, %parallel_loop3A_304 : vector<16xf32>
        %parallel_loop3A_306 = math.absf %parallel_loop3A_221 : vector<16xf32>
        %parallel_loop3A_307 = arith.maximumf %parallel_loop3A_305, %parallel_loop3A_306 : vector<16xf32>
        %parallel_loop3A_308 = math.absf %parallel_loop3A_228 : vector<16xf32>
        %parallel_loop3A_309 = arith.maximumf %parallel_loop3A_307, %parallel_loop3A_308 : vector<16xf32>
        %parallel_loop3A_310 = math.absf %parallel_loop3A_235 : vector<16xf32>
        %parallel_loop3A_311 = arith.maximumf %parallel_loop3A_309, %parallel_loop3A_310 : vector<16xf32>
        %parallel_loop3A_312 = math.absf %parallel_loop3A_242 : vector<16xf32>
        %parallel_loop3A_313 = arith.maximumf %parallel_loop3A_311, %parallel_loop3A_312 : vector<16xf32>
        %parallel_loop3A_314 = math.absf %parallel_loop3A_249 : vector<16xf32>
        %parallel_loop3A_315 = arith.maximumf %parallel_loop3A_313, %parallel_loop3A_314 : vector<16xf32>
        %parallel_loop3A_316 = math.absf %parallel_loop3A_256 : vector<16xf32>
        %parallel_loop3A_317 = arith.maximumf %parallel_loop3A_315, %parallel_loop3A_316 : vector<16xf32>
        %parallel_loop3A_318 = math.absf %parallel_loop3A_263 : vector<16xf32>
        %parallel_loop3A_319 = arith.maximumf %parallel_loop3A_317, %parallel_loop3A_318 : vector<16xf32>
        %parallel_loop3A_320 = math.absf %parallel_loop3A_270 : vector<16xf32>
        %parallel_loop3A_321 = arith.maximumf %parallel_loop3A_319, %parallel_loop3A_320 : vector<16xf32>
        %parallel_loop3A_322 = math.absf %parallel_loop3A_277 : vector<16xf32>
        %parallel_loop3A_323 = arith.maximumf %parallel_loop3A_321, %parallel_loop3A_322 : vector<16xf32>
        %parallel_loop3A_324 = math.absf %parallel_loop3A_284 : vector<16xf32>
        %parallel_loop3A_325 = arith.maximumf %parallel_loop3A_323, %parallel_loop3A_324 : vector<16xf32>
        %parallel_loop3A_326 = math.absf %parallel_loop3A_291 : vector<16xf32>
        %parallel_loop3A_327 = arith.maximumf %parallel_loop3A_325, %parallel_loop3A_326 : vector<16xf32>
        %parallel_loop3A_328 = math.absf %parallel_loop3A_298 : vector<16xf32>
        %parallel_loop3A_329 = arith.maximumf %parallel_loop3A_327, %parallel_loop3A_328 : vector<16xf32>
        %parallel_loop3A_330 = arith.constant true
        %parallel_loop3A_331 = vector.broadcast %parallel_loop3A_330 : i1 to vector<16xi1>
        %parallel_loop3A_332 = tpu.scan <max>, %parallel_loop3A_329 masked %parallel_loop3A_331 : vector<16xf32>, vector<16xi1> -> vector<16xf32>
        %parallel_loop3A_333 = vector.extract %parallel_loop3A_332[15] : f32 from vector<16xf32>
        %parallel_loop3A_334 = vector.broadcast %parallel_loop3A_333 : f32 to vector<16xf32>
        %parallel_loop3A_335 = arith.constant 0.000000e+00 : f32
        %parallel_loop3A_336 = vector.broadcast %parallel_loop3A_335 : f32 to vector<16xf32>
        %parallel_loop3A_337 = arith.cmpf ogt, %parallel_loop3A_334, %parallel_loop3A_336 : vector<16xf32>
        %parallel_loop3A_338 = arith.constant 7.000000e+00 : f32
        %parallel_loop3A_339 = vector.broadcast %parallel_loop3A_338 : f32 to vector<16xf32>
        %parallel_loop3A_340 = arith.divf %parallel_loop3A_339, %parallel_loop3A_334 : vector<16xf32>
        %parallel_loop3A_341 = arith.constant 1.000000e+00 : f32
        %parallel_loop3A_342 = vector.broadcast %parallel_loop3A_341 : f32 to vector<16xf32>
        %parallel_loop3A_343 = arith.select %parallel_loop3A_337, %parallel_loop3A_340, %parallel_loop3A_342 : vector<16xi1>, vector<16xf32>
        %parallel_loop3A_344 = arith.constant 0.142857149 : f32
        %parallel_loop3A_345 = vector.broadcast %parallel_loop3A_344 : f32 to vector<16xf32>
        %parallel_loop3A_346 = arith.mulf %parallel_loop3A_334, %parallel_loop3A_345 : vector<16xf32>
        %parallel_loop3A_347 = arith.constant 1.000000e+00 : f32
        %parallel_loop3A_348 = vector.broadcast %parallel_loop3A_347 : f32 to vector<16xf32>
        %parallel_loop3A_349 = arith.select %parallel_loop3A_337, %parallel_loop3A_346, %parallel_loop3A_348 : vector<16xi1>, vector<16xf32>
        %parallel_loop3A_350 = arith.mulf %parallel_loop3A_193, %parallel_loop3A_343 : vector<16xf32>
        %parallel_loop3A_351 = arith.constant 0x4B400000 : f32
        %parallel_loop3A_352 = vector.broadcast %parallel_loop3A_351 : f32 to vector<16xf32>
        %parallel_loop3A_353 = arith.addf %parallel_loop3A_350, %parallel_loop3A_352 : vector<16xf32>
        %parallel_loop3A_354 = arith.constant 0x4B400000 : f32
        %parallel_loop3A_355 = vector.broadcast %parallel_loop3A_354 : f32 to vector<16xf32>
        %parallel_loop3A_356 = arith.subf %parallel_loop3A_353, %parallel_loop3A_355 : vector<16xf32>
        %parallel_loop3A_357 = arith.mulf %parallel_loop3A_356, %parallel_loop3A_349 : vector<16xf32>
        %parallel_loop3A_358 = arith.constant 0 : i32
        %parallel_loop3A_359 = arith.constant 0 : i32
        %parallel_loop3A_360 = tpu.memref_slice %arg5[%parallel_loop3A_108, %parallel_loop3A_358, %parallel_loop3A_359] : memref<2x64x256xf32, #tpu.memory_space<vmem>> -> memref<1x64x256xf32, #tpu.memory_space<vmem>>
        %parallel_loop3A_361 = tpu.memref_squeeze %parallel_loop3A_360 : memref<1x64x256xf32, #tpu.memory_space<vmem>> -> memref<64x256xf32, #tpu.memory_space<vmem>>
        %parallel_loop3A_362 = arith.index_cast %parallel_loop3A_186 : i32 to index
        %parallel_loop3A_363 = arith.constant 0 : index
        %parallel_loop3A_364 = tpu.vector_load %parallel_loop3A_361[%parallel_loop3A_362, %parallel_loop3A_363] {strides = array<i32>} : memref<64x256xf32, #tpu.memory_space<vmem>>, vector<16xf32>,
        tpu.vector_store %parallel_loop3A_361[%parallel_loop3A_362, %parallel_loop3A_363], %parallel_loop3A_357 {strides = array<i32>} : memref<64x256xf32, #tpu.memory_space<vmem>>, vector<16xf32>,
        %parallel_loop3A_365 = arith.mulf %parallel_loop3A_200, %parallel_loop3A_343 : vector<16xf32>
        %parallel_loop3A_366 = arith.constant 0x4B400000 : f32
        %parallel_loop3A_367 = vector.broadcast %parallel_loop3A_366 : f32 to vector<16xf32>
        %parallel_loop3A_368 = arith.addf %parallel_loop3A_365, %parallel_loop3A_367 : vector<16xf32>
        %parallel_loop3A_369 = arith.constant 0x4B400000 : f32
        %parallel_loop3A_370 = vector.broadcast %parallel_loop3A_369 : f32 to vector<16xf32>
        %parallel_loop3A_371 = arith.subf %parallel_loop3A_368, %parallel_loop3A_370 : vector<16xf32>
        %parallel_loop3A_372 = arith.mulf %parallel_loop3A_371, %parallel_loop3A_349 : vector<16xf32>
        %parallel_loop3A_373 = arith.constant 0 : i32
        %parallel_loop3A_374 = arith.constant 0 : i32
        %parallel_loop3A_375 = tpu.memref_slice %arg5[%parallel_loop3A_108, %parallel_loop3A_373, %parallel_loop3A_374] : memref<2x64x256xf32, #tpu.memory_space<vmem>> -> memref<1x64x256xf32, #tpu.memory_space<vmem>>
        %parallel_loop3A_376 = tpu.memref_squeeze %parallel_loop3A_375 : memref<1x64x256xf32, #tpu.memory_space<vmem>> -> memref<64x256xf32, #tpu.memory_space<vmem>>
        %parallel_loop3A_377 = arith.index_cast %parallel_loop3A_186 : i32 to index
        %parallel_loop3A_378 = arith.constant 16 : index
        %parallel_loop3A_379 = tpu.vector_load %parallel_loop3A_376[%parallel_loop3A_377, %parallel_loop3A_378] {strides = array<i32>} : memref<64x256xf32, #tpu.memory_space<vmem>>, vector<16xf32>,
        tpu.vector_store %parallel_loop3A_376[%parallel_loop3A_377, %parallel_loop3A_378], %parallel_loop3A_372 {strides = array<i32>} : memref<64x256xf32, #tpu.memory_space<vmem>>, vector<16xf32>,
        %parallel_loop3A_380 = arith.mulf %parallel_loop3A_207, %parallel_loop3A_343 : vector<16xf32>
        %parallel_loop3A_381 = arith.constant 0x4B400000 : f32
        %parallel_loop3A_382 = vector.broadcast %parallel_loop3A_381 : f32 to vector<16xf32>
        %parallel_loop3A_383 = arith.addf %parallel_loop3A_380, %parallel_loop3A_382 : vector<16xf32>
        %parallel_loop3A_384 = arith.constant 0x4B400000 : f32
        %parallel_loop3A_385 = vector.broadcast %parallel_loop3A_384 : f32 to vector<16xf32>
        %parallel_loop3A_386 = arith.subf %parallel_loop3A_383, %parallel_loop3A_385 : vector<16xf32>
        %parallel_loop3A_387 = arith.mulf %parallel_loop3A_386, %parallel_loop3A_349 : vector<16xf32>
        %parallel_loop3A_388 = arith.constant 0 : i32
        %parallel_loop3A_389 = arith.constant 0 : i32
        %parallel_loop3A_390 = tpu.memref_slice %arg5[%parallel_loop3A_108, %parallel_loop3A_388, %parallel_loop3A_389] : memref<2x64x256xf32, #tpu.memory_space<vmem>> -> memref<1x64x256xf32, #tpu.memory_space<vmem>>
        %parallel_loop3A_391 = tpu.memref_squeeze %parallel_loop3A_390 : memref<1x64x256xf32, #tpu.memory_space<vmem>> -> memref<64x256xf32, #tpu.memory_space<vmem>>
        %parallel_loop3A_392 = arith.index_cast %parallel_loop3A_186 : i32 to index
        %parallel_loop3A_393 = arith.constant 32 : index
        %parallel_loop3A_394 = tpu.vector_load %parallel_loop3A_391[%parallel_loop3A_392, %parallel_loop3A_393] {strides = array<i32>} : memref<64x256xf32, #tpu.memory_space<vmem>>, vector<16xf32>,
        tpu.vector_store %parallel_loop3A_391[%parallel_loop3A_392, %parallel_loop3A_393], %parallel_loop3A_387 {strides = array<i32>} : memref<64x256xf32, #tpu.memory_space<vmem>>, vector<16xf32>,
        %parallel_loop3A_395 = arith.mulf %parallel_loop3A_214, %parallel_loop3A_343 : vector<16xf32>
        %parallel_loop3A_396 = arith.constant 0x4B400000 : f32
        %parallel_loop3A_397 = vector.broadcast %parallel_loop3A_396 : f32 to vector<16xf32>
        %parallel_loop3A_398 = arith.addf %parallel_loop3A_395, %parallel_loop3A_397 : vector<16xf32>
        %parallel_loop3A_399 = arith.constant 0x4B400000 : f32
        %parallel_loop3A_400 = vector.broadcast %parallel_loop3A_399 : f32 to vector<16xf32>
        %parallel_loop3A_401 = arith.subf %parallel_loop3A_398, %parallel_loop3A_400 : vector<16xf32>
        %parallel_loop3A_402 = arith.mulf %parallel_loop3A_401, %parallel_loop3A_349 : vector<16xf32>
        %parallel_loop3A_403 = arith.constant 0 : i32
        %parallel_loop3A_404 = arith.constant 0 : i32
        %parallel_loop3A_405 = tpu.memref_slice %arg5[%parallel_loop3A_108, %parallel_loop3A_403, %parallel_loop3A_404] : memref<2x64x256xf32, #tpu.memory_space<vmem>> -> memref<1x64x256xf32, #tpu.memory_space<vmem>>
        %parallel_loop3A_406 = tpu.memref_squeeze %parallel_loop3A_405 : memref<1x64x256xf32, #tpu.memory_space<vmem>> -> memref<64x256xf32, #tpu.memory_space<vmem>>
        %parallel_loop3A_407 = arith.index_cast %parallel_loop3A_186 : i32 to index
        %parallel_loop3A_408 = arith.constant 48 : index
        %parallel_loop3A_409 = tpu.vector_load %parallel_loop3A_406[%parallel_loop3A_407, %parallel_loop3A_408] {strides = array<i32>} : memref<64x256xf32, #tpu.memory_space<vmem>>, vector<16xf32>,
        tpu.vector_store %parallel_loop3A_406[%parallel_loop3A_407, %parallel_loop3A_408], %parallel_loop3A_402 {strides = array<i32>} : memref<64x256xf32, #tpu.memory_space<vmem>>, vector<16xf32>,
        %parallel_loop3A_410 = arith.mulf %parallel_loop3A_221, %parallel_loop3A_343 : vector<16xf32>
        %parallel_loop3A_411 = arith.constant 0x4B400000 : f32
        %parallel_loop3A_412 = vector.broadcast %parallel_loop3A_411 : f32 to vector<16xf32>
        %parallel_loop3A_413 = arith.addf %parallel_loop3A_410, %parallel_loop3A_412 : vector<16xf32>
        %parallel_loop3A_414 = arith.constant 0x4B400000 : f32
        %parallel_loop3A_415 = vector.broadcast %parallel_loop3A_414 : f32 to vector<16xf32>
        %parallel_loop3A_416 = arith.subf %parallel_loop3A_413, %parallel_loop3A_415 : vector<16xf32>
        %parallel_loop3A_417 = arith.mulf %parallel_loop3A_416, %parallel_loop3A_349 : vector<16xf32>
        %parallel_loop3A_418 = arith.constant 0 : i32
        %parallel_loop3A_419 = arith.constant 0 : i32
        %parallel_loop3A_420 = tpu.memref_slice %arg5[%parallel_loop3A_108, %parallel_loop3A_418, %parallel_loop3A_419] : memref<2x64x256xf32, #tpu.memory_space<vmem>> -> memref<1x64x256xf32, #tpu.memory_space<vmem>>
        %parallel_loop3A_421 = tpu.memref_squeeze %parallel_loop3A_420 : memref<1x64x256xf32, #tpu.memory_space<vmem>> -> memref<64x256xf32, #tpu.memory_space<vmem>>
        %parallel_loop3A_422 = arith.index_cast %parallel_loop3A_186 : i32 to index
        %parallel_loop3A_423 = arith.constant 64 : index
        %parallel_loop3A_424 = tpu.vector_load %parallel_loop3A_421[%parallel_loop3A_422, %parallel_loop3A_423] {strides = array<i32>} : memref<64x256xf32, #tpu.memory_space<vmem>>, vector<16xf32>,
        tpu.vector_store %parallel_loop3A_421[%parallel_loop3A_422, %parallel_loop3A_423], %parallel_loop3A_417 {strides = array<i32>} : memref<64x256xf32, #tpu.memory_space<vmem>>, vector<16xf32>,
        %parallel_loop3A_425 = arith.mulf %parallel_loop3A_228, %parallel_loop3A_343 : vector<16xf32>
        %parallel_loop3A_426 = arith.constant 0x4B400000 : f32
        %parallel_loop3A_427 = vector.broadcast %parallel_loop3A_426 : f32 to vector<16xf32>
        %parallel_loop3A_428 = arith.addf %parallel_loop3A_425, %parallel_loop3A_427 : vector<16xf32>
        %parallel_loop3A_429 = arith.constant 0x4B400000 : f32
        %parallel_loop3A_430 = vector.broadcast %parallel_loop3A_429 : f32 to vector<16xf32>
        %parallel_loop3A_431 = arith.subf %parallel_loop3A_428, %parallel_loop3A_430 : vector<16xf32>
        %parallel_loop3A_432 = arith.mulf %parallel_loop3A_431, %parallel_loop3A_349 : vector<16xf32>
        %parallel_loop3A_433 = arith.constant 0 : i32
        %parallel_loop3A_434 = arith.constant 0 : i32
        %parallel_loop3A_435 = tpu.memref_slice %arg5[%parallel_loop3A_108, %parallel_loop3A_433, %parallel_loop3A_434] : memref<2x64x256xf32, #tpu.memory_space<vmem>> -> memref<1x64x256xf32, #tpu.memory_space<vmem>>
        %parallel_loop3A_436 = tpu.memref_squeeze %parallel_loop3A_435 : memref<1x64x256xf32, #tpu.memory_space<vmem>> -> memref<64x256xf32, #tpu.memory_space<vmem>>
        %parallel_loop3A_437 = arith.index_cast %parallel_loop3A_186 : i32 to index
        %parallel_loop3A_438 = arith.constant 80 : index
        %parallel_loop3A_439 = tpu.vector_load %parallel_loop3A_436[%parallel_loop3A_437, %parallel_loop3A_438] {strides = array<i32>} : memref<64x256xf32, #tpu.memory_space<vmem>>, vector<16xf32>,
        tpu.vector_store %parallel_loop3A_436[%parallel_loop3A_437, %parallel_loop3A_438], %parallel_loop3A_432 {strides = array<i32>} : memref<64x256xf32, #tpu.memory_space<vmem>>, vector<16xf32>,
        %parallel_loop3A_440 = arith.mulf %parallel_loop3A_235, %parallel_loop3A_343 : vector<16xf32>
        %parallel_loop3A_441 = arith.constant 0x4B400000 : f32
        %parallel_loop3A_442 = vector.broadcast %parallel_loop3A_441 : f32 to vector<16xf32>
        %parallel_loop3A_443 = arith.addf %parallel_loop3A_440, %parallel_loop3A_442 : vector<16xf32>
        %parallel_loop3A_444 = arith.constant 0x4B400000 : f32
        %parallel_loop3A_445 = vector.broadcast %parallel_loop3A_444 : f32 to vector<16xf32>
        %parallel_loop3A_446 = arith.subf %parallel_loop3A_443, %parallel_loop3A_445 : vector<16xf32>
        %parallel_loop3A_447 = arith.mulf %parallel_loop3A_446, %parallel_loop3A_349 : vector<16xf32>
        %parallel_loop3A_448 = arith.constant 0 : i32
        %parallel_loop3A_449 = arith.constant 0 : i32
        %parallel_loop3A_450 = tpu.memref_slice %arg5[%parallel_loop3A_108, %parallel_loop3A_448, %parallel_loop3A_449] : memref<2x64x256xf32, #tpu.memory_space<vmem>> -> memref<1x64x256xf32, #tpu.memory_space<vmem>>
        %parallel_loop3A_451 = tpu.memref_squeeze %parallel_loop3A_450 : memref<1x64x256xf32, #tpu.memory_space<vmem>> -> memref<64x256xf32, #tpu.memory_space<vmem>>
        %parallel_loop3A_452 = arith.index_cast %parallel_loop3A_186 : i32 to index
        %parallel_loop3A_453 = arith.constant 96 : index
        %parallel_loop3A_454 = tpu.vector_load %parallel_loop3A_451[%parallel_loop3A_452, %parallel_loop3A_453] {strides = array<i32>} : memref<64x256xf32, #tpu.memory_space<vmem>>, vector<16xf32>,
        tpu.vector_store %parallel_loop3A_451[%parallel_loop3A_452, %parallel_loop3A_453], %parallel_loop3A_447 {strides = array<i32>} : memref<64x256xf32, #tpu.memory_space<vmem>>, vector<16xf32>,
        %parallel_loop3A_455 = arith.mulf %parallel_loop3A_242, %parallel_loop3A_343 : vector<16xf32>
        %parallel_loop3A_456 = arith.constant 0x4B400000 : f32
        %parallel_loop3A_457 = vector.broadcast %parallel_loop3A_456 : f32 to vector<16xf32>
        %parallel_loop3A_458 = arith.addf %parallel_loop3A_455, %parallel_loop3A_457 : vector<16xf32>
        %parallel_loop3A_459 = arith.constant 0x4B400000 : f32
        %parallel_loop3A_460 = vector.broadcast %parallel_loop3A_459 : f32 to vector<16xf32>
        %parallel_loop3A_461 = arith.subf %parallel_loop3A_458, %parallel_loop3A_460 : vector<16xf32>
        %parallel_loop3A_462 = arith.mulf %parallel_loop3A_461, %parallel_loop3A_349 : vector<16xf32>
        %parallel_loop3A_463 = arith.constant 0 : i32
        %parallel_loop3A_464 = arith.constant 0 : i32
        %parallel_loop3A_465 = tpu.memref_slice %arg5[%parallel_loop3A_108, %parallel_loop3A_463, %parallel_loop3A_464] : memref<2x64x256xf32, #tpu.memory_space<vmem>> -> memref<1x64x256xf32, #tpu.memory_space<vmem>>
        %parallel_loop3A_466 = tpu.memref_squeeze %parallel_loop3A_465 : memref<1x64x256xf32, #tpu.memory_space<vmem>> -> memref<64x256xf32, #tpu.memory_space<vmem>>
        %parallel_loop3A_467 = arith.index_cast %parallel_loop3A_186 : i32 to index
        %parallel_loop3A_468 = arith.constant 112 : index
        %parallel_loop3A_469 = tpu.vector_load %parallel_loop3A_466[%parallel_loop3A_467, %parallel_loop3A_468] {strides = array<i32>} : memref<64x256xf32, #tpu.memory_space<vmem>>, vector<16xf32>,
        tpu.vector_store %parallel_loop3A_466[%parallel_loop3A_467, %parallel_loop3A_468], %parallel_loop3A_462 {strides = array<i32>} : memref<64x256xf32, #tpu.memory_space<vmem>>, vector<16xf32>,
        %parallel_loop3A_470 = arith.mulf %parallel_loop3A_249, %parallel_loop3A_343 : vector<16xf32>
        %parallel_loop3A_471 = arith.constant 0x4B400000 : f32
        %parallel_loop3A_472 = vector.broadcast %parallel_loop3A_471 : f32 to vector<16xf32>
        %parallel_loop3A_473 = arith.addf %parallel_loop3A_470, %parallel_loop3A_472 : vector<16xf32>
        %parallel_loop3A_474 = arith.constant 0x4B400000 : f32
        %parallel_loop3A_475 = vector.broadcast %parallel_loop3A_474 : f32 to vector<16xf32>
        %parallel_loop3A_476 = arith.subf %parallel_loop3A_473, %parallel_loop3A_475 : vector<16xf32>
        %parallel_loop3A_477 = arith.mulf %parallel_loop3A_476, %parallel_loop3A_349 : vector<16xf32>
        %parallel_loop3A_478 = arith.constant 0 : i32
        %parallel_loop3A_479 = arith.constant 0 : i32
        %parallel_loop3A_480 = tpu.memref_slice %arg5[%parallel_loop3A_108, %parallel_loop3A_478, %parallel_loop3A_479] : memref<2x64x256xf32, #tpu.memory_space<vmem>> -> memref<1x64x256xf32, #tpu.memory_space<vmem>>
        %parallel_loop3A_481 = tpu.memref_squeeze %parallel_loop3A_480 : memref<1x64x256xf32, #tpu.memory_space<vmem>> -> memref<64x256xf32, #tpu.memory_space<vmem>>
        %parallel_loop3A_482 = arith.index_cast %parallel_loop3A_186 : i32 to index
        %parallel_loop3A_483 = arith.constant 128 : index
        %parallel_loop3A_484 = tpu.vector_load %parallel_loop3A_481[%parallel_loop3A_482, %parallel_loop3A_483] {strides = array<i32>} : memref<64x256xf32, #tpu.memory_space<vmem>>, vector<16xf32>,
        tpu.vector_store %parallel_loop3A_481[%parallel_loop3A_482, %parallel_loop3A_483], %parallel_loop3A_477 {strides = array<i32>} : memref<64x256xf32, #tpu.memory_space<vmem>>, vector<16xf32>,
        %parallel_loop3A_485 = arith.mulf %parallel_loop3A_256, %parallel_loop3A_343 : vector<16xf32>
        %parallel_loop3A_486 = arith.constant 0x4B400000 : f32
        %parallel_loop3A_487 = vector.broadcast %parallel_loop3A_486 : f32 to vector<16xf32>
        %parallel_loop3A_488 = arith.addf %parallel_loop3A_485, %parallel_loop3A_487 : vector<16xf32>
        %parallel_loop3A_489 = arith.constant 0x4B400000 : f32
        %parallel_loop3A_490 = vector.broadcast %parallel_loop3A_489 : f32 to vector<16xf32>
        %parallel_loop3A_491 = arith.subf %parallel_loop3A_488, %parallel_loop3A_490 : vector<16xf32>
        %parallel_loop3A_492 = arith.mulf %parallel_loop3A_491, %parallel_loop3A_349 : vector<16xf32>
        %parallel_loop3A_493 = arith.constant 0 : i32
        %parallel_loop3A_494 = arith.constant 0 : i32
        %parallel_loop3A_495 = tpu.memref_slice %arg5[%parallel_loop3A_108, %parallel_loop3A_493, %parallel_loop3A_494] : memref<2x64x256xf32, #tpu.memory_space<vmem>> -> memref<1x64x256xf32, #tpu.memory_space<vmem>>
        %parallel_loop3A_496 = tpu.memref_squeeze %parallel_loop3A_495 : memref<1x64x256xf32, #tpu.memory_space<vmem>> -> memref<64x256xf32, #tpu.memory_space<vmem>>
        %parallel_loop3A_497 = arith.index_cast %parallel_loop3A_186 : i32 to index
        %parallel_loop3A_498 = arith.constant 144 : index
        %parallel_loop3A_499 = tpu.vector_load %parallel_loop3A_496[%parallel_loop3A_497, %parallel_loop3A_498] {strides = array<i32>} : memref<64x256xf32, #tpu.memory_space<vmem>>, vector<16xf32>,
        tpu.vector_store %parallel_loop3A_496[%parallel_loop3A_497, %parallel_loop3A_498], %parallel_loop3A_492 {strides = array<i32>} : memref<64x256xf32, #tpu.memory_space<vmem>>, vector<16xf32>,
        %parallel_loop3A_500 = arith.mulf %parallel_loop3A_263, %parallel_loop3A_343 : vector<16xf32>
        %parallel_loop3A_501 = arith.constant 0x4B400000 : f32
        %parallel_loop3A_502 = vector.broadcast %parallel_loop3A_501 : f32 to vector<16xf32>
        %parallel_loop3A_503 = arith.addf %parallel_loop3A_500, %parallel_loop3A_502 : vector<16xf32>
        %parallel_loop3A_504 = arith.constant 0x4B400000 : f32
        %parallel_loop3A_505 = vector.broadcast %parallel_loop3A_504 : f32 to vector<16xf32>
        %parallel_loop3A_506 = arith.subf %parallel_loop3A_503, %parallel_loop3A_505 : vector<16xf32>
        %parallel_loop3A_507 = arith.mulf %parallel_loop3A_506, %parallel_loop3A_349 : vector<16xf32>
        %parallel_loop3A_508 = arith.constant 0 : i32
        %parallel_loop3A_509 = arith.constant 0 : i32
        %parallel_loop3A_510 = tpu.memref_slice %arg5[%parallel_loop3A_108, %parallel_loop3A_508, %parallel_loop3A_509] : memref<2x64x256xf32, #tpu.memory_space<vmem>> -> memref<1x64x256xf32, #tpu.memory_space<vmem>>
        %parallel_loop3A_511 = tpu.memref_squeeze %parallel_loop3A_510 : memref<1x64x256xf32, #tpu.memory_space<vmem>> -> memref<64x256xf32, #tpu.memory_space<vmem>>
        %parallel_loop3A_512 = arith.index_cast %parallel_loop3A_186 : i32 to index
        %parallel_loop3A_513 = arith.constant 160 : index
        %parallel_loop3A_514 = tpu.vector_load %parallel_loop3A_511[%parallel_loop3A_512, %parallel_loop3A_513] {strides = array<i32>} : memref<64x256xf32, #tpu.memory_space<vmem>>, vector<16xf32>,
        tpu.vector_store %parallel_loop3A_511[%parallel_loop3A_512, %parallel_loop3A_513], %parallel_loop3A_507 {strides = array<i32>} : memref<64x256xf32, #tpu.memory_space<vmem>>, vector<16xf32>,
        %parallel_loop3A_515 = arith.mulf %parallel_loop3A_270, %parallel_loop3A_343 : vector<16xf32>
        %parallel_loop3A_516 = arith.constant 0x4B400000 : f32
        %parallel_loop3A_517 = vector.broadcast %parallel_loop3A_516 : f32 to vector<16xf32>
        %parallel_loop3A_518 = arith.addf %parallel_loop3A_515, %parallel_loop3A_517 : vector<16xf32>
        %parallel_loop3A_519 = arith.constant 0x4B400000 : f32
        %parallel_loop3A_520 = vector.broadcast %parallel_loop3A_519 : f32 to vector<16xf32>
        %parallel_loop3A_521 = arith.subf %parallel_loop3A_518, %parallel_loop3A_520 : vector<16xf32>
        %parallel_loop3A_522 = arith.mulf %parallel_loop3A_521, %parallel_loop3A_349 : vector<16xf32>
        %parallel_loop3A_523 = arith.constant 0 : i32
        %parallel_loop3A_524 = arith.constant 0 : i32
        %parallel_loop3A_525 = tpu.memref_slice %arg5[%parallel_loop3A_108, %parallel_loop3A_523, %parallel_loop3A_524] : memref<2x64x256xf32, #tpu.memory_space<vmem>> -> memref<1x64x256xf32, #tpu.memory_space<vmem>>
        %parallel_loop3A_526 = tpu.memref_squeeze %parallel_loop3A_525 : memref<1x64x256xf32, #tpu.memory_space<vmem>> -> memref<64x256xf32, #tpu.memory_space<vmem>>
        %parallel_loop3A_527 = arith.index_cast %parallel_loop3A_186 : i32 to index
        %parallel_loop3A_528 = arith.constant 176 : index
        %parallel_loop3A_529 = tpu.vector_load %parallel_loop3A_526[%parallel_loop3A_527, %parallel_loop3A_528] {strides = array<i32>} : memref<64x256xf32, #tpu.memory_space<vmem>>, vector<16xf32>,
        tpu.vector_store %parallel_loop3A_526[%parallel_loop3A_527, %parallel_loop3A_528], %parallel_loop3A_522 {strides = array<i32>} : memref<64x256xf32, #tpu.memory_space<vmem>>, vector<16xf32>,
        %parallel_loop3A_530 = arith.mulf %parallel_loop3A_277, %parallel_loop3A_343 : vector<16xf32>
        %parallel_loop3A_531 = arith.constant 0x4B400000 : f32
        %parallel_loop3A_532 = vector.broadcast %parallel_loop3A_531 : f32 to vector<16xf32>
        %parallel_loop3A_533 = arith.addf %parallel_loop3A_530, %parallel_loop3A_532 : vector<16xf32>
        %parallel_loop3A_534 = arith.constant 0x4B400000 : f32
        %parallel_loop3A_535 = vector.broadcast %parallel_loop3A_534 : f32 to vector<16xf32>
        %parallel_loop3A_536 = arith.subf %parallel_loop3A_533, %parallel_loop3A_535 : vector<16xf32>
        %parallel_loop3A_537 = arith.mulf %parallel_loop3A_536, %parallel_loop3A_349 : vector<16xf32>
        %parallel_loop3A_538 = arith.constant 0 : i32
        %parallel_loop3A_539 = arith.constant 0 : i32
        %parallel_loop3A_540 = tpu.memref_slice %arg5[%parallel_loop3A_108, %parallel_loop3A_538, %parallel_loop3A_539] : memref<2x64x256xf32, #tpu.memory_space<vmem>> -> memref<1x64x256xf32, #tpu.memory_space<vmem>>
        %parallel_loop3A_541 = tpu.memref_squeeze %parallel_loop3A_540 : memref<1x64x256xf32, #tpu.memory_space<vmem>> -> memref<64x256xf32, #tpu.memory_space<vmem>>
        %parallel_loop3A_542 = arith.index_cast %parallel_loop3A_186 : i32 to index
        %parallel_loop3A_543 = arith.constant 192 : index
        %parallel_loop3A_544 = tpu.vector_load %parallel_loop3A_541[%parallel_loop3A_542, %parallel_loop3A_543] {strides = array<i32>} : memref<64x256xf32, #tpu.memory_space<vmem>>, vector<16xf32>,
        tpu.vector_store %parallel_loop3A_541[%parallel_loop3A_542, %parallel_loop3A_543], %parallel_loop3A_537 {strides = array<i32>} : memref<64x256xf32, #tpu.memory_space<vmem>>, vector<16xf32>,
        %parallel_loop3A_545 = arith.mulf %parallel_loop3A_284, %parallel_loop3A_343 : vector<16xf32>
        %parallel_loop3A_546 = arith.constant 0x4B400000 : f32
        %parallel_loop3A_547 = vector.broadcast %parallel_loop3A_546 : f32 to vector<16xf32>
        %parallel_loop3A_548 = arith.addf %parallel_loop3A_545, %parallel_loop3A_547 : vector<16xf32>
        %parallel_loop3A_549 = arith.constant 0x4B400000 : f32
        %parallel_loop3A_550 = vector.broadcast %parallel_loop3A_549 : f32 to vector<16xf32>
        %parallel_loop3A_551 = arith.subf %parallel_loop3A_548, %parallel_loop3A_550 : vector<16xf32>
        %parallel_loop3A_552 = arith.mulf %parallel_loop3A_551, %parallel_loop3A_349 : vector<16xf32>
        %parallel_loop3A_553 = arith.constant 0 : i32
        %parallel_loop3A_554 = arith.constant 0 : i32
        %parallel_loop3A_555 = tpu.memref_slice %arg5[%parallel_loop3A_108, %parallel_loop3A_553, %parallel_loop3A_554] : memref<2x64x256xf32, #tpu.memory_space<vmem>> -> memref<1x64x256xf32, #tpu.memory_space<vmem>>
        %parallel_loop3A_556 = tpu.memref_squeeze %parallel_loop3A_555 : memref<1x64x256xf32, #tpu.memory_space<vmem>> -> memref<64x256xf32, #tpu.memory_space<vmem>>
        %parallel_loop3A_557 = arith.index_cast %parallel_loop3A_186 : i32 to index
        %parallel_loop3A_558 = arith.constant 208 : index
        %parallel_loop3A_559 = tpu.vector_load %parallel_loop3A_556[%parallel_loop3A_557, %parallel_loop3A_558] {strides = array<i32>} : memref<64x256xf32, #tpu.memory_space<vmem>>, vector<16xf32>,
        tpu.vector_store %parallel_loop3A_556[%parallel_loop3A_557, %parallel_loop3A_558], %parallel_loop3A_552 {strides = array<i32>} : memref<64x256xf32, #tpu.memory_space<vmem>>, vector<16xf32>,
        %parallel_loop3A_560 = arith.mulf %parallel_loop3A_291, %parallel_loop3A_343 : vector<16xf32>
        %parallel_loop3A_561 = arith.constant 0x4B400000 : f32
        %parallel_loop3A_562 = vector.broadcast %parallel_loop3A_561 : f32 to vector<16xf32>
        %parallel_loop3A_563 = arith.addf %parallel_loop3A_560, %parallel_loop3A_562 : vector<16xf32>
        %parallel_loop3A_564 = arith.constant 0x4B400000 : f32
        %parallel_loop3A_565 = vector.broadcast %parallel_loop3A_564 : f32 to vector<16xf32>
        %parallel_loop3A_566 = arith.subf %parallel_loop3A_563, %parallel_loop3A_565 : vector<16xf32>
        %parallel_loop3A_567 = arith.mulf %parallel_loop3A_566, %parallel_loop3A_349 : vector<16xf32>
        %parallel_loop3A_568 = arith.constant 0 : i32
        %parallel_loop3A_569 = arith.constant 0 : i32
        %parallel_loop3A_570 = tpu.memref_slice %arg5[%parallel_loop3A_108, %parallel_loop3A_568, %parallel_loop3A_569] : memref<2x64x256xf32, #tpu.memory_space<vmem>> -> memref<1x64x256xf32, #tpu.memory_space<vmem>>
        %parallel_loop3A_571 = tpu.memref_squeeze %parallel_loop3A_570 : memref<1x64x256xf32, #tpu.memory_space<vmem>> -> memref<64x256xf32, #tpu.memory_space<vmem>>
        %parallel_loop3A_572 = arith.index_cast %parallel_loop3A_186 : i32 to index
        %parallel_loop3A_573 = arith.constant 224 : index
        %parallel_loop3A_574 = tpu.vector_load %parallel_loop3A_571[%parallel_loop3A_572, %parallel_loop3A_573] {strides = array<i32>} : memref<64x256xf32, #tpu.memory_space<vmem>>, vector<16xf32>,
        tpu.vector_store %parallel_loop3A_571[%parallel_loop3A_572, %parallel_loop3A_573], %parallel_loop3A_567 {strides = array<i32>} : memref<64x256xf32, #tpu.memory_space<vmem>>, vector<16xf32>,
        %parallel_loop3A_575 = arith.mulf %parallel_loop3A_298, %parallel_loop3A_343 : vector<16xf32>
        %parallel_loop3A_576 = arith.constant 0x4B400000 : f32
        %parallel_loop3A_577 = vector.broadcast %parallel_loop3A_576 : f32 to vector<16xf32>
        %parallel_loop3A_578 = arith.addf %parallel_loop3A_575, %parallel_loop3A_577 : vector<16xf32>
        %parallel_loop3A_579 = arith.constant 0x4B400000 : f32
        %parallel_loop3A_580 = vector.broadcast %parallel_loop3A_579 : f32 to vector<16xf32>
        %parallel_loop3A_581 = arith.subf %parallel_loop3A_578, %parallel_loop3A_580 : vector<16xf32>
        %parallel_loop3A_582 = arith.mulf %parallel_loop3A_581, %parallel_loop3A_349 : vector<16xf32>
        %parallel_loop3A_583 = arith.constant 0 : i32
        %parallel_loop3A_584 = arith.constant 0 : i32
        %parallel_loop3A_585 = tpu.memref_slice %arg5[%parallel_loop3A_108, %parallel_loop3A_583, %parallel_loop3A_584] : memref<2x64x256xf32, #tpu.memory_space<vmem>> -> memref<1x64x256xf32, #tpu.memory_space<vmem>>
        %parallel_loop3A_586 = tpu.memref_squeeze %parallel_loop3A_585 : memref<1x64x256xf32, #tpu.memory_space<vmem>> -> memref<64x256xf32, #tpu.memory_space<vmem>>
        %parallel_loop3A_587 = arith.index_cast %parallel_loop3A_186 : i32 to index
        %parallel_loop3A_588 = arith.constant 240 : index
        %parallel_loop3A_589 = tpu.vector_load %parallel_loop3A_586[%parallel_loop3A_587, %parallel_loop3A_588] {strides = array<i32>} : memref<64x256xf32, #tpu.memory_space<vmem>>, vector<16xf32>,
        tpu.vector_store %parallel_loop3A_586[%parallel_loop3A_587, %parallel_loop3A_588], %parallel_loop3A_582 {strides = array<i32>} : memref<64x256xf32, #tpu.memory_space<vmem>>, vector<16xf32>,
      } {sc.loop_unroll_factor = 8 : i64, sc.parallel_access}
      %mul3A_109 = arith.constant 64 : i32
      %mul3A_110 = arith.muli %mul3A_62, %mul3A_109 : i32
      %add3A_111 = arith.addi %mul3A_2, %mul3A_110 : i32
      %dma_start3A_112 = arith.constant 0 : i32
      %dma_start3A_113 = arith.constant 0 : i32
      %dma_start3A_114 = arith.constant 0 : i32
      %dma_start3A_115 = arith.constant 0 : i32
      %dma_start3A_116 = tpu.memref_slice %arg5[%dma_start3A_112, %dma_start3A_114, %dma_start3A_115] : memref<2x64x256xf32, #tpu.memory_space<vmem>> -> memref<1x64x256xf32, #tpu.memory_space<vmem>>
      %dma_start3A_117 = tpu.memref_squeeze %dma_start3A_116 : memref<1x64x256xf32, #tpu.memory_space<vmem>> -> memref<64x256xf32, #tpu.memory_space<vmem>>
      %dma_start3A_118 = arith.constant 0 : i32
      %dma_start3A_119 = tpu.memref_slice %arg3[%add3A_111, %dma_start3A_118] : memref<65536x256xf32, #tpu.memory_space<hbm>> -> memref<64x256xf32, #tpu.memory_space<hbm>>
      %dma_start3A_120 = tpu.memref_slice %arg7[%dma_start3A_113] : memref<2x!tpu.dma_semaphore, #tpu.memory_space<semaphore_mem>> -> memref<1x!tpu.dma_semaphore, #tpu.memory_space<semaphore_mem>>
      %dma_start3A_121 = tpu.memref_squeeze %dma_start3A_120 : memref<1x!tpu.dma_semaphore, #tpu.memory_space<semaphore_mem>> -> memref<!tpu.dma_semaphore, #tpu.memory_space<semaphore_mem>>
      %dma_start3A_122 = arith.constant 0 : i32
      %dma_start3A_123 = tpu.memref_slice %arg3[%add3A_111, %dma_start3A_122] : memref<65536x256xf32, #tpu.memory_space<hbm>> -> memref<64x256xf32, #tpu.memory_space<hbm>>
      %dma_start3A_124 = arith.constant 0 : i32
      %dma_start3A_125 = arith.constant 0 : i32
      %dma_start3A_126 = tpu.memref_slice %arg5[%dma_start3A_112, %dma_start3A_124, %dma_start3A_125] : memref<2x64x256xf32, #tpu.memory_space<vmem>> -> memref<1x64x256xf32, #tpu.memory_space<vmem>>
      %dma_start3A_127 = tpu.memref_squeeze %dma_start3A_126 : memref<1x64x256xf32, #tpu.memory_space<vmem>> -> memref<64x256xf32, #tpu.memory_space<vmem>>
      tpu.enqueue_dma source(%dma_start3A_127 : memref<64x256xf32, #tpu.memory_space<vmem>>) target(%dma_start3A_123 : memref<64x256xf32, #tpu.memory_space<hbm>>) target_semaphore(%dma_start3A_121 : memref<!tpu.dma_semaphore, #tpu.memory_space<semaphore_mem>>)
      %add3A_128 = arith.constant 2 : i32
      %add3A_129 = arith.addi %mul3A_62, %add3A_128 : i32
      %lt3A = arith.constant 32 : i32
      %lt3A_130 = arith.cmpi slt, %add3A_129, %lt3A : i32
      %convert_element_type3A_131 = arith.extui %lt3A_130 : i1 to i32
      %cond3A_132 = arith.constant 0 : i32
      %cond3A_133 = arith.cmpi ne, %convert_element_type3A_131, %cond3A_132 : i32
      scf.if %cond3A_133 {
        %add3A_186 = arith.constant 2 : i32
        %add3A_187 = arith.addi %mul3A_62, %add3A_186 : i32
        %mul3A_188 = arith.constant 64 : i32
        %mul3A_189 = arith.muli %add3A_187, %mul3A_188 : i32
        %add3A_190 = arith.addi %mul3A_2, %mul3A_189 : i32
        %dma_start3A_191 = arith.constant 0 : i32
        %dma_start3A_192 = arith.constant 0 : i32
        %dma_start3A_193 = arith.constant 0 : i32
        %dma_start3A_194 = arith.constant 0 : i32
        %dma_start3A_195 = tpu.memref_slice %arg4[%dma_start3A_191, %dma_start3A_193, %dma_start3A_194] : memref<2x64x256xf32, #tpu.memory_space<vmem>> -> memref<1x64x256xf32, #tpu.memory_space<vmem>>
        %dma_start3A_196 = tpu.memref_squeeze %dma_start3A_195 : memref<1x64x256xf32, #tpu.memory_space<vmem>> -> memref<64x256xf32, #tpu.memory_space<vmem>>
        %dma_start3A_197 = arith.constant 0 : i32
        %dma_start3A_198 = tpu.memref_slice %arg2[%add3A_190, %dma_start3A_197] : memref<65536x256xf32, #tpu.memory_space<hbm>> -> memref<64x256xf32, #tpu.memory_space<hbm>>
        %dma_start3A_199 = tpu.memref_slice %arg6[%dma_start3A_192] : memref<2x!tpu.dma_semaphore, #tpu.memory_space<semaphore_mem>> -> memref<1x!tpu.dma_semaphore, #tpu.memory_space<semaphore_mem>>
        %dma_start3A_200 = tpu.memref_squeeze %dma_start3A_199 : memref<1x!tpu.dma_semaphore, #tpu.memory_space<semaphore_mem>> -> memref<!tpu.dma_semaphore, #tpu.memory_space<semaphore_mem>>
        %dma_start3A_201 = arith.constant 0 : i32
        %dma_start3A_202 = arith.constant 0 : i32
        %dma_start3A_203 = tpu.memref_slice %arg4[%dma_start3A_191, %dma_start3A_201, %dma_start3A_202] : memref<2x64x256xf32, #tpu.memory_space<vmem>> -> memref<1x64x256xf32, #tpu.memory_space<vmem>>
        %dma_start3A_204 = tpu.memref_squeeze %dma_start3A_203 : memref<1x64x256xf32, #tpu.memory_space<vmem>> -> memref<64x256xf32, #tpu.memory_space<vmem>>
        %dma_start3A_205 = arith.constant 0 : i32
        %dma_start3A_206 = tpu.memref_slice %arg2[%add3A_190, %dma_start3A_205] : memref<65536x256xf32, #tpu.memory_space<hbm>> -> memref<64x256xf32, #tpu.memory_space<hbm>>
        tpu.enqueue_dma source(%dma_start3A_206 : memref<64x256xf32, #tpu.memory_space<hbm>>) target(%dma_start3A_204 : memref<64x256xf32, #tpu.memory_space<vmem>>) target_semaphore(%dma_start3A_200 : memref<!tpu.dma_semaphore, #tpu.memory_space<semaphore_mem>>)
      } else {
      }
      %add3A_134 = arith.constant 1 : i32
      %add3A_135 = arith.addi %mul3A_62, %add3A_134 : i32
      %mul3A_136 = arith.constant 64 : i32
      %mul3A_137 = arith.muli %add3A_135, %mul3A_136 : i32
      %add3A_138 = arith.addi %mul3A_2, %mul3A_137 : i32
      %dma_wait3A_139 = arith.constant 1 : i32
      %dma_wait3A_140 = arith.constant 1 : i32
      %dma_wait3A_141 = arith.constant 0 : i32
      %dma_wait3A_142 = arith.constant 0 : i32
      %dma_wait3A_143 = tpu.memref_slice %arg4[%dma_wait3A_139, %dma_wait3A_141, %dma_wait3A_142] : memref<2x64x256xf32, #tpu.memory_space<vmem>> -> memref<1x64x256xf32, #tpu.memory_space<vmem>>
      %dma_wait3A_144 = tpu.memref_squeeze %dma_wait3A_143 : memref<1x64x256xf32, #tpu.memory_space<vmem>> -> memref<64x256xf32, #tpu.memory_space<vmem>>
      %dma_wait3A_145 = arith.constant 0 : i32
      %dma_wait3A_146 = tpu.memref_slice %arg2[%add3A_138, %dma_wait3A_145] : memref<65536x256xf32, #tpu.memory_space<hbm>> -> memref<64x256xf32, #tpu.memory_space<hbm>>
      %dma_wait3A_147 = tpu.memref_slice %arg6[%dma_wait3A_140] : memref<2x!tpu.dma_semaphore, #tpu.memory_space<semaphore_mem>> -> memref<1x!tpu.dma_semaphore, #tpu.memory_space<semaphore_mem>>
      %dma_wait3A_148 = tpu.memref_squeeze %dma_wait3A_147 : memref<1x!tpu.dma_semaphore, #tpu.memory_space<semaphore_mem>> -> memref<!tpu.dma_semaphore, #tpu.memory_space<semaphore_mem>>
      %dma_wait3A_149 = arith.constant 0 : i32
      %dma_wait3A_150 = arith.constant 0 : i32
      %dma_wait3A_151 = tpu.memref_slice %arg4[%dma_wait3A_139, %dma_wait3A_149, %dma_wait3A_150] : memref<2x64x256xf32, #tpu.memory_space<vmem>> -> memref<1x64x256xf32, #tpu.memory_space<vmem>>
      %dma_wait3A_152 = tpu.memref_squeeze %dma_wait3A_151 : memref<1x64x256xf32, #tpu.memory_space<vmem>> -> memref<64x256xf32, #tpu.memory_space<vmem>>
      %dma_wait3A_153 = arith.constant 0 : i32
      %dma_wait3A_154 = tpu.memref_slice %arg2[%add3A_138, %dma_wait3A_153] : memref<65536x256xf32, #tpu.memory_space<hbm>> -> memref<64x256xf32, #tpu.memory_space<hbm>>
      tpu.wait_dma2 semaphore(%dma_wait3A_148 : memref<!tpu.dma_semaphore, #tpu.memory_space<semaphore_mem>>) src(%dma_wait3A_154 : memref<64x256xf32, #tpu.memory_space<hbm>>) dst(%dma_wait3A_152 : memref<64x256xf32, #tpu.memory_space<vmem>>)
      %gt3A_155 = arith.constant 0 : i32
      %gt3A_156 = arith.cmpi sgt, %scan3A_60, %gt3A_155 : i32
      %convert_element_type3A_157 = arith.extui %gt3A_156 : i1 to i32
      %cond3A_158 = arith.constant 0 : i32
      %cond3A_159 = arith.cmpi ne, %convert_element_type3A_157, %cond3A_158 : i32
      scf.if %cond3A_159 {
        %add3A_186 = arith.constant 1 : i32
        %add3A_187 = arith.addi %mul3A_62, %add3A_186 : i32
        %mul3A_188 = arith.constant 64 : i32
        %mul3A_189 = arith.muli %add3A_187, %mul3A_188 : i32
        %add3A_190 = arith.addi %mul3A_2, %mul3A_189 : i32
        %dma_wait3A_191 = arith.constant 1 : i32
        %dma_wait3A_192 = arith.constant 1 : i32
        %dma_wait3A_193 = arith.constant 0 : i32
        %dma_wait3A_194 = arith.constant 0 : i32
        %dma_wait3A_195 = tpu.memref_slice %arg5[%dma_wait3A_191, %dma_wait3A_193, %dma_wait3A_194] : memref<2x64x256xf32, #tpu.memory_space<vmem>> -> memref<1x64x256xf32, #tpu.memory_space<vmem>>
        %dma_wait3A_196 = tpu.memref_squeeze %dma_wait3A_195 : memref<1x64x256xf32, #tpu.memory_space<vmem>> -> memref<64x256xf32, #tpu.memory_space<vmem>>
        %dma_wait3A_197 = arith.constant 0 : i32
        %dma_wait3A_198 = tpu.memref_slice %arg3[%add3A_190, %dma_wait3A_197] : memref<65536x256xf32, #tpu.memory_space<hbm>> -> memref<64x256xf32, #tpu.memory_space<hbm>>
        %dma_wait3A_199 = tpu.memref_slice %arg7[%dma_wait3A_192] : memref<2x!tpu.dma_semaphore, #tpu.memory_space<semaphore_mem>> -> memref<1x!tpu.dma_semaphore, #tpu.memory_space<semaphore_mem>>
        %dma_wait3A_200 = tpu.memref_squeeze %dma_wait3A_199 : memref<1x!tpu.dma_semaphore, #tpu.memory_space<semaphore_mem>> -> memref<!tpu.dma_semaphore, #tpu.memory_space<semaphore_mem>>
        %dma_wait3A_201 = arith.constant 0 : i32
        %dma_wait3A_202 = tpu.memref_slice %arg3[%add3A_190, %dma_wait3A_201] : memref<65536x256xf32, #tpu.memory_space<hbm>> -> memref<64x256xf32, #tpu.memory_space<hbm>>
        %dma_wait3A_203 = arith.constant 0 : i32
        %dma_wait3A_204 = arith.constant 0 : i32
        %dma_wait3A_205 = tpu.memref_slice %arg5[%dma_wait3A_191, %dma_wait3A_203, %dma_wait3A_204] : memref<2x64x256xf32, #tpu.memory_space<vmem>> -> memref<1x64x256xf32, #tpu.memory_space<vmem>>
        %dma_wait3A_206 = tpu.memref_squeeze %dma_wait3A_205 : memref<1x64x256xf32, #tpu.memory_space<vmem>> -> memref<64x256xf32, #tpu.memory_space<vmem>>
        tpu.wait_dma2 semaphore(%dma_wait3A_200 : memref<!tpu.dma_semaphore, #tpu.memory_space<semaphore_mem>>) src(%dma_wait3A_206 : memref<64x256xf32, #tpu.memory_space<vmem>>) dst(%dma_wait3A_202 : memref<64x256xf32, #tpu.memory_space<hbm>>)
      } else {
      }
      %parallel_loop3A_160 = arith.constant 0 : i32
      %parallel_loop3A_161 = arith.constant 64 : i32
      %parallel_loop3A_162 = arith.constant 1 : i32
      %parallel_loop3A_163 = arith.constant 1 : i32
      %parallel_loop3A_164 = arith.constant 1 : i32
      scf.for %parallel_loop3A_186 = %parallel_loop3A_160 to %parallel_loop3A_161 step %parallel_loop3A_162  : i32 {
        %parallel_loop3A_187 = arith.constant 0 : i32
        %parallel_loop3A_188 = arith.constant 0 : i32
        %parallel_loop3A_189 = tpu.memref_slice %arg4[%parallel_loop3A_163, %parallel_loop3A_187, %parallel_loop3A_188] : memref<2x64x256xf32, #tpu.memory_space<vmem>> -> memref<1x64x256xf32, #tpu.memory_space<vmem>>
        %parallel_loop3A_190 = tpu.memref_squeeze %parallel_loop3A_189 : memref<1x64x256xf32, #tpu.memory_space<vmem>> -> memref<64x256xf32, #tpu.memory_space<vmem>>
        %parallel_loop3A_191 = arith.index_cast %parallel_loop3A_186 : i32 to index
        %parallel_loop3A_192 = arith.constant 0 : index
        %parallel_loop3A_193 = tpu.vector_load %parallel_loop3A_190[%parallel_loop3A_191, %parallel_loop3A_192] {strides = array<i32>} : memref<64x256xf32, #tpu.memory_space<vmem>>, vector<16xf32>,
        %parallel_loop3A_194 = arith.constant 0 : i32
        %parallel_loop3A_195 = arith.constant 0 : i32
        %parallel_loop3A_196 = tpu.memref_slice %arg4[%parallel_loop3A_163, %parallel_loop3A_194, %parallel_loop3A_195] : memref<2x64x256xf32, #tpu.memory_space<vmem>> -> memref<1x64x256xf32, #tpu.memory_space<vmem>>
        %parallel_loop3A_197 = tpu.memref_squeeze %parallel_loop3A_196 : memref<1x64x256xf32, #tpu.memory_space<vmem>> -> memref<64x256xf32, #tpu.memory_space<vmem>>
        %parallel_loop3A_198 = arith.index_cast %parallel_loop3A_186 : i32 to index
        %parallel_loop3A_199 = arith.constant 16 : index
        %parallel_loop3A_200 = tpu.vector_load %parallel_loop3A_197[%parallel_loop3A_198, %parallel_loop3A_199] {strides = array<i32>} : memref<64x256xf32, #tpu.memory_space<vmem>>, vector<16xf32>,
        %parallel_loop3A_201 = arith.constant 0 : i32
        %parallel_loop3A_202 = arith.constant 0 : i32
        %parallel_loop3A_203 = tpu.memref_slice %arg4[%parallel_loop3A_163, %parallel_loop3A_201, %parallel_loop3A_202] : memref<2x64x256xf32, #tpu.memory_space<vmem>> -> memref<1x64x256xf32, #tpu.memory_space<vmem>>
        %parallel_loop3A_204 = tpu.memref_squeeze %parallel_loop3A_203 : memref<1x64x256xf32, #tpu.memory_space<vmem>> -> memref<64x256xf32, #tpu.memory_space<vmem>>
        %parallel_loop3A_205 = arith.index_cast %parallel_loop3A_186 : i32 to index
        %parallel_loop3A_206 = arith.constant 32 : index
        %parallel_loop3A_207 = tpu.vector_load %parallel_loop3A_204[%parallel_loop3A_205, %parallel_loop3A_206] {strides = array<i32>} : memref<64x256xf32, #tpu.memory_space<vmem>>, vector<16xf32>,
        %parallel_loop3A_208 = arith.constant 0 : i32
        %parallel_loop3A_209 = arith.constant 0 : i32
        %parallel_loop3A_210 = tpu.memref_slice %arg4[%parallel_loop3A_163, %parallel_loop3A_208, %parallel_loop3A_209] : memref<2x64x256xf32, #tpu.memory_space<vmem>> -> memref<1x64x256xf32, #tpu.memory_space<vmem>>
        %parallel_loop3A_211 = tpu.memref_squeeze %parallel_loop3A_210 : memref<1x64x256xf32, #tpu.memory_space<vmem>> -> memref<64x256xf32, #tpu.memory_space<vmem>>
        %parallel_loop3A_212 = arith.index_cast %parallel_loop3A_186 : i32 to index
        %parallel_loop3A_213 = arith.constant 48 : index
        %parallel_loop3A_214 = tpu.vector_load %parallel_loop3A_211[%parallel_loop3A_212, %parallel_loop3A_213] {strides = array<i32>} : memref<64x256xf32, #tpu.memory_space<vmem>>, vector<16xf32>,
        %parallel_loop3A_215 = arith.constant 0 : i32
        %parallel_loop3A_216 = arith.constant 0 : i32
        %parallel_loop3A_217 = tpu.memref_slice %arg4[%parallel_loop3A_163, %parallel_loop3A_215, %parallel_loop3A_216] : memref<2x64x256xf32, #tpu.memory_space<vmem>> -> memref<1x64x256xf32, #tpu.memory_space<vmem>>
        %parallel_loop3A_218 = tpu.memref_squeeze %parallel_loop3A_217 : memref<1x64x256xf32, #tpu.memory_space<vmem>> -> memref<64x256xf32, #tpu.memory_space<vmem>>
        %parallel_loop3A_219 = arith.index_cast %parallel_loop3A_186 : i32 to index
        %parallel_loop3A_220 = arith.constant 64 : index
        %parallel_loop3A_221 = tpu.vector_load %parallel_loop3A_218[%parallel_loop3A_219, %parallel_loop3A_220] {strides = array<i32>} : memref<64x256xf32, #tpu.memory_space<vmem>>, vector<16xf32>,
        %parallel_loop3A_222 = arith.constant 0 : i32
        %parallel_loop3A_223 = arith.constant 0 : i32
        %parallel_loop3A_224 = tpu.memref_slice %arg4[%parallel_loop3A_163, %parallel_loop3A_222, %parallel_loop3A_223] : memref<2x64x256xf32, #tpu.memory_space<vmem>> -> memref<1x64x256xf32, #tpu.memory_space<vmem>>
        %parallel_loop3A_225 = tpu.memref_squeeze %parallel_loop3A_224 : memref<1x64x256xf32, #tpu.memory_space<vmem>> -> memref<64x256xf32, #tpu.memory_space<vmem>>
        %parallel_loop3A_226 = arith.index_cast %parallel_loop3A_186 : i32 to index
        %parallel_loop3A_227 = arith.constant 80 : index
        %parallel_loop3A_228 = tpu.vector_load %parallel_loop3A_225[%parallel_loop3A_226, %parallel_loop3A_227] {strides = array<i32>} : memref<64x256xf32, #tpu.memory_space<vmem>>, vector<16xf32>,
        %parallel_loop3A_229 = arith.constant 0 : i32
        %parallel_loop3A_230 = arith.constant 0 : i32
        %parallel_loop3A_231 = tpu.memref_slice %arg4[%parallel_loop3A_163, %parallel_loop3A_229, %parallel_loop3A_230] : memref<2x64x256xf32, #tpu.memory_space<vmem>> -> memref<1x64x256xf32, #tpu.memory_space<vmem>>
        %parallel_loop3A_232 = tpu.memref_squeeze %parallel_loop3A_231 : memref<1x64x256xf32, #tpu.memory_space<vmem>> -> memref<64x256xf32, #tpu.memory_space<vmem>>
        %parallel_loop3A_233 = arith.index_cast %parallel_loop3A_186 : i32 to index
        %parallel_loop3A_234 = arith.constant 96 : index
        %parallel_loop3A_235 = tpu.vector_load %parallel_loop3A_232[%parallel_loop3A_233, %parallel_loop3A_234] {strides = array<i32>} : memref<64x256xf32, #tpu.memory_space<vmem>>, vector<16xf32>,
        %parallel_loop3A_236 = arith.constant 0 : i32
        %parallel_loop3A_237 = arith.constant 0 : i32
        %parallel_loop3A_238 = tpu.memref_slice %arg4[%parallel_loop3A_163, %parallel_loop3A_236, %parallel_loop3A_237] : memref<2x64x256xf32, #tpu.memory_space<vmem>> -> memref<1x64x256xf32, #tpu.memory_space<vmem>>
        %parallel_loop3A_239 = tpu.memref_squeeze %parallel_loop3A_238 : memref<1x64x256xf32, #tpu.memory_space<vmem>> -> memref<64x256xf32, #tpu.memory_space<vmem>>
        %parallel_loop3A_240 = arith.index_cast %parallel_loop3A_186 : i32 to index
        %parallel_loop3A_241 = arith.constant 112 : index
        %parallel_loop3A_242 = tpu.vector_load %parallel_loop3A_239[%parallel_loop3A_240, %parallel_loop3A_241] {strides = array<i32>} : memref<64x256xf32, #tpu.memory_space<vmem>>, vector<16xf32>,
        %parallel_loop3A_243 = arith.constant 0 : i32
        %parallel_loop3A_244 = arith.constant 0 : i32
        %parallel_loop3A_245 = tpu.memref_slice %arg4[%parallel_loop3A_163, %parallel_loop3A_243, %parallel_loop3A_244] : memref<2x64x256xf32, #tpu.memory_space<vmem>> -> memref<1x64x256xf32, #tpu.memory_space<vmem>>
        %parallel_loop3A_246 = tpu.memref_squeeze %parallel_loop3A_245 : memref<1x64x256xf32, #tpu.memory_space<vmem>> -> memref<64x256xf32, #tpu.memory_space<vmem>>
        %parallel_loop3A_247 = arith.index_cast %parallel_loop3A_186 : i32 to index
        %parallel_loop3A_248 = arith.constant 128 : index
        %parallel_loop3A_249 = tpu.vector_load %parallel_loop3A_246[%parallel_loop3A_247, %parallel_loop3A_248] {strides = array<i32>} : memref<64x256xf32, #tpu.memory_space<vmem>>, vector<16xf32>,
        %parallel_loop3A_250 = arith.constant 0 : i32
        %parallel_loop3A_251 = arith.constant 0 : i32
        %parallel_loop3A_252 = tpu.memref_slice %arg4[%parallel_loop3A_163, %parallel_loop3A_250, %parallel_loop3A_251] : memref<2x64x256xf32, #tpu.memory_space<vmem>> -> memref<1x64x256xf32, #tpu.memory_space<vmem>>
        %parallel_loop3A_253 = tpu.memref_squeeze %parallel_loop3A_252 : memref<1x64x256xf32, #tpu.memory_space<vmem>> -> memref<64x256xf32, #tpu.memory_space<vmem>>
        %parallel_loop3A_254 = arith.index_cast %parallel_loop3A_186 : i32 to index
        %parallel_loop3A_255 = arith.constant 144 : index
        %parallel_loop3A_256 = tpu.vector_load %parallel_loop3A_253[%parallel_loop3A_254, %parallel_loop3A_255] {strides = array<i32>} : memref<64x256xf32, #tpu.memory_space<vmem>>, vector<16xf32>,
        %parallel_loop3A_257 = arith.constant 0 : i32
        %parallel_loop3A_258 = arith.constant 0 : i32
        %parallel_loop3A_259 = tpu.memref_slice %arg4[%parallel_loop3A_163, %parallel_loop3A_257, %parallel_loop3A_258] : memref<2x64x256xf32, #tpu.memory_space<vmem>> -> memref<1x64x256xf32, #tpu.memory_space<vmem>>
        %parallel_loop3A_260 = tpu.memref_squeeze %parallel_loop3A_259 : memref<1x64x256xf32, #tpu.memory_space<vmem>> -> memref<64x256xf32, #tpu.memory_space<vmem>>
        %parallel_loop3A_261 = arith.index_cast %parallel_loop3A_186 : i32 to index
        %parallel_loop3A_262 = arith.constant 160 : index
        %parallel_loop3A_263 = tpu.vector_load %parallel_loop3A_260[%parallel_loop3A_261, %parallel_loop3A_262] {strides = array<i32>} : memref<64x256xf32, #tpu.memory_space<vmem>>, vector<16xf32>,
        %parallel_loop3A_264 = arith.constant 0 : i32
        %parallel_loop3A_265 = arith.constant 0 : i32
        %parallel_loop3A_266 = tpu.memref_slice %arg4[%parallel_loop3A_163, %parallel_loop3A_264, %parallel_loop3A_265] : memref<2x64x256xf32, #tpu.memory_space<vmem>> -> memref<1x64x256xf32, #tpu.memory_space<vmem>>
        %parallel_loop3A_267 = tpu.memref_squeeze %parallel_loop3A_266 : memref<1x64x256xf32, #tpu.memory_space<vmem>> -> memref<64x256xf32, #tpu.memory_space<vmem>>
        %parallel_loop3A_268 = arith.index_cast %parallel_loop3A_186 : i32 to index
        %parallel_loop3A_269 = arith.constant 176 : index
        %parallel_loop3A_270 = tpu.vector_load %parallel_loop3A_267[%parallel_loop3A_268, %parallel_loop3A_269] {strides = array<i32>} : memref<64x256xf32, #tpu.memory_space<vmem>>, vector<16xf32>,
        %parallel_loop3A_271 = arith.constant 0 : i32
        %parallel_loop3A_272 = arith.constant 0 : i32
        %parallel_loop3A_273 = tpu.memref_slice %arg4[%parallel_loop3A_163, %parallel_loop3A_271, %parallel_loop3A_272] : memref<2x64x256xf32, #tpu.memory_space<vmem>> -> memref<1x64x256xf32, #tpu.memory_space<vmem>>
        %parallel_loop3A_274 = tpu.memref_squeeze %parallel_loop3A_273 : memref<1x64x256xf32, #tpu.memory_space<vmem>> -> memref<64x256xf32, #tpu.memory_space<vmem>>
        %parallel_loop3A_275 = arith.index_cast %parallel_loop3A_186 : i32 to index
        %parallel_loop3A_276 = arith.constant 192 : index
        %parallel_loop3A_277 = tpu.vector_load %parallel_loop3A_274[%parallel_loop3A_275, %parallel_loop3A_276] {strides = array<i32>} : memref<64x256xf32, #tpu.memory_space<vmem>>, vector<16xf32>,
        %parallel_loop3A_278 = arith.constant 0 : i32
        %parallel_loop3A_279 = arith.constant 0 : i32
        %parallel_loop3A_280 = tpu.memref_slice %arg4[%parallel_loop3A_163, %parallel_loop3A_278, %parallel_loop3A_279] : memref<2x64x256xf32, #tpu.memory_space<vmem>> -> memref<1x64x256xf32, #tpu.memory_space<vmem>>
        %parallel_loop3A_281 = tpu.memref_squeeze %parallel_loop3A_280 : memref<1x64x256xf32, #tpu.memory_space<vmem>> -> memref<64x256xf32, #tpu.memory_space<vmem>>
        %parallel_loop3A_282 = arith.index_cast %parallel_loop3A_186 : i32 to index
        %parallel_loop3A_283 = arith.constant 208 : index
        %parallel_loop3A_284 = tpu.vector_load %parallel_loop3A_281[%parallel_loop3A_282, %parallel_loop3A_283] {strides = array<i32>} : memref<64x256xf32, #tpu.memory_space<vmem>>, vector<16xf32>,
        %parallel_loop3A_285 = arith.constant 0 : i32
        %parallel_loop3A_286 = arith.constant 0 : i32
        %parallel_loop3A_287 = tpu.memref_slice %arg4[%parallel_loop3A_163, %parallel_loop3A_285, %parallel_loop3A_286] : memref<2x64x256xf32, #tpu.memory_space<vmem>> -> memref<1x64x256xf32, #tpu.memory_space<vmem>>
        %parallel_loop3A_288 = tpu.memref_squeeze %parallel_loop3A_287 : memref<1x64x256xf32, #tpu.memory_space<vmem>> -> memref<64x256xf32, #tpu.memory_space<vmem>>
        %parallel_loop3A_289 = arith.index_cast %parallel_loop3A_186 : i32 to index
        %parallel_loop3A_290 = arith.constant 224 : index
        %parallel_loop3A_291 = tpu.vector_load %parallel_loop3A_288[%parallel_loop3A_289, %parallel_loop3A_290] {strides = array<i32>} : memref<64x256xf32, #tpu.memory_space<vmem>>, vector<16xf32>,
        %parallel_loop3A_292 = arith.constant 0 : i32
        %parallel_loop3A_293 = arith.constant 0 : i32
        %parallel_loop3A_294 = tpu.memref_slice %arg4[%parallel_loop3A_163, %parallel_loop3A_292, %parallel_loop3A_293] : memref<2x64x256xf32, #tpu.memory_space<vmem>> -> memref<1x64x256xf32, #tpu.memory_space<vmem>>
        %parallel_loop3A_295 = tpu.memref_squeeze %parallel_loop3A_294 : memref<1x64x256xf32, #tpu.memory_space<vmem>> -> memref<64x256xf32, #tpu.memory_space<vmem>>
        %parallel_loop3A_296 = arith.index_cast %parallel_loop3A_186 : i32 to index
        %parallel_loop3A_297 = arith.constant 240 : index
        %parallel_loop3A_298 = tpu.vector_load %parallel_loop3A_295[%parallel_loop3A_296, %parallel_loop3A_297] {strides = array<i32>} : memref<64x256xf32, #tpu.memory_space<vmem>>, vector<16xf32>,
        %parallel_loop3A_299 = math.absf %parallel_loop3A_193 : vector<16xf32>
        %parallel_loop3A_300 = math.absf %parallel_loop3A_200 : vector<16xf32>
        %parallel_loop3A_301 = arith.maximumf %parallel_loop3A_299, %parallel_loop3A_300 : vector<16xf32>
        %parallel_loop3A_302 = math.absf %parallel_loop3A_207 : vector<16xf32>
        %parallel_loop3A_303 = arith.maximumf %parallel_loop3A_301, %parallel_loop3A_302 : vector<16xf32>
        %parallel_loop3A_304 = math.absf %parallel_loop3A_214 : vector<16xf32>
        %parallel_loop3A_305 = arith.maximumf %parallel_loop3A_303, %parallel_loop3A_304 : vector<16xf32>
        %parallel_loop3A_306 = math.absf %parallel_loop3A_221 : vector<16xf32>
        %parallel_loop3A_307 = arith.maximumf %parallel_loop3A_305, %parallel_loop3A_306 : vector<16xf32>
        %parallel_loop3A_308 = math.absf %parallel_loop3A_228 : vector<16xf32>
        %parallel_loop3A_309 = arith.maximumf %parallel_loop3A_307, %parallel_loop3A_308 : vector<16xf32>
        %parallel_loop3A_310 = math.absf %parallel_loop3A_235 : vector<16xf32>
        %parallel_loop3A_311 = arith.maximumf %parallel_loop3A_309, %parallel_loop3A_310 : vector<16xf32>
        %parallel_loop3A_312 = math.absf %parallel_loop3A_242 : vector<16xf32>
        %parallel_loop3A_313 = arith.maximumf %parallel_loop3A_311, %parallel_loop3A_312 : vector<16xf32>
        %parallel_loop3A_314 = math.absf %parallel_loop3A_249 : vector<16xf32>
        %parallel_loop3A_315 = arith.maximumf %parallel_loop3A_313, %parallel_loop3A_314 : vector<16xf32>
        %parallel_loop3A_316 = math.absf %parallel_loop3A_256 : vector<16xf32>
        %parallel_loop3A_317 = arith.maximumf %parallel_loop3A_315, %parallel_loop3A_316 : vector<16xf32>
        %parallel_loop3A_318 = math.absf %parallel_loop3A_263 : vector<16xf32>
        %parallel_loop3A_319 = arith.maximumf %parallel_loop3A_317, %parallel_loop3A_318 : vector<16xf32>
        %parallel_loop3A_320 = math.absf %parallel_loop3A_270 : vector<16xf32>
        %parallel_loop3A_321 = arith.maximumf %parallel_loop3A_319, %parallel_loop3A_320 : vector<16xf32>
        %parallel_loop3A_322 = math.absf %parallel_loop3A_277 : vector<16xf32>
        %parallel_loop3A_323 = arith.maximumf %parallel_loop3A_321, %parallel_loop3A_322 : vector<16xf32>
        %parallel_loop3A_324 = math.absf %parallel_loop3A_284 : vector<16xf32>
        %parallel_loop3A_325 = arith.maximumf %parallel_loop3A_323, %parallel_loop3A_324 : vector<16xf32>
        %parallel_loop3A_326 = math.absf %parallel_loop3A_291 : vector<16xf32>
        %parallel_loop3A_327 = arith.maximumf %parallel_loop3A_325, %parallel_loop3A_326 : vector<16xf32>
        %parallel_loop3A_328 = math.absf %parallel_loop3A_298 : vector<16xf32>
        %parallel_loop3A_329 = arith.maximumf %parallel_loop3A_327, %parallel_loop3A_328 : vector<16xf32>
        %parallel_loop3A_330 = arith.constant true
        %parallel_loop3A_331 = vector.broadcast %parallel_loop3A_330 : i1 to vector<16xi1>
        %parallel_loop3A_332 = tpu.scan <max>, %parallel_loop3A_329 masked %parallel_loop3A_331 : vector<16xf32>, vector<16xi1> -> vector<16xf32>
        %parallel_loop3A_333 = vector.extract %parallel_loop3A_332[15] : f32 from vector<16xf32>
        %parallel_loop3A_334 = vector.broadcast %parallel_loop3A_333 : f32 to vector<16xf32>
        %parallel_loop3A_335 = arith.constant 0.000000e+00 : f32
        %parallel_loop3A_336 = vector.broadcast %parallel_loop3A_335 : f32 to vector<16xf32>
        %parallel_loop3A_337 = arith.cmpf ogt, %parallel_loop3A_334, %parallel_loop3A_336 : vector<16xf32>
        %parallel_loop3A_338 = arith.constant 7.000000e+00 : f32
        %parallel_loop3A_339 = vector.broadcast %parallel_loop3A_338 : f32 to vector<16xf32>
        %parallel_loop3A_340 = arith.divf %parallel_loop3A_339, %parallel_loop3A_334 : vector<16xf32>
        %parallel_loop3A_341 = arith.constant 1.000000e+00 : f32
        %parallel_loop3A_342 = vector.broadcast %parallel_loop3A_341 : f32 to vector<16xf32>
        %parallel_loop3A_343 = arith.select %parallel_loop3A_337, %parallel_loop3A_340, %parallel_loop3A_342 : vector<16xi1>, vector<16xf32>
        %parallel_loop3A_344 = arith.constant 0.142857149 : f32
        %parallel_loop3A_345 = vector.broadcast %parallel_loop3A_344 : f32 to vector<16xf32>
        %parallel_loop3A_346 = arith.mulf %parallel_loop3A_334, %parallel_loop3A_345 : vector<16xf32>
        %parallel_loop3A_347 = arith.constant 1.000000e+00 : f32
        %parallel_loop3A_348 = vector.broadcast %parallel_loop3A_347 : f32 to vector<16xf32>
        %parallel_loop3A_349 = arith.select %parallel_loop3A_337, %parallel_loop3A_346, %parallel_loop3A_348 : vector<16xi1>, vector<16xf32>
        %parallel_loop3A_350 = arith.mulf %parallel_loop3A_193, %parallel_loop3A_343 : vector<16xf32>
        %parallel_loop3A_351 = arith.constant 0x4B400000 : f32
        %parallel_loop3A_352 = vector.broadcast %parallel_loop3A_351 : f32 to vector<16xf32>
        %parallel_loop3A_353 = arith.addf %parallel_loop3A_350, %parallel_loop3A_352 : vector<16xf32>
        %parallel_loop3A_354 = arith.constant 0x4B400000 : f32
        %parallel_loop3A_355 = vector.broadcast %parallel_loop3A_354 : f32 to vector<16xf32>
        %parallel_loop3A_356 = arith.subf %parallel_loop3A_353, %parallel_loop3A_355 : vector<16xf32>
        %parallel_loop3A_357 = arith.mulf %parallel_loop3A_356, %parallel_loop3A_349 : vector<16xf32>
        %parallel_loop3A_358 = arith.constant 0 : i32
        %parallel_loop3A_359 = arith.constant 0 : i32
        %parallel_loop3A_360 = tpu.memref_slice %arg5[%parallel_loop3A_164, %parallel_loop3A_358, %parallel_loop3A_359] : memref<2x64x256xf32, #tpu.memory_space<vmem>> -> memref<1x64x256xf32, #tpu.memory_space<vmem>>
        %parallel_loop3A_361 = tpu.memref_squeeze %parallel_loop3A_360 : memref<1x64x256xf32, #tpu.memory_space<vmem>> -> memref<64x256xf32, #tpu.memory_space<vmem>>
        %parallel_loop3A_362 = arith.index_cast %parallel_loop3A_186 : i32 to index
        %parallel_loop3A_363 = arith.constant 0 : index
        %parallel_loop3A_364 = tpu.vector_load %parallel_loop3A_361[%parallel_loop3A_362, %parallel_loop3A_363] {strides = array<i32>} : memref<64x256xf32, #tpu.memory_space<vmem>>, vector<16xf32>,
        tpu.vector_store %parallel_loop3A_361[%parallel_loop3A_362, %parallel_loop3A_363], %parallel_loop3A_357 {strides = array<i32>} : memref<64x256xf32, #tpu.memory_space<vmem>>, vector<16xf32>,
        %parallel_loop3A_365 = arith.mulf %parallel_loop3A_200, %parallel_loop3A_343 : vector<16xf32>
        %parallel_loop3A_366 = arith.constant 0x4B400000 : f32
        %parallel_loop3A_367 = vector.broadcast %parallel_loop3A_366 : f32 to vector<16xf32>
        %parallel_loop3A_368 = arith.addf %parallel_loop3A_365, %parallel_loop3A_367 : vector<16xf32>
        %parallel_loop3A_369 = arith.constant 0x4B400000 : f32
        %parallel_loop3A_370 = vector.broadcast %parallel_loop3A_369 : f32 to vector<16xf32>
        %parallel_loop3A_371 = arith.subf %parallel_loop3A_368, %parallel_loop3A_370 : vector<16xf32>
        %parallel_loop3A_372 = arith.mulf %parallel_loop3A_371, %parallel_loop3A_349 : vector<16xf32>
        %parallel_loop3A_373 = arith.constant 0 : i32
        %parallel_loop3A_374 = arith.constant 0 : i32
        %parallel_loop3A_375 = tpu.memref_slice %arg5[%parallel_loop3A_164, %parallel_loop3A_373, %parallel_loop3A_374] : memref<2x64x256xf32, #tpu.memory_space<vmem>> -> memref<1x64x256xf32, #tpu.memory_space<vmem>>
        %parallel_loop3A_376 = tpu.memref_squeeze %parallel_loop3A_375 : memref<1x64x256xf32, #tpu.memory_space<vmem>> -> memref<64x256xf32, #tpu.memory_space<vmem>>
        %parallel_loop3A_377 = arith.index_cast %parallel_loop3A_186 : i32 to index
        %parallel_loop3A_378 = arith.constant 16 : index
        %parallel_loop3A_379 = tpu.vector_load %parallel_loop3A_376[%parallel_loop3A_377, %parallel_loop3A_378] {strides = array<i32>} : memref<64x256xf32, #tpu.memory_space<vmem>>, vector<16xf32>,
        tpu.vector_store %parallel_loop3A_376[%parallel_loop3A_377, %parallel_loop3A_378], %parallel_loop3A_372 {strides = array<i32>} : memref<64x256xf32, #tpu.memory_space<vmem>>, vector<16xf32>,
        %parallel_loop3A_380 = arith.mulf %parallel_loop3A_207, %parallel_loop3A_343 : vector<16xf32>
        %parallel_loop3A_381 = arith.constant 0x4B400000 : f32
        %parallel_loop3A_382 = vector.broadcast %parallel_loop3A_381 : f32 to vector<16xf32>
        %parallel_loop3A_383 = arith.addf %parallel_loop3A_380, %parallel_loop3A_382 : vector<16xf32>
        %parallel_loop3A_384 = arith.constant 0x4B400000 : f32
        %parallel_loop3A_385 = vector.broadcast %parallel_loop3A_384 : f32 to vector<16xf32>
        %parallel_loop3A_386 = arith.subf %parallel_loop3A_383, %parallel_loop3A_385 : vector<16xf32>
        %parallel_loop3A_387 = arith.mulf %parallel_loop3A_386, %parallel_loop3A_349 : vector<16xf32>
        %parallel_loop3A_388 = arith.constant 0 : i32
        %parallel_loop3A_389 = arith.constant 0 : i32
        %parallel_loop3A_390 = tpu.memref_slice %arg5[%parallel_loop3A_164, %parallel_loop3A_388, %parallel_loop3A_389] : memref<2x64x256xf32, #tpu.memory_space<vmem>> -> memref<1x64x256xf32, #tpu.memory_space<vmem>>
        %parallel_loop3A_391 = tpu.memref_squeeze %parallel_loop3A_390 : memref<1x64x256xf32, #tpu.memory_space<vmem>> -> memref<64x256xf32, #tpu.memory_space<vmem>>
        %parallel_loop3A_392 = arith.index_cast %parallel_loop3A_186 : i32 to index
        %parallel_loop3A_393 = arith.constant 32 : index
        %parallel_loop3A_394 = tpu.vector_load %parallel_loop3A_391[%parallel_loop3A_392, %parallel_loop3A_393] {strides = array<i32>} : memref<64x256xf32, #tpu.memory_space<vmem>>, vector<16xf32>,
        tpu.vector_store %parallel_loop3A_391[%parallel_loop3A_392, %parallel_loop3A_393], %parallel_loop3A_387 {strides = array<i32>} : memref<64x256xf32, #tpu.memory_space<vmem>>, vector<16xf32>,
        %parallel_loop3A_395 = arith.mulf %parallel_loop3A_214, %parallel_loop3A_343 : vector<16xf32>
        %parallel_loop3A_396 = arith.constant 0x4B400000 : f32
        %parallel_loop3A_397 = vector.broadcast %parallel_loop3A_396 : f32 to vector<16xf32>
        %parallel_loop3A_398 = arith.addf %parallel_loop3A_395, %parallel_loop3A_397 : vector<16xf32>
        %parallel_loop3A_399 = arith.constant 0x4B400000 : f32
        %parallel_loop3A_400 = vector.broadcast %parallel_loop3A_399 : f32 to vector<16xf32>
        %parallel_loop3A_401 = arith.subf %parallel_loop3A_398, %parallel_loop3A_400 : vector<16xf32>
        %parallel_loop3A_402 = arith.mulf %parallel_loop3A_401, %parallel_loop3A_349 : vector<16xf32>
        %parallel_loop3A_403 = arith.constant 0 : i32
        %parallel_loop3A_404 = arith.constant 0 : i32
        %parallel_loop3A_405 = tpu.memref_slice %arg5[%parallel_loop3A_164, %parallel_loop3A_403, %parallel_loop3A_404] : memref<2x64x256xf32, #tpu.memory_space<vmem>> -> memref<1x64x256xf32, #tpu.memory_space<vmem>>
        %parallel_loop3A_406 = tpu.memref_squeeze %parallel_loop3A_405 : memref<1x64x256xf32, #tpu.memory_space<vmem>> -> memref<64x256xf32, #tpu.memory_space<vmem>>
        %parallel_loop3A_407 = arith.index_cast %parallel_loop3A_186 : i32 to index
        %parallel_loop3A_408 = arith.constant 48 : index
        %parallel_loop3A_409 = tpu.vector_load %parallel_loop3A_406[%parallel_loop3A_407, %parallel_loop3A_408] {strides = array<i32>} : memref<64x256xf32, #tpu.memory_space<vmem>>, vector<16xf32>,
        tpu.vector_store %parallel_loop3A_406[%parallel_loop3A_407, %parallel_loop3A_408], %parallel_loop3A_402 {strides = array<i32>} : memref<64x256xf32, #tpu.memory_space<vmem>>, vector<16xf32>,
        %parallel_loop3A_410 = arith.mulf %parallel_loop3A_221, %parallel_loop3A_343 : vector<16xf32>
        %parallel_loop3A_411 = arith.constant 0x4B400000 : f32
        %parallel_loop3A_412 = vector.broadcast %parallel_loop3A_411 : f32 to vector<16xf32>
        %parallel_loop3A_413 = arith.addf %parallel_loop3A_410, %parallel_loop3A_412 : vector<16xf32>
        %parallel_loop3A_414 = arith.constant 0x4B400000 : f32
        %parallel_loop3A_415 = vector.broadcast %parallel_loop3A_414 : f32 to vector<16xf32>
        %parallel_loop3A_416 = arith.subf %parallel_loop3A_413, %parallel_loop3A_415 : vector<16xf32>
        %parallel_loop3A_417 = arith.mulf %parallel_loop3A_416, %parallel_loop3A_349 : vector<16xf32>
        %parallel_loop3A_418 = arith.constant 0 : i32
        %parallel_loop3A_419 = arith.constant 0 : i32
        %parallel_loop3A_420 = tpu.memref_slice %arg5[%parallel_loop3A_164, %parallel_loop3A_418, %parallel_loop3A_419] : memref<2x64x256xf32, #tpu.memory_space<vmem>> -> memref<1x64x256xf32, #tpu.memory_space<vmem>>
        %parallel_loop3A_421 = tpu.memref_squeeze %parallel_loop3A_420 : memref<1x64x256xf32, #tpu.memory_space<vmem>> -> memref<64x256xf32, #tpu.memory_space<vmem>>
        %parallel_loop3A_422 = arith.index_cast %parallel_loop3A_186 : i32 to index
        %parallel_loop3A_423 = arith.constant 64 : index
        %parallel_loop3A_424 = tpu.vector_load %parallel_loop3A_421[%parallel_loop3A_422, %parallel_loop3A_423] {strides = array<i32>} : memref<64x256xf32, #tpu.memory_space<vmem>>, vector<16xf32>,
        tpu.vector_store %parallel_loop3A_421[%parallel_loop3A_422, %parallel_loop3A_423], %parallel_loop3A_417 {strides = array<i32>} : memref<64x256xf32, #tpu.memory_space<vmem>>, vector<16xf32>,
        %parallel_loop3A_425 = arith.mulf %parallel_loop3A_228, %parallel_loop3A_343 : vector<16xf32>
        %parallel_loop3A_426 = arith.constant 0x4B400000 : f32
        %parallel_loop3A_427 = vector.broadcast %parallel_loop3A_426 : f32 to vector<16xf32>
        %parallel_loop3A_428 = arith.addf %parallel_loop3A_425, %parallel_loop3A_427 : vector<16xf32>
        %parallel_loop3A_429 = arith.constant 0x4B400000 : f32
        %parallel_loop3A_430 = vector.broadcast %parallel_loop3A_429 : f32 to vector<16xf32>
        %parallel_loop3A_431 = arith.subf %parallel_loop3A_428, %parallel_loop3A_430 : vector<16xf32>
        %parallel_loop3A_432 = arith.mulf %parallel_loop3A_431, %parallel_loop3A_349 : vector<16xf32>
        %parallel_loop3A_433 = arith.constant 0 : i32
        %parallel_loop3A_434 = arith.constant 0 : i32
        %parallel_loop3A_435 = tpu.memref_slice %arg5[%parallel_loop3A_164, %parallel_loop3A_433, %parallel_loop3A_434] : memref<2x64x256xf32, #tpu.memory_space<vmem>> -> memref<1x64x256xf32, #tpu.memory_space<vmem>>
        %parallel_loop3A_436 = tpu.memref_squeeze %parallel_loop3A_435 : memref<1x64x256xf32, #tpu.memory_space<vmem>> -> memref<64x256xf32, #tpu.memory_space<vmem>>
        %parallel_loop3A_437 = arith.index_cast %parallel_loop3A_186 : i32 to index
        %parallel_loop3A_438 = arith.constant 80 : index
        %parallel_loop3A_439 = tpu.vector_load %parallel_loop3A_436[%parallel_loop3A_437, %parallel_loop3A_438] {strides = array<i32>} : memref<64x256xf32, #tpu.memory_space<vmem>>, vector<16xf32>,
        tpu.vector_store %parallel_loop3A_436[%parallel_loop3A_437, %parallel_loop3A_438], %parallel_loop3A_432 {strides = array<i32>} : memref<64x256xf32, #tpu.memory_space<vmem>>, vector<16xf32>,
        %parallel_loop3A_440 = arith.mulf %parallel_loop3A_235, %parallel_loop3A_343 : vector<16xf32>
        %parallel_loop3A_441 = arith.constant 0x4B400000 : f32
        %parallel_loop3A_442 = vector.broadcast %parallel_loop3A_441 : f32 to vector<16xf32>
        %parallel_loop3A_443 = arith.addf %parallel_loop3A_440, %parallel_loop3A_442 : vector<16xf32>
        %parallel_loop3A_444 = arith.constant 0x4B400000 : f32
        %parallel_loop3A_445 = vector.broadcast %parallel_loop3A_444 : f32 to vector<16xf32>
        %parallel_loop3A_446 = arith.subf %parallel_loop3A_443, %parallel_loop3A_445 : vector<16xf32>
        %parallel_loop3A_447 = arith.mulf %parallel_loop3A_446, %parallel_loop3A_349 : vector<16xf32>
        %parallel_loop3A_448 = arith.constant 0 : i32
        %parallel_loop3A_449 = arith.constant 0 : i32
        %parallel_loop3A_450 = tpu.memref_slice %arg5[%parallel_loop3A_164, %parallel_loop3A_448, %parallel_loop3A_449] : memref<2x64x256xf32, #tpu.memory_space<vmem>> -> memref<1x64x256xf32, #tpu.memory_space<vmem>>
        %parallel_loop3A_451 = tpu.memref_squeeze %parallel_loop3A_450 : memref<1x64x256xf32, #tpu.memory_space<vmem>> -> memref<64x256xf32, #tpu.memory_space<vmem>>
        %parallel_loop3A_452 = arith.index_cast %parallel_loop3A_186 : i32 to index
        %parallel_loop3A_453 = arith.constant 96 : index
        %parallel_loop3A_454 = tpu.vector_load %parallel_loop3A_451[%parallel_loop3A_452, %parallel_loop3A_453] {strides = array<i32>} : memref<64x256xf32, #tpu.memory_space<vmem>>, vector<16xf32>,
        tpu.vector_store %parallel_loop3A_451[%parallel_loop3A_452, %parallel_loop3A_453], %parallel_loop3A_447 {strides = array<i32>} : memref<64x256xf32, #tpu.memory_space<vmem>>, vector<16xf32>,
        %parallel_loop3A_455 = arith.mulf %parallel_loop3A_242, %parallel_loop3A_343 : vector<16xf32>
        %parallel_loop3A_456 = arith.constant 0x4B400000 : f32
        %parallel_loop3A_457 = vector.broadcast %parallel_loop3A_456 : f32 to vector<16xf32>
        %parallel_loop3A_458 = arith.addf %parallel_loop3A_455, %parallel_loop3A_457 : vector<16xf32>
        %parallel_loop3A_459 = arith.constant 0x4B400000 : f32
        %parallel_loop3A_460 = vector.broadcast %parallel_loop3A_459 : f32 to vector<16xf32>
        %parallel_loop3A_461 = arith.subf %parallel_loop3A_458, %parallel_loop3A_460 : vector<16xf32>
        %parallel_loop3A_462 = arith.mulf %parallel_loop3A_461, %parallel_loop3A_349 : vector<16xf32>
        %parallel_loop3A_463 = arith.constant 0 : i32
        %parallel_loop3A_464 = arith.constant 0 : i32
        %parallel_loop3A_465 = tpu.memref_slice %arg5[%parallel_loop3A_164, %parallel_loop3A_463, %parallel_loop3A_464] : memref<2x64x256xf32, #tpu.memory_space<vmem>> -> memref<1x64x256xf32, #tpu.memory_space<vmem>>
        %parallel_loop3A_466 = tpu.memref_squeeze %parallel_loop3A_465 : memref<1x64x256xf32, #tpu.memory_space<vmem>> -> memref<64x256xf32, #tpu.memory_space<vmem>>
        %parallel_loop3A_467 = arith.index_cast %parallel_loop3A_186 : i32 to index
        %parallel_loop3A_468 = arith.constant 112 : index
        %parallel_loop3A_469 = tpu.vector_load %parallel_loop3A_466[%parallel_loop3A_467, %parallel_loop3A_468] {strides = array<i32>} : memref<64x256xf32, #tpu.memory_space<vmem>>, vector<16xf32>,
        tpu.vector_store %parallel_loop3A_466[%parallel_loop3A_467, %parallel_loop3A_468], %parallel_loop3A_462 {strides = array<i32>} : memref<64x256xf32, #tpu.memory_space<vmem>>, vector<16xf32>,
        %parallel_loop3A_470 = arith.mulf %parallel_loop3A_249, %parallel_loop3A_343 : vector<16xf32>
        %parallel_loop3A_471 = arith.constant 0x4B400000 : f32
        %parallel_loop3A_472 = vector.broadcast %parallel_loop3A_471 : f32 to vector<16xf32>
        %parallel_loop3A_473 = arith.addf %parallel_loop3A_470, %parallel_loop3A_472 : vector<16xf32>
        %parallel_loop3A_474 = arith.constant 0x4B400000 : f32
        %parallel_loop3A_475 = vector.broadcast %parallel_loop3A_474 : f32 to vector<16xf32>
        %parallel_loop3A_476 = arith.subf %parallel_loop3A_473, %parallel_loop3A_475 : vector<16xf32>
        %parallel_loop3A_477 = arith.mulf %parallel_loop3A_476, %parallel_loop3A_349 : vector<16xf32>
        %parallel_loop3A_478 = arith.constant 0 : i32
        %parallel_loop3A_479 = arith.constant 0 : i32
        %parallel_loop3A_480 = tpu.memref_slice %arg5[%parallel_loop3A_164, %parallel_loop3A_478, %parallel_loop3A_479] : memref<2x64x256xf32, #tpu.memory_space<vmem>> -> memref<1x64x256xf32, #tpu.memory_space<vmem>>
        %parallel_loop3A_481 = tpu.memref_squeeze %parallel_loop3A_480 : memref<1x64x256xf32, #tpu.memory_space<vmem>> -> memref<64x256xf32, #tpu.memory_space<vmem>>
        %parallel_loop3A_482 = arith.index_cast %parallel_loop3A_186 : i32 to index
        %parallel_loop3A_483 = arith.constant 128 : index
        %parallel_loop3A_484 = tpu.vector_load %parallel_loop3A_481[%parallel_loop3A_482, %parallel_loop3A_483] {strides = array<i32>} : memref<64x256xf32, #tpu.memory_space<vmem>>, vector<16xf32>,
        tpu.vector_store %parallel_loop3A_481[%parallel_loop3A_482, %parallel_loop3A_483], %parallel_loop3A_477 {strides = array<i32>} : memref<64x256xf32, #tpu.memory_space<vmem>>, vector<16xf32>,
        %parallel_loop3A_485 = arith.mulf %parallel_loop3A_256, %parallel_loop3A_343 : vector<16xf32>
        %parallel_loop3A_486 = arith.constant 0x4B400000 : f32
        %parallel_loop3A_487 = vector.broadcast %parallel_loop3A_486 : f32 to vector<16xf32>
        %parallel_loop3A_488 = arith.addf %parallel_loop3A_485, %parallel_loop3A_487 : vector<16xf32>
        %parallel_loop3A_489 = arith.constant 0x4B400000 : f32
        %parallel_loop3A_490 = vector.broadcast %parallel_loop3A_489 : f32 to vector<16xf32>
        %parallel_loop3A_491 = arith.subf %parallel_loop3A_488, %parallel_loop3A_490 : vector<16xf32>
        %parallel_loop3A_492 = arith.mulf %parallel_loop3A_491, %parallel_loop3A_349 : vector<16xf32>
        %parallel_loop3A_493 = arith.constant 0 : i32
        %parallel_loop3A_494 = arith.constant 0 : i32
        %parallel_loop3A_495 = tpu.memref_slice %arg5[%parallel_loop3A_164, %parallel_loop3A_493, %parallel_loop3A_494] : memref<2x64x256xf32, #tpu.memory_space<vmem>> -> memref<1x64x256xf32, #tpu.memory_space<vmem>>
        %parallel_loop3A_496 = tpu.memref_squeeze %parallel_loop3A_495 : memref<1x64x256xf32, #tpu.memory_space<vmem>> -> memref<64x256xf32, #tpu.memory_space<vmem>>
        %parallel_loop3A_497 = arith.index_cast %parallel_loop3A_186 : i32 to index
        %parallel_loop3A_498 = arith.constant 144 : index
        %parallel_loop3A_499 = tpu.vector_load %parallel_loop3A_496[%parallel_loop3A_497, %parallel_loop3A_498] {strides = array<i32>} : memref<64x256xf32, #tpu.memory_space<vmem>>, vector<16xf32>,
        tpu.vector_store %parallel_loop3A_496[%parallel_loop3A_497, %parallel_loop3A_498], %parallel_loop3A_492 {strides = array<i32>} : memref<64x256xf32, #tpu.memory_space<vmem>>, vector<16xf32>,
        %parallel_loop3A_500 = arith.mulf %parallel_loop3A_263, %parallel_loop3A_343 : vector<16xf32>
        %parallel_loop3A_501 = arith.constant 0x4B400000 : f32
        %parallel_loop3A_502 = vector.broadcast %parallel_loop3A_501 : f32 to vector<16xf32>
        %parallel_loop3A_503 = arith.addf %parallel_loop3A_500, %parallel_loop3A_502 : vector<16xf32>
        %parallel_loop3A_504 = arith.constant 0x4B400000 : f32
        %parallel_loop3A_505 = vector.broadcast %parallel_loop3A_504 : f32 to vector<16xf32>
        %parallel_loop3A_506 = arith.subf %parallel_loop3A_503, %parallel_loop3A_505 : vector<16xf32>
        %parallel_loop3A_507 = arith.mulf %parallel_loop3A_506, %parallel_loop3A_349 : vector<16xf32>
        %parallel_loop3A_508 = arith.constant 0 : i32
        %parallel_loop3A_509 = arith.constant 0 : i32
        %parallel_loop3A_510 = tpu.memref_slice %arg5[%parallel_loop3A_164, %parallel_loop3A_508, %parallel_loop3A_509] : memref<2x64x256xf32, #tpu.memory_space<vmem>> -> memref<1x64x256xf32, #tpu.memory_space<vmem>>
        %parallel_loop3A_511 = tpu.memref_squeeze %parallel_loop3A_510 : memref<1x64x256xf32, #tpu.memory_space<vmem>> -> memref<64x256xf32, #tpu.memory_space<vmem>>
        %parallel_loop3A_512 = arith.index_cast %parallel_loop3A_186 : i32 to index
        %parallel_loop3A_513 = arith.constant 160 : index
        %parallel_loop3A_514 = tpu.vector_load %parallel_loop3A_511[%parallel_loop3A_512, %parallel_loop3A_513] {strides = array<i32>} : memref<64x256xf32, #tpu.memory_space<vmem>>, vector<16xf32>,
        tpu.vector_store %parallel_loop3A_511[%parallel_loop3A_512, %parallel_loop3A_513], %parallel_loop3A_507 {strides = array<i32>} : memref<64x256xf32, #tpu.memory_space<vmem>>, vector<16xf32>,
        %parallel_loop3A_515 = arith.mulf %parallel_loop3A_270, %parallel_loop3A_343 : vector<16xf32>
        %parallel_loop3A_516 = arith.constant 0x4B400000 : f32
        %parallel_loop3A_517 = vector.broadcast %parallel_loop3A_516 : f32 to vector<16xf32>
        %parallel_loop3A_518 = arith.addf %parallel_loop3A_515, %parallel_loop3A_517 : vector<16xf32>
        %parallel_loop3A_519 = arith.constant 0x4B400000 : f32
        %parallel_loop3A_520 = vector.broadcast %parallel_loop3A_519 : f32 to vector<16xf32>
        %parallel_loop3A_521 = arith.subf %parallel_loop3A_518, %parallel_loop3A_520 : vector<16xf32>
        %parallel_loop3A_522 = arith.mulf %parallel_loop3A_521, %parallel_loop3A_349 : vector<16xf32>
        %parallel_loop3A_523 = arith.constant 0 : i32
        %parallel_loop3A_524 = arith.constant 0 : i32
        %parallel_loop3A_525 = tpu.memref_slice %arg5[%parallel_loop3A_164, %parallel_loop3A_523, %parallel_loop3A_524] : memref<2x64x256xf32, #tpu.memory_space<vmem>> -> memref<1x64x256xf32, #tpu.memory_space<vmem>>
        %parallel_loop3A_526 = tpu.memref_squeeze %parallel_loop3A_525 : memref<1x64x256xf32, #tpu.memory_space<vmem>> -> memref<64x256xf32, #tpu.memory_space<vmem>>
        %parallel_loop3A_527 = arith.index_cast %parallel_loop3A_186 : i32 to index
        %parallel_loop3A_528 = arith.constant 176 : index
        %parallel_loop3A_529 = tpu.vector_load %parallel_loop3A_526[%parallel_loop3A_527, %parallel_loop3A_528] {strides = array<i32>} : memref<64x256xf32, #tpu.memory_space<vmem>>, vector<16xf32>,
        tpu.vector_store %parallel_loop3A_526[%parallel_loop3A_527, %parallel_loop3A_528], %parallel_loop3A_522 {strides = array<i32>} : memref<64x256xf32, #tpu.memory_space<vmem>>, vector<16xf32>,
        %parallel_loop3A_530 = arith.mulf %parallel_loop3A_277, %parallel_loop3A_343 : vector<16xf32>
        %parallel_loop3A_531 = arith.constant 0x4B400000 : f32
        %parallel_loop3A_532 = vector.broadcast %parallel_loop3A_531 : f32 to vector<16xf32>
        %parallel_loop3A_533 = arith.addf %parallel_loop3A_530, %parallel_loop3A_532 : vector<16xf32>
        %parallel_loop3A_534 = arith.constant 0x4B400000 : f32
        %parallel_loop3A_535 = vector.broadcast %parallel_loop3A_534 : f32 to vector<16xf32>
        %parallel_loop3A_536 = arith.subf %parallel_loop3A_533, %parallel_loop3A_535 : vector<16xf32>
        %parallel_loop3A_537 = arith.mulf %parallel_loop3A_536, %parallel_loop3A_349 : vector<16xf32>
        %parallel_loop3A_538 = arith.constant 0 : i32
        %parallel_loop3A_539 = arith.constant 0 : i32
        %parallel_loop3A_540 = tpu.memref_slice %arg5[%parallel_loop3A_164, %parallel_loop3A_538, %parallel_loop3A_539] : memref<2x64x256xf32, #tpu.memory_space<vmem>> -> memref<1x64x256xf32, #tpu.memory_space<vmem>>
        %parallel_loop3A_541 = tpu.memref_squeeze %parallel_loop3A_540 : memref<1x64x256xf32, #tpu.memory_space<vmem>> -> memref<64x256xf32, #tpu.memory_space<vmem>>
        %parallel_loop3A_542 = arith.index_cast %parallel_loop3A_186 : i32 to index
        %parallel_loop3A_543 = arith.constant 192 : index
        %parallel_loop3A_544 = tpu.vector_load %parallel_loop3A_541[%parallel_loop3A_542, %parallel_loop3A_543] {strides = array<i32>} : memref<64x256xf32, #tpu.memory_space<vmem>>, vector<16xf32>,
        tpu.vector_store %parallel_loop3A_541[%parallel_loop3A_542, %parallel_loop3A_543], %parallel_loop3A_537 {strides = array<i32>} : memref<64x256xf32, #tpu.memory_space<vmem>>, vector<16xf32>,
        %parallel_loop3A_545 = arith.mulf %parallel_loop3A_284, %parallel_loop3A_343 : vector<16xf32>
        %parallel_loop3A_546 = arith.constant 0x4B400000 : f32
        %parallel_loop3A_547 = vector.broadcast %parallel_loop3A_546 : f32 to vector<16xf32>
        %parallel_loop3A_548 = arith.addf %parallel_loop3A_545, %parallel_loop3A_547 : vector<16xf32>
        %parallel_loop3A_549 = arith.constant 0x4B400000 : f32
        %parallel_loop3A_550 = vector.broadcast %parallel_loop3A_549 : f32 to vector<16xf32>
        %parallel_loop3A_551 = arith.subf %parallel_loop3A_548, %parallel_loop3A_550 : vector<16xf32>
        %parallel_loop3A_552 = arith.mulf %parallel_loop3A_551, %parallel_loop3A_349 : vector<16xf32>
        %parallel_loop3A_553 = arith.constant 0 : i32
        %parallel_loop3A_554 = arith.constant 0 : i32
        %parallel_loop3A_555 = tpu.memref_slice %arg5[%parallel_loop3A_164, %parallel_loop3A_553, %parallel_loop3A_554] : memref<2x64x256xf32, #tpu.memory_space<vmem>> -> memref<1x64x256xf32, #tpu.memory_space<vmem>>
        %parallel_loop3A_556 = tpu.memref_squeeze %parallel_loop3A_555 : memref<1x64x256xf32, #tpu.memory_space<vmem>> -> memref<64x256xf32, #tpu.memory_space<vmem>>
        %parallel_loop3A_557 = arith.index_cast %parallel_loop3A_186 : i32 to index
        %parallel_loop3A_558 = arith.constant 208 : index
        %parallel_loop3A_559 = tpu.vector_load %parallel_loop3A_556[%parallel_loop3A_557, %parallel_loop3A_558] {strides = array<i32>} : memref<64x256xf32, #tpu.memory_space<vmem>>, vector<16xf32>,
        tpu.vector_store %parallel_loop3A_556[%parallel_loop3A_557, %parallel_loop3A_558], %parallel_loop3A_552 {strides = array<i32>} : memref<64x256xf32, #tpu.memory_space<vmem>>, vector<16xf32>,
        %parallel_loop3A_560 = arith.mulf %parallel_loop3A_291, %parallel_loop3A_343 : vector<16xf32>
        %parallel_loop3A_561 = arith.constant 0x4B400000 : f32
        %parallel_loop3A_562 = vector.broadcast %parallel_loop3A_561 : f32 to vector<16xf32>
        %parallel_loop3A_563 = arith.addf %parallel_loop3A_560, %parallel_loop3A_562 : vector<16xf32>
        %parallel_loop3A_564 = arith.constant 0x4B400000 : f32
        %parallel_loop3A_565 = vector.broadcast %parallel_loop3A_564 : f32 to vector<16xf32>
        %parallel_loop3A_566 = arith.subf %parallel_loop3A_563, %parallel_loop3A_565 : vector<16xf32>
        %parallel_loop3A_567 = arith.mulf %parallel_loop3A_566, %parallel_loop3A_349 : vector<16xf32>
        %parallel_loop3A_568 = arith.constant 0 : i32
        %parallel_loop3A_569 = arith.constant 0 : i32
        %parallel_loop3A_570 = tpu.memref_slice %arg5[%parallel_loop3A_164, %parallel_loop3A_568, %parallel_loop3A_569] : memref<2x64x256xf32, #tpu.memory_space<vmem>> -> memref<1x64x256xf32, #tpu.memory_space<vmem>>
        %parallel_loop3A_571 = tpu.memref_squeeze %parallel_loop3A_570 : memref<1x64x256xf32, #tpu.memory_space<vmem>> -> memref<64x256xf32, #tpu.memory_space<vmem>>
        %parallel_loop3A_572 = arith.index_cast %parallel_loop3A_186 : i32 to index
        %parallel_loop3A_573 = arith.constant 224 : index
        %parallel_loop3A_574 = tpu.vector_load %parallel_loop3A_571[%parallel_loop3A_572, %parallel_loop3A_573] {strides = array<i32>} : memref<64x256xf32, #tpu.memory_space<vmem>>, vector<16xf32>,
        tpu.vector_store %parallel_loop3A_571[%parallel_loop3A_572, %parallel_loop3A_573], %parallel_loop3A_567 {strides = array<i32>} : memref<64x256xf32, #tpu.memory_space<vmem>>, vector<16xf32>,
        %parallel_loop3A_575 = arith.mulf %parallel_loop3A_298, %parallel_loop3A_343 : vector<16xf32>
        %parallel_loop3A_576 = arith.constant 0x4B400000 : f32
        %parallel_loop3A_577 = vector.broadcast %parallel_loop3A_576 : f32 to vector<16xf32>
        %parallel_loop3A_578 = arith.addf %parallel_loop3A_575, %parallel_loop3A_577 : vector<16xf32>
        %parallel_loop3A_579 = arith.constant 0x4B400000 : f32
        %parallel_loop3A_580 = vector.broadcast %parallel_loop3A_579 : f32 to vector<16xf32>
        %parallel_loop3A_581 = arith.subf %parallel_loop3A_578, %parallel_loop3A_580 : vector<16xf32>
        %parallel_loop3A_582 = arith.mulf %parallel_loop3A_581, %parallel_loop3A_349 : vector<16xf32>
        %parallel_loop3A_583 = arith.constant 0 : i32
        %parallel_loop3A_584 = arith.constant 0 : i32
        %parallel_loop3A_585 = tpu.memref_slice %arg5[%parallel_loop3A_164, %parallel_loop3A_583, %parallel_loop3A_584] : memref<2x64x256xf32, #tpu.memory_space<vmem>> -> memref<1x64x256xf32, #tpu.memory_space<vmem>>
        %parallel_loop3A_586 = tpu.memref_squeeze %parallel_loop3A_585 : memref<1x64x256xf32, #tpu.memory_space<vmem>> -> memref<64x256xf32, #tpu.memory_space<vmem>>
        %parallel_loop3A_587 = arith.index_cast %parallel_loop3A_186 : i32 to index
        %parallel_loop3A_588 = arith.constant 240 : index
        %parallel_loop3A_589 = tpu.vector_load %parallel_loop3A_586[%parallel_loop3A_587, %parallel_loop3A_588] {strides = array<i32>} : memref<64x256xf32, #tpu.memory_space<vmem>>, vector<16xf32>,
        tpu.vector_store %parallel_loop3A_586[%parallel_loop3A_587, %parallel_loop3A_588], %parallel_loop3A_582 {strides = array<i32>} : memref<64x256xf32, #tpu.memory_space<vmem>>, vector<16xf32>,
      } {sc.loop_unroll_factor = 8 : i64, sc.parallel_access}
      %add3A_165 = arith.constant 1 : i32
      %add3A_166 = arith.addi %mul3A_62, %add3A_165 : i32
      %mul3A_167 = arith.constant 64 : i32
      %mul3A_168 = arith.muli %add3A_166, %mul3A_167 : i32
      %add3A_169 = arith.addi %mul3A_2, %mul3A_168 : i32
      %dma_start3A_170 = arith.constant 1 : i32
      %dma_start3A_171 = arith.constant 1 : i32
      %dma_start3A_172 = arith.constant 0 : i32
      %dma_start3A_173 = arith.constant 0 : i32
      %dma_start3A_174 = tpu.memref_slice %arg5[%dma_start3A_170, %dma_start3A_172, %dma_start3A_173] : memref<2x64x256xf32, #tpu.memory_space<vmem>> -> memref<1x64x256xf32, #tpu.memory_space<vmem>>
      %dma_start3A_175 = tpu.memref_squeeze %dma_start3A_174 : memref<1x64x256xf32, #tpu.memory_space<vmem>> -> memref<64x256xf32, #tpu.memory_space<vmem>>
      %dma_start3A_176 = arith.constant 0 : i32
      %dma_start3A_177 = tpu.memref_slice %arg3[%add3A_169, %dma_start3A_176] : memref<65536x256xf32, #tpu.memory_space<hbm>> -> memref<64x256xf32, #tpu.memory_space<hbm>>
      %dma_start3A_178 = tpu.memref_slice %arg7[%dma_start3A_171] : memref<2x!tpu.dma_semaphore, #tpu.memory_space<semaphore_mem>> -> memref<1x!tpu.dma_semaphore, #tpu.memory_space<semaphore_mem>>
      %dma_start3A_179 = tpu.memref_squeeze %dma_start3A_178 : memref<1x!tpu.dma_semaphore, #tpu.memory_space<semaphore_mem>> -> memref<!tpu.dma_semaphore, #tpu.memory_space<semaphore_mem>>
      %dma_start3A_180 = arith.constant 0 : i32
      %dma_start3A_181 = tpu.memref_slice %arg3[%add3A_169, %dma_start3A_180] : memref<65536x256xf32, #tpu.memory_space<hbm>> -> memref<64x256xf32, #tpu.memory_space<hbm>>
      %dma_start3A_182 = arith.constant 0 : i32
      %dma_start3A_183 = arith.constant 0 : i32
      %dma_start3A_184 = tpu.memref_slice %arg5[%dma_start3A_170, %dma_start3A_182, %dma_start3A_183] : memref<2x64x256xf32, #tpu.memory_space<vmem>> -> memref<1x64x256xf32, #tpu.memory_space<vmem>>
      %dma_start3A_185 = tpu.memref_squeeze %dma_start3A_184 : memref<1x64x256xf32, #tpu.memory_space<vmem>> -> memref<64x256xf32, #tpu.memory_space<vmem>>
      tpu.enqueue_dma source(%dma_start3A_185 : memref<64x256xf32, #tpu.memory_space<vmem>>) target(%dma_start3A_181 : memref<64x256xf32, #tpu.memory_space<hbm>>) target_semaphore(%dma_start3A_179 : memref<!tpu.dma_semaphore, #tpu.memory_space<semaphore_mem>>)
    }
    %scan3A_24 = arith.constant 16 : i32
    %add3A_25 = arith.constant 1920 : i32
    %add3A_26 = arith.addi %mul3A_2, %add3A_25 : i32
    %dma_wait3A = arith.constant 0 : i32
    %dma_wait3A_27 = arith.constant 0 : i32
    %dma_wait3A_28 = arith.constant 0 : i32
    %dma_wait3A_29 = arith.constant 0 : i32
    %dma_wait3A_30 = tpu.memref_slice %arg5[%dma_wait3A, %dma_wait3A_28, %dma_wait3A_29] : memref<2x64x256xf32, #tpu.memory_space<vmem>> -> memref<1x64x256xf32, #tpu.memory_space<vmem>>
    %dma_wait3A_31 = tpu.memref_squeeze %dma_wait3A_30 : memref<1x64x256xf32, #tpu.memory_space<vmem>> -> memref<64x256xf32, #tpu.memory_space<vmem>>
    %dma_wait3A_32 = arith.constant 0 : i32
    %dma_wait3A_33 = tpu.memref_slice %arg3[%add3A_26, %dma_wait3A_32] : memref<65536x256xf32, #tpu.memory_space<hbm>> -> memref<64x256xf32, #tpu.memory_space<hbm>>
    %dma_wait3A_34 = tpu.memref_slice %arg7[%dma_wait3A_27] : memref<2x!tpu.dma_semaphore, #tpu.memory_space<semaphore_mem>> -> memref<1x!tpu.dma_semaphore, #tpu.memory_space<semaphore_mem>>
    %dma_wait3A_35 = tpu.memref_squeeze %dma_wait3A_34 : memref<1x!tpu.dma_semaphore, #tpu.memory_space<semaphore_mem>> -> memref<!tpu.dma_semaphore, #tpu.memory_space<semaphore_mem>>
    %dma_wait3A_36 = arith.constant 0 : i32
    %dma_wait3A_37 = tpu.memref_slice %arg3[%add3A_26, %dma_wait3A_36] : memref<65536x256xf32, #tpu.memory_space<hbm>> -> memref<64x256xf32, #tpu.memory_space<hbm>>
    %dma_wait3A_38 = arith.constant 0 : i32
    %dma_wait3A_39 = arith.constant 0 : i32
    %dma_wait3A_40 = tpu.memref_slice %arg5[%dma_wait3A, %dma_wait3A_38, %dma_wait3A_39] : memref<2x64x256xf32, #tpu.memory_space<vmem>> -> memref<1x64x256xf32, #tpu.memory_space<vmem>>
    %dma_wait3A_41 = tpu.memref_squeeze %dma_wait3A_40 : memref<1x64x256xf32, #tpu.memory_space<vmem>> -> memref<64x256xf32, #tpu.memory_space<vmem>>
    tpu.wait_dma2 semaphore(%dma_wait3A_35 : memref<!tpu.dma_semaphore, #tpu.memory_space<semaphore_mem>>) src(%dma_wait3A_41 : memref<64x256xf32, #tpu.memory_space<vmem>>) dst(%dma_wait3A_37 : memref<64x256xf32, #tpu.memory_space<hbm>>)
    %add3A_42 = arith.constant 1984 : i32
    %add3A_43 = arith.addi %mul3A_2, %add3A_42 : i32
    %dma_wait3A_44 = arith.constant 1 : i32
    %dma_wait3A_45 = arith.constant 1 : i32
    %dma_wait3A_46 = arith.constant 0 : i32
    %dma_wait3A_47 = arith.constant 0 : i32
    %dma_wait3A_48 = tpu.memref_slice %arg5[%dma_wait3A_44, %dma_wait3A_46, %dma_wait3A_47] : memref<2x64x256xf32, #tpu.memory_space<vmem>> -> memref<1x64x256xf32, #tpu.memory_space<vmem>>
    %dma_wait3A_49 = tpu.memref_squeeze %dma_wait3A_48 : memref<1x64x256xf32, #tpu.memory_space<vmem>> -> memref<64x256xf32, #tpu.memory_space<vmem>>
    %dma_wait3A_50 = arith.constant 0 : i32
    %dma_wait3A_51 = tpu.memref_slice %arg3[%add3A_43, %dma_wait3A_50] : memref<65536x256xf32, #tpu.memory_space<hbm>> -> memref<64x256xf32, #tpu.memory_space<hbm>>
    %dma_wait3A_52 = tpu.memref_slice %arg7[%dma_wait3A_45] : memref<2x!tpu.dma_semaphore, #tpu.memory_space<semaphore_mem>> -> memref<1x!tpu.dma_semaphore, #tpu.memory_space<semaphore_mem>>
    %dma_wait3A_53 = tpu.memref_squeeze %dma_wait3A_52 : memref<1x!tpu.dma_semaphore, #tpu.memory_space<semaphore_mem>> -> memref<!tpu.dma_semaphore, #tpu.memory_space<semaphore_mem>>
    %dma_wait3A_54 = arith.constant 0 : i32
    %dma_wait3A_55 = tpu.memref_slice %arg3[%add3A_43, %dma_wait3A_54] : memref<65536x256xf32, #tpu.memory_space<hbm>> -> memref<64x256xf32, #tpu.memory_space<hbm>>
    %dma_wait3A_56 = arith.constant 0 : i32
    %dma_wait3A_57 = arith.constant 0 : i32
    %dma_wait3A_58 = tpu.memref_slice %arg5[%dma_wait3A_44, %dma_wait3A_56, %dma_wait3A_57] : memref<2x64x256xf32, #tpu.memory_space<vmem>> -> memref<1x64x256xf32, #tpu.memory_space<vmem>>
    %dma_wait3A_59 = tpu.memref_squeeze %dma_wait3A_58 : memref<1x64x256xf32, #tpu.memory_space<vmem>> -> memref<64x256xf32, #tpu.memory_space<vmem>>
    tpu.wait_dma2 semaphore(%dma_wait3A_53 : memref<!tpu.dma_semaphore, #tpu.memory_space<semaphore_mem>>) src(%dma_wait3A_59 : memref<64x256xf32, #tpu.memory_space<vmem>>) dst(%dma_wait3A_55 : memref<64x256xf32, #tpu.memory_space<hbm>>)
    return
  }
}

module attributes {stable_mosaic.version = 14 : i64} {
  func.func @_tc_body(%arg0: i32, %arg1: memref<2048x256xf32, #tpu.memory_space<vmem>>, %arg2: memref<2048x256xf32, #tpu.memory_space<vmem>>) attributes {dimension_semantics = [#tpu.dimension_semantics<arbitrary>], iteration_bounds = array<i64: 32>, scalar_prefetch = 0 : i64, scratch_operands = 0 : i64, tpu.core_type = #tpu.core_type<tc>, window_params = [{transform_indices = @transform_0, window_bounds = array<i64: 2048, 256>}, {transform_indices = @transform_1, window_bounds = array<i64: 2048, 256>}]} {
    %get3A = arith.constant 0 : index
    %get3A_0 = arith.constant 0 : index
    %get3A_1 = vector.load %arg1[%get3A, %get3A_0] : memref<2048x256xf32, #tpu.memory_space<vmem>>, vector<2048x256xf32>
    %abs3A = math.absf %get3A_1 : vector<2048x256xf32>
    %reduce_max3A = arith.constant dense<0xFF800000> : vector<2048xf32>
    %reduce_max3A_2 = vector.multi_reduction <maximumf>, %abs3A, %reduce_max3A [1] : vector<2048x256xf32> to vector<2048xf32>
    %broadcast_in_dim3A = vector.shape_cast %reduce_max3A_2 : vector<2048xf32> to vector<2048x1xf32>
    %gt3A = arith.constant 0.000000e+00 : f32
    %gt3A_3 = vector.broadcast %gt3A : f32 to vector<2048x1xf32>
    %gt3A_4 = arith.cmpf ogt, %broadcast_in_dim3A, %gt3A_3 : vector<2048x1xf32>
    %mul3A = arith.constant 0.142857149 : f32
    %mul3A_5 = vector.broadcast %mul3A : f32 to vector<2048x1xf32>
    %mul3A_6 = arith.mulf %broadcast_in_dim3A, %mul3A_5 : vector<2048x1xf32>
    %jit3A = arith.constant 1.000000e+00 : f32
    %broadcast_in_dim3A_7 = vector.broadcast %jit3A : f32 to vector<2048x1xf32>
    %select_n3A = arith.select %gt3A_4, %mul3A_6, %broadcast_in_dim3A_7 : vector<2048x1xi1>, vector<2048x1xf32>
    %gt3A_8 = arith.constant 0.000000e+00 : f32
    %gt3A_9 = vector.broadcast %gt3A_8 : f32 to vector<2048x1xf32>
    %gt3A_10 = arith.cmpf ogt, %broadcast_in_dim3A, %gt3A_9 : vector<2048x1xf32>
    %div3A = arith.constant 7.000000e+00 : f32
    %div3A_11 = vector.broadcast %div3A : f32 to vector<2048x1xf32>
    %div3A_12 = arith.divf %div3A_11, %broadcast_in_dim3A : vector<2048x1xf32>
    %jit3A_13 = arith.constant 1.000000e+00 : f32
    %broadcast_in_dim3A_14 = vector.broadcast %jit3A_13 : f32 to vector<2048x1xf32>
    %select_n3A_15 = arith.select %gt3A_10, %div3A_12, %broadcast_in_dim3A_14 : vector<2048x1xi1>, vector<2048x1xf32>
    %mul3A_16 = vector.broadcast %select_n3A_15 : vector<2048x1xf32> to vector<2048x256xf32>
    %mul3A_17 = arith.mulf %get3A_1, %mul3A_16 : vector<2048x256xf32>
    %add3A = arith.constant 0x4B400000 : f32
    %add3A_18 = vector.broadcast %add3A : f32 to vector<2048x256xf32>
    %add3A_19 = arith.addf %mul3A_17, %add3A_18 : vector<2048x256xf32>
    %sub3A = arith.constant 0x4B400000 : f32
    %sub3A_20 = vector.broadcast %sub3A : f32 to vector<2048x256xf32>
    %sub3A_21 = arith.subf %add3A_19, %sub3A_20 : vector<2048x256xf32>
    %mul3A_22 = vector.broadcast %select_n3A : vector<2048x1xf32> to vector<2048x256xf32>
    %mul3A_23 = arith.mulf %sub3A_21, %mul3A_22 : vector<2048x256xf32>
    %swap3A = arith.constant 0 : index
    %swap3A_24 = arith.constant 0 : index
    %swap3A_25 = vector.load %arg2[%swap3A, %swap3A_24] : memref<2048x256xf32, #tpu.memory_space<vmem>>, vector<2048x256xf32>
    tpu.vector_store %arg2[%swap3A, %swap3A_24], %mul3A_23 {strides = array<i32>} : memref<2048x256xf32, #tpu.memory_space<vmem>>, vector<2048x256xf32>,
    return
  }
  func.func @transform_0(%arg0: i32) -> (i32, i32) {
    %c0_i32 = arith.constant 0 : i32
    %c0_i32_0 = arith.constant 0 : i32
    return %arg0, %c0_i32 : i32, i32
  }
  func.func @transform_1(%arg0: i32) -> (i32, i32) {
    %c0_i32 = arith.constant 0 : i32
    %c0_i32_0 = arith.constant 0 : i32
    return %arg0, %c0_i32 : i32, i32
  }
}

</mosaic_0001>

<sc_bundles>
// kernel: kernel.4.cloned.1.call-start
scs
__scs_entry_jumppad:
0x0: {  	(pc) =	sbr.rel $0x88, $3  }
0x1: {  	(tag) =	ssettag $0x0;
	lr =	simm.s32 $0x1  }
0x2: {  	[smem:$0x3F9F] =	sst lr;
	_ =	strace $0xD0000000  }
0x3: {  	_ = 	snop  }
0x4: {  	_ = 	snop  }
0x5: {  	_ = 	snop  }
0x6: {  	_ = 	snop  }
0x7: {  	_ = 	snop  }
__scs_overlays_trampoline_lowered:
0x8: {  	[smem:$0x3FAE] =	sst s0  }
0x9: {  	[smem:$0x3FAF] =	sst s1  }
0xa: {  	[smem:$0x3FB0] =	sst s2  }
0xb: {  	[smem:$0x3FB1] =	sst s3  }
0xc: {  	[smem:$0x3FB2] =	sst s4  }
0xd: {  	[smem:$0x3FB3] =	sst s5  }
0xe: {  	[smem:$0x3FB4] =	sst s6  }
0xf: {  	[smem:$0x3FB5] =	sst s7  }
0x10: {  	[smem:$0x3FB6] =	sst s8  }
0x11: {  	[smem:$0x3FB7] =	sst s9;
	s0 =	simm.s32 @!p0 $0x0  }
0x12: {  	s1 =	sld [smem:$0x3F9D];
	s0 =	simm.s32 @p0 $0x1  }
0x13: {  	[smem:$0x3FB8] =	sst s0;
	s0 =	simm.s32 @!p1 $0x0  }
0x14: {  	s2 =	sld [smem:$0x3F9C];
	s0 =	simm.s32 @p1 $0x1  }
0x15: {  	[smem:$0x3FB9] =	sst s0;
	s0 =	simm.s32 @!p2 $0x0  }
0x16: {  	s3 =	sld [smem:$0x3FDB];
	s0 =	simm.s32 @p2 $0x1  }
0x17: {  	s4 =	simm.s32 $0x1BF5;
	[smem:$0x3FBB] =	sst s0  }
0x18: {  	s0 =	sld [smem:$0x3F9E];
	_ =	swait.ge [sflag:s4], $0x0  }
0x19: {  	s7 =	sld [smem:$0x3F9F]  }
0x1a: {  	s8 =	sadd.s32 $0xFFFFE003, lr  }
0x1b: {  	s9 =	sadd.s32 $0xFFFFFEF7, lr;
	s5 =	simm.s32 $0xFFFFFFFF;
	p2 =	slt.u32 s8, $0xFFFFF086  }
0x1c: {  	p1 =	slt.u32 s9, $0xF7A;
	s5 =	simm.s32 @!p2 $0x0  }
0x1d: {  	s5 =	simm.s32 @p1 $0x1;
	p0 =	seq.s32 s7, s2  }
0x1e: {  	s7 =	smul.u32 @!p0 $0xF7A, s2;
	p2 =	seq.s32 @!p0 s5, $0x0  }
0x1f: {  	s9 =	smul.u32 $0xF7A, s1;
	s8 =	simm.s32 @!p0 $0x1BF5;
	p2 =	por !p2, p0  }
0x20: {  	[sflag:s8] =	ssyncset.s32 @!p0 $0xFFFFF086;
	s6 =	sadd.s32 @!p0 s3, s7;
	s7 =	simm.s32 @!p0 $0x108  }
0x21: {  	s3 =	sadd.s32 s3, s9;
	s6 =	sadd.s32 @!p0 $0x88, s6;
	s7 =	simm.s32 @p2 $0x1082  }
0x22: {  	[simem:s7], [sflag:s8] =	dma.local @!p0 [hbm:s6], $0xF7A  }
0x23: {  	s9 =	sor.u32 $0xD0000000, s2;
	s6 =	simm.s32 $0x108;
	_ =	swait.ge @!p0 [sflag:s8], $0x0  }
0x24: {  	s3 =	sadd.s32 $0x88, s3;
	s6 =	simm.s32 @!p1 $0x1082;
	[sflag:s4] =	ssyncset.s32 $0xFFFFF086  }
0x25: {  	[simem:s6], [sflag:s4] =	dma.local [hbm:s3], $0xF7A  }
0x26: {  	[smem:$0x3F9F] =	sst s1;
	(tag) =	ssettag s2;
	_ =	strace s9  }
0x27: {  	s1 =	sld [smem:$0x3FAF]  }
0x28: {  	s2 =	sld [smem:$0x3FB0]  }
0x29: {  	s4 =	sld [smem:$0x3FB2]  }
0x2a: {  	p0 =	seq.s32 s5, $0x0;
	s5 =	sld [smem:$0x3FB3]  }
0x2b: {  	s6 =	sld [smem:$0x3FB4]  }
0x2c: {  	s7 =	sld [smem:$0x3FB5]  }
0x2d: {  	s3 =	simm.s32 $0x108;
	s8 =	sld [smem:$0x3FB6]  }
0x2e: {  	s3 =	simm.s32 @!p0 $0x1082;
	s9 =	sld [smem:$0x3FB7]  }
0x2f: {  	lr =	sadd.s32 s0, s3;
	s0 =	sld [smem:$0x3FAE]  }
0x30: {  	s3 =	sld [smem:$0x3FB1]  }
0x31: {  	[smem:$0x3FBA] =	sst s10  }
0x32: {  	s10 =	sld [smem:$0x3FB8];
	_ =	sdelay $0x3  }
0x33: {  	p0 =	seq.s32 s10, $0x1;
	s10 =	sld [smem:$0x3FBA];
	_ =	sdelay $0x3  }
0x34: {  	[smem:$0x3FBA] =	sst s10  }
0x35: {  	s10 =	sld [smem:$0x3FB9];
	_ =	sdelay $0x3  }
0x36: {  	p1 =	seq.s32 s10, $0x1;
	s10 =	sld [smem:$0x3FBA];
	_ =	sdelay $0x3  }
0x37: {  	[smem:$0x3FBA] =	sst s10  }
0x38: {  	s10 =	sld [smem:$0x3FBB]  }
0x39: {  	_ = 	snop;
	(pc) =	sbr.ind lr, $3  }
0x3a: {  	_ = 	snop  }
0x3b: {  	_ = 	snop  }
0x3c: {  	p2 =	seq.s32 s10, $0x1;
	s10 =	sld [smem:$0x3FBA]  }
0x3d: {  	_ =	shalt  }
0x3e: {  	_ =	shalt  }
0x3f: {  	_ =	shalt  }
0x40: {  	_ =	shalt  }
0x41: {  	_ =	shalt  }
0x42: {  	_ =	shalt  }
0x43: {  	_ =	shalt  }
0x44: {  	_ =	shalt  }
0x45: {  	_ =	shalt  }
0x46: {  	_ =	shalt  }
0x47: {  	_ =	shalt  }
0x48: {  	_ =	shalt  }
0x49: {  	_ =	shalt  }
0x4a: {  	_ =	shalt  }
0x4b: {  	_ =	shalt  }
0x4c: {  	_ =	shalt  }
0x4d: {  	_ =	shalt  }
0x4e: {  	_ =	shalt  }
0x4f: {  	_ =	shalt  }
0x50: {  	_ =	shalt  }
0x51: {  	_ =	shalt  }
0x52: {  	_ =	shalt  }
0x53: {  	_ =	shalt  }
0x54: {  	_ =	shalt  }
0x55: {  	_ =	shalt  }
0x56: {  	_ =	shalt  }
0x57: {  	_ =	shalt  }
0x58: {  	_ =	shalt  }
0x59: {  	_ =	shalt  }
0x5a: {  	_ =	shalt  }
0x5b: {  	_ =	shalt  }
0x5c: {  	_ =	shalt  }
0x5d: {  	_ =	shalt  }
0x5e: {  	_ =	shalt  }
0x5f: {  	_ =	shalt  }
0x60: {  	_ =	shalt  }
0x61: {  	_ =	shalt  }
0x62: {  	_ =	shalt  }
0x63: {  	_ =	shalt  }
0x64: {  	_ =	shalt  }
0x65: {  	_ =	shalt  }
0x66: {  	_ =	shalt  }
0x67: {  	_ =	shalt  }
0x68: {  	_ =	shalt  }
0x69: {  	_ =	shalt  }
0x6a: {  	_ =	shalt  }
0x6b: {  	_ =	shalt  }
0x6c: {  	_ =	shalt  }
0x6d: {  	_ =	shalt  }
0x6e: {  	_ =	shalt  }
0x6f: {  	_ =	shalt  }
0x70: {  	_ =	shalt  }
0x71: {  	_ =	shalt  }
0x72: {  	_ =	shalt  }
0x73: {  	_ =	shalt  }
0x74: {  	_ =	shalt  }
0x75: {  	_ =	shalt  }
0x76: {  	_ =	shalt  }
0x77: {  	_ =	shalt  }
0x78: {  	_ =	shalt  }
0x79: {  	_ =	shalt  }
0x7a: {  	_ =	shalt  }
0x7b: {  	_ =	shalt  }
0x7c: {  	_ =	shalt  }
0x7d: {  	_ =	shalt  }
0x7e: {  	_ =	shalt  }
0x7f: {  	_ =	shalt  }
0x80: {  	_ =	shalt  }
0x81: {  	_ =	shalt  }
0x82: {  	_ =	shalt  }
0x83: {  	_ =	shalt  }
0x84: {  	_ =	shalt  }
0x85: {  	_ =	shalt  }
0x86: {  	_ =	shalt  }
0x87: {  	_ =	shalt  }
.Lfunc_end0:
.L_simem_size_0:
called_computation_lowered:
.L_overlay_start_0:
0x88: {  	s2 =	sld [smem:$0x3FD9]  }
0x89: {  	s3 =	sld [smem:$0x3FFE];
	_ =	sdelay $0x1  }
0x8a: {  	s1 =	srdreg.scid  }
0x8b: {  	s0 =	sand.u32 $0x1, s1  }
0x8c: {  	s15 =	sshll.u32 s0, $0xA;
	s2 =	sadd.s32 s3, s2  }
0x8d: {  	s2 =	sadd.s32 s2, s15  }
0x8e: {  	[smem:$0x3FC6] =	sst s2  }
0x8f: {  	_ = 	snop  }
0x90: {  	s2 =	sld [smem:$0x3FD0];
	_ =	sdelay $0x2  }
0x91: {  	s4 =	simm.s32 $0xA;
	s5 =	simm.s32 $0x10;
	s16 =	sld [smem:$0x3FC8]  }
0x92: {  	[smem:s5], [sflag:s4] =	dma.local [hbm:s2], $0x1  }
0x93: {  	_ =	swait.eq [sflag:s4], $0x1  }
0x94: {  	[sflag:s4] =	ssyncset.done $0x0  }
0x95: {  	[sflag:s4] =	ssyncadd.s32 $0xFFFFFFFF  }
0x96: {  	s17 =	sld [smem:$0x11];
	(tm) =	ssettm $0x1  }
0x97: {  	s18 =	sld [smem:$0x3FFB];
	_ =	sdelay $0x3  }
0x98: {  	_ =	strace s18  }
0x99: {  	s4 =	sld [smem:$0x3FFC];
	_ =	sdelay $0x3  }
0x9a: {  	_ =	strace s4  }
0x9b: {  	s4 =	sld [smem:$0x3FFD];
	_ =	sdelay $0x3  }
0x9c: {  	_ =	strace s4  }
0x9d: {  	_ =	strace $0x8FFFFFFF  }
0x9e: {  	s19 =	sld [smem:$0x3FDB];
	_ =	sdelay $0x1  }
0x9f: {  	s20 =	simm.s32 $_scs_section_size  }
0xa0: {  	s6 =	simm.s32 $_size__tile_overlayer_lowered;
	s7 =	simm.s32 $_tile_overlayer_lowered  }
0xa1: {  	s23 =	simm.s32 $0x1BFF;
	s22 =	sshll.u32 s7, $0x1;
	s4 =	sadd.s32 s20, s19  }
0xa2: {  	s8 =	simm.s32 $0x0;
	s21 =	sshll.u32 s6, $0x1;
	s6 =	sadd.s32 s22, s4  }
0xa3: {  	[timem:s8], [sflag:s23] =	dma.local [hbm:s6], s21  }
0xa4: {  	_ =	swait.ge [sflag:s23], s21  }
0xa5: {  	s5 =	ssub.s32 $0x0, s21;
	[sflag:s23] =	ssyncset.done $0x0  }
0xa6: {  	[sflag:s23] =	ssyncadd.s32 s5;
	_ =	sdelay $0x1  }
0xa7: {  	s24 =	simm.s32 $0x1B8B  }
0xa8: {  	_ =	swait.ge [sflag:s24], $0x1  }
0xa9: {  	[sflag:s24] =	ssyncset.done $0x0  }
0xaa: {  	s25 =	simm.s32 $0x1B8E;
	[sflag:s24] =	ssyncadd.s32 $0xFFFFFFFF  }
0xab: {  	s26 =	simm.s32 $execute0_lowered;
	[smem:$0x3FD2] =	sst s25  }
0xac: {  	s5 =	sshll.u32 s26, $0x1;
	_ =	strace $0x80000046;
	[dreg:$0x1] =	wrdreg $0xFFFFFFFF  }
0xad: {  	s28 =	simm.s32 $_size_execute0_lowered;
	s4 =	sadd.s32 s4, s5;
	[dreg:$0x0] =	wrdreg $0x0  }
0xae: {  	s5 =	sshll.u32 s28, $0x1;
	[dreg:$0x2] =	wrdreg s4  }
0xaf: {  	[dreg:$0x3] =	wrdreg s5  }
0xb0: {  	[dreg:$0x4] =	wrdreg $0xC0  }
0xb1: {  	_ =	task [dreg:s8], $0x5FFFF  }
0xb2: {  	[dreg:$0x1] =	wrdreg $0xFFFFFFFF  }
0xb3: {  	[dreg:$0x0] =	wrdreg $0x60  }
0xb4: {  	[dreg:$0x2] =	wrdreg s16  }
0xb5: {  	[dreg:$0x3] =	wrdreg s17  }
0xb6: {  	[dreg:$0x4] =	wrdreg $0x9  }
0xb7: {  	_ =	task.clear_ibuf [dreg:s8], $0x5FFFF;
	_ =	strace $0x90000046  }
0xb8: {  	s29 =	simm.s32 $0x9;
	_ =	strace $0x80000048  }
0xb9: {  	_ =	swait.ge [sflag:s29], $0x1  }
0xba: {  	[sflag:s29] =	ssyncadd.s32 $0xFFFFFFFF  }
0xbb: {  	_ =	strace $0x90000048  }
0xbc: {  	_ =	sfence  }
0xbd: {  	s30 =	sld [smem:$0x0];
	_ =	sdelay $0x2  }
0xbe: {  	s31 =	sshll.u32 s1, $0xD;
	s1 =	sshrl.u32 s1, $0x2  }
0xbf: {  	s3 =	sand.u32 $0x4000, s31;
	s1 =	sadd.s32 s1, s30  }
0xc0: {  	s0 =	sor.u32 s3, s0;
	s1 =	sshll.u32 s1, $0x11  }
0xc1: {  	s0 =	sor.u32 s1, s0  }
0xc2: {  	s0 =	sadd.s32 $0x8F2B, s0  }
0xc3: {  	[sflag:s0] =	ssyncadd.remote.s32 $0x1  }
0xc4: {  	_ =	sfence.sel $0xFFFF  }
0xc5: {  	[dreg:$0x0] =	wrdreg $0xFFFFFFFF;
	(pc) =	sbr.abs _section_cstart, $3  }
0xc6: {  	[dreg:$0x1] =	wrdreg $0xFFFFFFFF  }
0xc7: {  	_ =	task.clear_ibuf [dreg:s8], $0x2FFFF;
	_ =	strace $0x9FFFFFFF  }
0xc8: {  	(tm) =	ssettm $0x7FFFFFFF  }
0xc9: {  	_ =	shalt  }
tec
execute0_lowered:
.L_overlay_start_1:
0x0: {  	(tag) =	ssettag $0x1  }
0x1: {  	s1 =	rddreg [dreg:$0x0]  }
0x2: {  	s3 =	rddreg [dreg:$0x1]  }
0x3: {  	s0 =	rddreg [dreg:$0x2];
	s5 =	srdreg.scid  }
0x4: {  	s4 =	simm.s32 $0x0;
	s2 =	stileid.u32;
	s10 =	simm.s32 $0x4000  }
0x5: {  	s11 =	simm.s32 $0x1;
	s12 =	simm.s32 $0x8000;
	s13 =	simm.s32 $0x2  }
0x6: {  	s14 =	simm.s32 $0x4;
	s15 =	simm.s32 $0xC000;
	s16 =	simm.s32 $0x3  }
0x7: {  	s17 =	simm.s32 $0x0;
	s5 =	sand.u32 $0x1, s5;
	s7 =	sshll.u32 s2, $0x11  }
0x8: {  	[smem:$0x7FF] =	sst s4;
	s6 =	ssub.s32 $0x2, s5;
	s5 =	sshll.u32 s5, $0x10  }
0x9: {  	_ =	strace $0x80000047;
	s8 =	sshrl.u32 s6, $0x1;
	s9 =	sor.u32 s5, s7  }
0xa: {  	s8 =	ssub.s32 s6, s8;
	s5 =	sadd.s32 s1, s9;
	s6 =	sadd.s32 s3, s9  }
0xb: {  	s9 =	sor.u32 $0x800, s9;
	s7 =	sadd.s32 $0x1000, s5;
	s8 =	smax.u32 s8, $0x1  }
.LBB2_1:
0xc: {  	[tilespmem:s4], [sflag:$0x1] =	stream.linear.gather [hbm4b:s5+s4], $0x4000, $0x38;
	[tilespmem:$0x10000] =	vst v63  }
0xd: {  	s18 =	simm.s32 $0x0  }
.LBB2_2:
0xe: {  	s20 =	sshll.u32 s18, $0xC  }
0xf: {  	s19 =	sadd.s32 s9, s20  }
0x10: {  	s21 =	sadd.s32 s1, s19  }
0x11: {  	[tilespmem:s10], [sflag:$0x2] =	stream.linear.gather [hbm4b:s21+s4], $0x4000, $0x38;
	[tilespmem:$0x10000] =	vst v63  }
0x12: {  	_ =	swait.ge [sflag:s11], $0x4000  }
0x13: {  	p0 =	seq.s32 s18, $0x0;
	[sflag:s11] =	ssyncset.done $0x0  }
0x14: {  	s21 =	simm.s32 @!p0 $0x3;
	[sflag:s11] =	ssyncadd.s32 $0xFFFFC000  }
0x15: {  	_ =	swait.ge @!p0 [sflag:s21], $0x4000  }
0x16: {  	[sflag:s21] =	ssyncset.done @!p0 $0x0  }
0x17: {  	[sflag:s21] =	ssyncadd.s32 @!p0 $0xFFFFC000;
	s21 =	simm.s32 $0x0  }
.LBB2_3:
0x18: {  	s22 =	sshll.u32 s21, $0x8  }
0x19: {  	v27 =	vld [tilespmem:s22+$0x0]  }
0x1a: {  	v28 =	vld [tilespmem:s22+$0x10]  }
0x1b: {  	v29 =	vld [tilespmem:s22+$0x20]  }
0x1c: {  	v30 =	vld [tilespmem:s22+$0x30]  }
0x1d: {  	v31 =	vld [tilespmem:s22+$0x40]  }
0x1e: {  	v26 =	vld [tilespmem:s22+$0x50]  }
0x1f: {  	v21 =	vld [tilespmem:s22+$0x60];
	v0 =	vand.u32 $0x7FFFFFFF, v27;
	v1 =	vand.u32 $0x7FFFFFFF, v28  }
0x20: {  	v23 =	vld [tilespmem:s22+$0x70];
	s23 =	sor.u32 $0x400, s22;
	v13 =	vand.u32 $0x7FFFFFFF, v29;
	v0 =	vmax.f32 v0, v1  }
0x21: {  	s26 =	sor.u32 $0x410, s22;
	v18 =	vld [tilespmem:s23+$0x0];
	v14 =	vand.u32 $0x7FFFFFFF, v30;
	v0 =	vmax.f32 v0, v13  }
0x22: {  	s28 =	sor.u32 $0x420, s22;
	v20 =	vld [tilespmem:s26+$0x0];
	v15 =	vand.u32 $0x7FFFFFFF, v31;
	v0 =	vmax.f32 v0, v14  }
0x23: {  	s29 =	sor.u32 $0x430, s22;
	v24 =	vld [tilespmem:s28+$0x0];
	v16 =	vand.u32 $0x7FFFFFFF, v26;
	v0 =	vmax.f32 v0, v15  }
0x24: {  	s30 =	sor.u32 $0x440, s22;
	v25 =	vld [tilespmem:s29+$0x0];
	v17 =	vand.u32 $0x7FFFFFFF, v21;
	v0 =	vmax.f32 v0, v16  }
0x25: {  	s31 =	sor.u32 $0x450, s22;
	v19 =	vand.u32 $0x7FFFFFFF, v23;
	v13 =	vld [tilespmem:s30+$0x0];
	v0 =	vmax.f32 v0, v17  }
0x26: {  	s24 =	sor.u32 $0x460, s22;
	v22 =	vand.u32 $0x7FFFFFFF, v18;
	v14 =	vld [tilespmem:s31+$0x0];
	v0 =	vmax.f32 v0, v19  }
0x27: {  	s25 =	sor.u32 $0x470, s22;
	v32 =	vand.u32 $0x7FFFFFFF, v20;
	v16 =	vld [tilespmem:s24+$0x0];
	v0 =	vmax.f32 v0, v22  }
0x28: {  	v33 =	vand.u32 $0x7FFFFFFF, v24;
	v19 =	vld [tilespmem:s25+$0x0];
	v0 =	vmax.f32 v0, v32  }
0x29: {  	v34 =	vand.u32 $0x7FFFFFFF, v25;
	v0 =	vmax.f32 v0, v33  }
0x2a: {  	v35 =	vand.u32 $0x7FFFFFFF, v13;
	v0 =	vmax.f32 v0, v34  }
0x2b: {  	v36 =	vand.u32 $0x7FFFFFFF, v14;
	v0 =	vmax.f32 v0, v35  }
0x2c: {  	v37 =	vand.u32 $0x7FFFFFFF, v16;
	v0 =	vmax.f32 v0, v36  }
0x2d: {  	v38 =	vand.u32 $0x7FFFFFFF, v19;
	v0 =	vmax.f32 v0, v37  }
0x2e: {  	v0 =	vmax.f32 v0, v38  }
0x2f: {  	(xrf0) =	vmax.scan.msk.f32 $0xffff, v0  }
0x30: {  	v12 =	vld [tilespmem:s22+$0xB0]  }
0x31: {  	v11 =	vld [tilespmem:s22+$0xC0]  }
0x32: {  	v17 =	vld [tilespmem:s22+$0x90]  }
0x33: {  	v22 =	vld [tilespmem:s22+$0x80]  }
0x34: {  	v15 =	vld [tilespmem:s22+$0xA0]  }
0x35: {  	v10 =	vld [tilespmem:s22+$0xD0];
	v0, _, _ =	vpop (xrf0)  }
0x36: {  	v9 =	vld [tilespmem:s22+$0xE0];
	v32 =	vbroadcast v0, $0xF  }
0x37: {  	v2 =	vld [tilespmem:s22+$0xF0];
	s26 =	sor.u32 $0x480, s22  }
0x38: {  	s28 =	sor.u32 $0x490, s22;
	v5 =	vld [tilespmem:s26+$0x0];
	v40 =	vand.u32 $0x7FFFFFFF, v17;
	v39 =	vand.u32 $0x7FFFFFFF, v22;
	(erf) = vrcp.f32 v32  }
0x39: {  	s29 =	sor.u32 $0x4A0, s22;
	v8 =	vld [tilespmem:s28+$0x0];
	v41 =	vand.u32 $0x7FFFFFFF, v15;
	v0 =	vmax.f32 v39, v40  }
0x3a: {  	v3 =	vld [tilespmem:s29+$0x0];
	v42 =	vand.u32 $0x7FFFFFFF, v12;
	s30 =	sor.u32 $0x4B0, s22;
	v0 =	vmax.f32 v0, v41  }
0x3b: {  	v43 =	vand.u32 $0x7FFFFFFF, v11;
	v6 =	vld [tilespmem:s30+$0x0];
	s31 =	sor.u32 $0x4C0, s22;
	v0 =	vmax.f32 v0, v42  }
0x3c: {  	v44 =	vand.u32 $0x7FFFFFFF, v10;
	v7 =	vld [tilespmem:s31+$0x0];
	s24 =	sor.u32 $0x4D0, s22;
	v0 =	vmax.f32 v0, v43  }
0x3d: {  	v45 =	vand.u32 $0x7FFFFFFF, v9;
	v4 =	vld [tilespmem:s24+$0x0];
	v0 =	vmax.f32 v0, v44  }
0x3e: {  	v46 =	vand.u32 $0x7FFFFFFF, v2;
	s25 =	sor.u32 $0x4E0, s22;
	v0 =	vmax.f32 v0, v45  }
0x3f: {  	s26 =	sor.u32 $0x4F0, s22;
	v33 =	vand.u32 $0x7FFFFFFF, v5;
	v1 =	vmax.f32 v0, v46;
	v0 =	vld [tilespmem:s25+$0x0]  }
0x40: {  	v47 =	vand.u32 $0x7FFFFFFF, v3;
	v34 =	vand.u32 $0x7FFFFFFF, v8;
	v33 =	vmax.f32 v1, v33;
	v1 =	vld [tilespmem:s26+$0x0]  }
0x41: {  	v48 =	vand.u32 $0x7FFFFFFF, v6;
	v49 =	vand.u32 $0x7FFFFFFF, v7;
	v33 =	vmax.f32 v33, v34;
	v35 =	vpop (erf)  }
0x42: {  	v50 =	vand.u32 $0x7FFFFFFF, v4;
	v33 =	vmax.f32 v33, v47;
	v35 =	vmul.f32 $7.000000000e+00, v35  }
0x43: {  	vm0 =	vgt.f32 v32, $0.0e+00;
	v32 =	vmul.f32 $1.428571490e-01, v32;
	v33 =	vmax.f32 v33, v48  }
0x44: {  	v33 =	vmax.f32 v33, v49;
	v51 =	vand.u32 $0x7FFFFFFF, v0;
	v35 =	vnsel vm0, $0x3F800000, v35  }
0x45: {  	v33 =	vmax.f32 v33, v50;
	v52 =	vand.u32 $0x7FFFFFFF, v1;
	v27 =	vmul.f32 v35, v27  }
0x46: {  	v33 =	vmax.f32 v33, v51;
	v28 =	vmul.f32 v35, v28;
	v29 =	vmul.f32 v35, v29  }
0x47: {  	v33 =	vmax.f32 v33, v52;
	v30 =	vmul.f32 v35, v30;
	v31 =	vmul.f32 v35, v31  }
0x48: {  	(xrf0) =	vmax.scan.msk.f32 $0xffff, v33;
	v26 =	vmul.f32 v35, v26;
	v56 =	vmul.f32 v35, v21  }
0x49: {  	v23 =	vmul.f32 v35, v23;
	v18 =	vmul.f32 v35, v18  }
0x4a: {  	v20 =	vmul.f32 v35, v20;
	v24 =	vmul.f32 v35, v24;
	v27 =	vadd.f32 $1.258291200e+07, v27  }
0x4b: {  	v62 =	vmul.f32 v35, v25;
	v28 =	vadd.f32 $1.258291200e+07, v28;
	v29 =	vadd.f32 $1.258291200e+07, v29  }
0x4c: {  	v13 =	vmul.f32 v35, v13;
	v53 =	vadd.f32 $1.258291200e+07, v30;
	v55 =	vadd.f32 $1.258291200e+07, v31  }
0x4d: {  	v14 =	vmul.f32 v35, v14;
	v26 =	vadd.f32 $1.258291200e+07, v26;
	v60 =	vadd.f32 $1.258291200e+07, v56  }
0x4e: {  	v16 =	vmul.f32 v35, v16;
	v23 =	vadd.f32 $1.258291200e+07, v23;
	v18 =	vadd.f32 $1.258291200e+07, v18;
	v57, _, _ =	vpop (xrf0)  }
0x4f: {  	v20 =	vadd.f32 $1.258291200e+07, v20;
	v24 =	vadd.f32 $1.258291200e+07, v24;
	v58 =	vbroadcast v57, $0xF  }
0x50: {  	v19 =	vmul.f32 v35, v19;
	v25 =	vadd.f32 $1.258291200e+07, v62;
	v34 =	vadd.f32 $1.258291200e+07, v13  }
0x51: {  	v36 =	vadd.f32 $1.258291200e+07, v14;
	v28 =	vadd.f32 $-1.258291200e+07, v28;
	(erf) = vrcp.f32 v58  }
0x52: {  	v32 =	vnsel vm0, $0x3F800000, v32;
	v16 =	vadd.f32 $1.258291200e+07, v16;
	v19 =	vadd.f32 $1.258291200e+07, v19  }
0x53: {  	v27 =	vadd.f32 $-1.258291200e+07, v27;
	v29 =	vadd.f32 $-1.258291200e+07, v29;
	v28 =	vmul.f32 v28, v32  }
0x54: {  	s26 =	sor.u32 $0x160, s22;
	v26 =	vadd.f32 $-1.258291200e+07, v26;
	v61 =	vadd.f32 $-1.258291200e+07, v23  }
0x55: {  	v35 =	vld [tilespmem:s26+$0x0];
	v18 =	vadd.f32 $-1.258291200e+07, v18;
	[tilespmem:$0x1FD30] =	vst v28;
	v28 =	vadd.f32 $-1.258291200e+07, v55  }
0x56: {  	s28 =	sor.u32 $0x100, s22;
	v20 =	vadd.f32 $-1.258291200e+07, v20;
	v24 =	vadd.f32 $-1.258291200e+07, v24  }
0x57: {  	s29 =	sor.u32 $0x110, s22;
	v13 =	vld [tilespmem:s28+$0x0];
	v18 =	vmul.f32 v18, v32;
	v30 =	vmul.f32 v28, v32;
	v28 =	vadd.f32 $-1.258291200e+07, v25  }
0x58: {  	s31 =	sor.u32 $0x130, s22;
	v14 =	vld [tilespmem:s29+$0x0];
	v37 =	vadd.f32 $-1.258291200e+07, v34;
	v38 =	vadd.f32 $-1.258291200e+07, v36  }
0x59: {  	s30 =	sor.u32 $0x120, s22;
	v31 =	vld [tilespmem:s31+$0x0];
	v39 =	vadd.f32 $-1.258291200e+07, v16;
	v19 =	vadd.f32 $-1.258291200e+07, v19;
	[tilespmem:$0x1FD80] =	vst v18;
	v18 =	vmul.f32 v28, v32  }
0x5a: {  	s24 =	sor.u32 $0x140, s22;
	v16 =	vld [tilespmem:s30+$0x0];
	v52 =	vand.u32 $0x7FFFFFFF, v35;
	v27 =	vmul.f32 v27, v32;
	v54 =	vmul.f32 v29, v32;
	v33 =	vpop (erf)  }
0x5b: {  	s25 =	sor.u32 $0x150, s22;
	v34 =	vld [tilespmem:s24+$0x0];
	v29 =	vadd.f32 $-1.258291200e+07, v60;
	v20 =	vmul.f32 v20, v32;
	[tilespmem:$0x1FDB0] =	vst v18;
	v18 =	vmul.f32 $7.000000000e+00, v33  }
0x5c: {  	s28 =	sor.u32 $0x170, s22;
	v36 =	vld [tilespmem:s25+$0x0];
	v40 =	vmul.f32 v37, v32;
	v42 =	vmul.f32 v39, v32;
	[tilespmem:$0x1FD20] =	vst v27;
	vm9 =	vgt.f32 v58, $0.0e+00  }
0x5d: {  	s29 =	sor.u32 $0x500, s22;
	v19 =	vmul.f32 v19, v32;
	v37 =	vld [tilespmem:s28+$0x0];
	v44 =	vand.u32 $0x7FFFFFFF, v13;
	[tilespmem:$0x1FD90] =	vst v20;
	v20 =	vnsel vm9, $0x3F800000, v18  }
0x5e: {  	s30 =	sor.u32 $0x510, s22;
	v39 =	vld [tilespmem:s29+$0x0];
	v45 =	vand.u32 $0x7FFFFFFF, v14;
	v48 =	vand.u32 $0x7FFFFFFF, v31;
	[tilespmem:$0x1FDC0] =	vst v40;
	v22 =	vmul.f32 v20, v22  }
0x5f: {  	s24 =	sor.u32 $0x530, s22;
	v27 =	vadd.f32 $-1.258291200e+07, v53;
	v63 =	vmul.f32 v29, v32;
	[tilespmem:$0x1FDF0] =	vst v19;
	v19 =	vmax.f32 v44, v45;
	v40 =	vld [tilespmem:s30+$0x0]  }
0x60: {  	s26 =	sor.u32 $0x550, s22;
	[tilespmem:$0x1FDE0] =	vst v42;
	v42 =	vld [tilespmem:s24+$0x0];
	v41 =	vmul.f32 $1.428571490e-01, v58;
	v18 =	vmul.f32 v38, v32;
	v43 =	vadd.f32 $1.258291200e+07, v22  }
0x61: {  	s28 =	sor.u32 $0x560, s22;
	v44 =	vld [tilespmem:s26+$0x0];
	v46 =	vand.u32 $0x7FFFFFFF, v16;
	v49 =	vand.u32 $0x7FFFFFFF, v34;
	v17 =	vmul.f32 v20, v17  }
0x62: {  	s29 =	sor.u32 $0x570, s22;
	v45 =	vld [tilespmem:s28+$0x0];
	v59 =	vmul.f32 v27, v32;
	v27 =	vmul.f32 v26, v32;
	[tilespmem:$0x1FDD0] =	vst v18;
	v18 =	vadd.f32 $-1.258291200e+07, v43  }
0x63: {  	s31 =	sor.u32 $0x520, s22;
	v47 =	vmax.f32 v19, v46;
	v46 =	vld [tilespmem:s29+$0x0];
	v28 =	vnsel vm9, $0x3F800000, v41;
	v17 =	vadd.f32 $1.258291200e+07, v17  }
0x64: {  	v50 =	vand.u32 $0x7FFFFFFF, v36;
	v26 =	vmul.f32 v61, v32;
	v41 =	vld [tilespmem:s31+$0x0];
	v18 =	vmul.f32 v18, v28  }
0x65: {  	[tilespmem:$0x1FD40] =	vst v54;
	v53 =	vand.u32 $0x7FFFFFFF, v37;
	v54 =	vand.u32 $0x7FFFFFFF, v39;
	v17 =	vadd.f32 $-1.258291200e+07, v17  }
0x66: {  	v55 =	vand.u32 $0x7FFFFFFF, v40;
	v57 =	vand.u32 $0x7FFFFFFF, v42;
	[tilespmem:$0x1FE00] =	vst v18;
	v18 =	vmax.f32 v47, v48  }
0x67: {  	[tilespmem:$0x1FD50] =	vst v59;
	v59 =	vand.u32 $0x7FFFFFFF, v44;
	v17 =	vmul.f32 v17, v28;
	v18 =	vmax.f32 v18, v49  }
0x68: {  	s25 =	sor.u32 $0x540, s22;
	v60 =	vand.u32 $0x7FFFFFFF, v45;
	v61 =	vand.u32 $0x7FFFFFFF, v46;
	v51 =	vmax.f32 v18, v50  }
0x69: {  	v56 =	vand.u32 $0x7FFFFFFF, v41;
	v15 =	vmul.f32 v20, v15;
	v43 =	vld [tilespmem:s25+$0x0];
	[tilespmem:$0x1FE10] =	vst v17;
	v17 =	vmax.f32 v51, v52  }
0x6a: {  	v12 =	vmul.f32 v20, v12;
	v11 =	vmul.f32 v20, v11;
	v17 =	vmax.f32 v17, v53  }
0x6b: {  	v10 =	vmul.f32 v20, v10;
	v9 =	vmul.f32 v20, v9;
	v17 =	vmax.f32 v17, v54  }
0x6c: {  	v2 =	vmul.f32 v20, v2;
	v5 =	vmul.f32 v20, v5;
	v17 =	vmax.f32 v17, v55  }
0x6d: {  	v8 =	vmul.f32 v20, v8;
	v3 =	vmul.f32 v20, v3;
	v17 =	vmax.f32 v17, v56  }
0x6e: {  	v7 =	vmul.f32 v20, v7;
	v58 =	vand.u32 $0x7FFFFFFF, v43;
	v17 =	vmax.f32 v17, v57  }
0x6f: {  	v4 =	vmul.f32 v20, v4;
	v15 =	vadd.f32 $1.258291200e+07, v15;
	v17 =	vmax.f32 v17, v58  }
0x70: {  	v12 =	vadd.f32 $1.258291200e+07, v12;
	v11 =	vadd.f32 $1.258291200e+07, v11;
	v17 =	vmax.f32 v17, v59  }
0x71: {  	v10 =	vadd.f32 $1.258291200e+07, v10;
	v9 =	vadd.f32 $1.258291200e+07, v9;
	v17 =	vmax.f32 v17, v60  }
0x72: {  	v2 =	vadd.f32 $1.258291200e+07, v2;
	v5 =	vadd.f32 $1.258291200e+07, v5;
	v62 =	vmax.f32 v17, v61  }
0x73: {  	v0 =	vmul.f32 v20, v0;
	v8 =	vadd.f32 $1.258291200e+07, v8;
	v3 =	vadd.f32 $1.258291200e+07, v3;
	(xrf0) =	vmax.scan.msk.f32 $0xffff, v62  }
0x74: {  	v1 =	vmul.f32 v20, v1;
	v7 =	vadd.f32 $1.258291200e+07, v7;
	v4 =	vadd.f32 $1.258291200e+07, v4  }
0x75: {  	v0 =	vadd.f32 $1.258291200e+07, v0;
	v12 =	vadd.f32 $-1.258291200e+07, v12  }
0x76: {  	v29 =	vmul.f32 v24, v32;
	s24 =	sor.u32 $0x1A0, s22;
	[tilespmem:$0x1FD60] =	vst v63;
	v1 =	vadd.f32 $1.258291200e+07, v1;
	v63 =	vadd.f32 $-1.258291200e+07, v2  }
0x77: {  	s30 =	sor.u32 $0x180, s22;
	v33 =	vld [tilespmem:s24+$0x0];
	v15 =	vadd.f32 $-1.258291200e+07, v15;
	v23 =	vadd.f32 $-1.258291200e+07, v7;
	v12 =	vmul.f32 v12, v28  }
0x78: {  	[tilespmem:$0x1FD70] =	vst v26;
	s31 =	sor.u32 $0x190, s22;
	v38 =	vld [tilespmem:s30+$0x0];
	v11 =	vadd.f32 $-1.258291200e+07, v11;
	v10 =	vadd.f32 $-1.258291200e+07, v10;
	v19 =	vmul.f32 v63, v28  }
0x79: {  	s28 =	sor.u32 $0x1D0, s22;
	v32 =	vld [tilespmem:s31+$0x0];
	v9 =	vadd.f32 $-1.258291200e+07, v9;
	v15 =	vmul.f32 v15, v28;
	v26 =	vmul.f32 v23, v28;
	[tilespmem:$0x1FE30] =	vst v12;
	v17, _, _ =	vpop (xrf0)  }
0x7a: {  	s31 =	sor.u32 $0x580, s22;
	v5 =	vadd.f32 $-1.258291200e+07, v5;
	v12 =	vmul.f32 v20, v6;
	[tilespmem:$0x1FE70] =	vst v19;
	v19 =	vld [tilespmem:s28+$0x0];
	v2 =	vbroadcast v17, $0xF  }
0x7b: {  	v3 =	vadd.f32 $-1.258291200e+07, v3;
	v25 =	vadd.f32 $-1.258291200e+07, v4;
	[tilespmem:$0x1FE20] =	vst v15;
	v20 =	vld [tilespmem:s31+$0x0];
	s28 =	sor.u32 $0x5C0, s22  }
0x7c: {  	s26 =	sor.u32 $0x1C0, s22;
	v15 =	vadd.f32 $-1.258291200e+07, v8;
	[tilespmem:$0x1FEC0] =	vst v26;
	v26 =	vld [tilespmem:s28+$0x0];
	v18 =	vadd.f32 $1.258291200e+07, v12;
	(erf) = vrcp.f32 v2  }
0x7d: {  	[tilespmem:$0x1FDA0] =	vst v29;
	s25 =	sor.u32 $0x1B0, s22;
	v29 =	vand.u32 $0x7FFFFFFF, v38;
	v0 =	vadd.f32 $-1.258291200e+07, v0;
	v3 =	vmul.f32 v3, v28;
	v12 =	vld [tilespmem:s26+$0x0]  }
0x7e: {  	s29 =	sor.u32 $0x1E0, s22;
	v11 =	vmul.f32 v11, v28;
	v22 =	vmul.f32 v15, v28;
	v21 =	vadd.f32 $-1.258291200e+07, v18;
	v18 =	vld [tilespmem:s25+$0x0]  }
0x7f: {  	s24 =	sor.u32 $0x590, s22;
	v1 =	vadd.f32 $-1.258291200e+07, v1;
	v10 =	vmul.f32 v10, v28;
	v9 =	vmul.f32 v9, v28;
	[tilespmem:$0x1FEA0] =	vst v3;
	v15 =	vld [tilespmem:s29+$0x0]  }
0x80: {  	v5 =	vmul.f32 v5, v28;
	v47 =	vand.u32 $0x7FFFFFFF, v32;
	v3 =	vmul.f32 v25, v28;
	s29 =	sor.u32 $0x5E0, s22;
	[tilespmem:$0x1FE90] =	vst v22;
	v22 =	vld [tilespmem:s24+$0x0]  }
0x81: {  	s30 =	sor.u32 $0x1F0, s22;
	v0 =	vmul.f32 v0, v28;
	v48 =	vmax.f32 v29, v47;
	v49 =	vand.u32 $0x7FFFFFFF, v33;
	v29 =	vld [tilespmem:s29+$0x0]  }
0x82: {  	v1 =	vmul.f32 v1, v28;
	[tilespmem:$0x1FED0] =	vst v3;
	v3 =	vmax.f32 v48, v49;
	v24 =	vmul.f32 v21, v28;
	v17 =	vld [tilespmem:s30+$0x0]  }
0x83: {  	s25 =	sor.u32 $0x5A0, s22;
	v52 =	vand.u32 $0x7FFFFFFF, v19;
	v23 =	vand.u32 $0x7FFFFFFF, v26;
	v50 =	vand.u32 $0x7FFFFFFF, v18  }
0x84: {  	v51 =	vand.u32 $0x7FFFFFFF, v12;
	v53 =	vand.u32 $0x7FFFFFFF, v15;
	[tilespmem:$0x1FEB0] =	vst v24;
	v24 =	vld [tilespmem:s25+$0x0];
	s25 =	sor.u32 $0x210, s22;
	v3 =	vmax.f32 v3, v50  }
0x85: {  	v56 =	vand.u32 $0x7FFFFFFF, v20;
	v58 =	vand.u32 $0x7FFFFFFF, v22;
	v21 =	vld [tilespmem:s25+$0x0];
	v3 =	vmax.f32 v3, v51;
	v54 =	vpop (erf)  }
0x86: {  	[tilespmem:$0x1FE80] =	vst v5;
	s25 =	sor.u32 $0x270, s22;
	v3 =	vmax.f32 v3, v52;
	v52 =	vand.u32 $0x7FFFFFFF, v29;
	v5 =	vmul.f32 $7.000000000e+00, v54  }
0x87: {  	s29 =	sor.u32 $0x240, s22;
	v8 =	vld [tilespmem:s25+$0x0];
	v3 =	vmax.f32 v3, v53;
	vm10 =	vgt.f32 v2, $0.0e+00;
	v55 =	vand.u32 $0x7FFFFFFF, v17  }
0x88: {  	[tilespmem:$0x1FE50] =	vst v10;
	s31 =	sor.u32 $0x200, s22;
	v10 =	vld [tilespmem:s29+$0x0];
	v2 =	vmul.f32 $1.428571490e-01, v2;
	v3 =	vmax.f32 v3, v55;
	v57 =	vnsel vm10, $0x3F800000, v5  }
0x89: {  	[tilespmem:$0x1FEE0] =	vst v0;
	v63 =	vld [tilespmem:s31+$0x0];
	s26 =	sor.u32 $0x5B0, s22;
	v0 =	vmax.f32 v3, v56;
	v3 =	vmul.f32 v57, v13;
	v4 =	vmul.f32 v57, v14  }
0x8a: {  	[tilespmem:$0x1FE40] =	vst v11;
	v25 =	vld [tilespmem:s26+$0x0];
	s24 =	sor.u32 $0x5D0, s22;
	v47 =	vand.u32 $0x7FFFFFFF, v21;
	v59 =	vmul.f32 v57, v16;
	v11 =	vmul.f32 v57, v31  }
0x8b: {  	s31 =	sor.u32 $0x260, s22;
	v28 =	vld [tilespmem:s24+$0x0];
	v0 =	vmax.f32 v0, v58;
	v34 =	vmul.f32 v57, v34;
	v36 =	vmul.f32 v57, v36  }
0x8c: {  	[tilespmem:$0x1FE60] =	vst v9;
	v9 =	vld [tilespmem:s31+$0x0];
	v58 =	vand.u32 $0x7FFFFFFF, v8;
	v35 =	vmul.f32 v57, v35;
	v37 =	vmul.f32 v57, v37  }
0x8d: {  	v54 =	vand.u32 $0x7FFFFFFF, v10;
	v39 =	vmul.f32 v57, v39;
	v40 =	vmul.f32 v57, v40  }
0x8e: {  	v13 =	vand.u32 $0x7FFFFFFF, v24;
	v41 =	vmul.f32 v57, v41;
	v42 =	vmul.f32 v57, v42  }
0x8f: {  	v14 =	vand.u32 $0x7FFFFFFF, v25;
	v43 =	vmul.f32 v57, v43;
	v48 =	vmul.f32 v57, v44  }
0x90: {  	v45 =	vmul.f32 v57, v45;
	v50 =	vmul.f32 v57, v46;
	v44 =	vand.u32 $0x7FFFFFFF, v28  }
0x91: {  	s26 =	sor.u32 $0x220, s22;
	v46 =	vand.u32 $0x7FFFFFFF, v63;
	v57 =	vand.u32 $0x7FFFFFFF, v9;
	v0 =	vmax.f32 v0, v13  }
0x92: {  	s30 =	sor.u32 $0x5F0, s22;
	v16 =	vld [tilespmem:s26+$0x0];
	v49 =	vmax.f32 v46, v47;
	v3 =	vadd.f32 $1.258291200e+07, v3;
	v4 =	vadd.f32 $1.258291200e+07, v4  }
0x93: {  	v31 =	vld [tilespmem:s30+$0x0];
	v0 =	vmax.f32 v0, v14;
	v5 =	vadd.f32 $1.258291200e+07, v59;
	v61 =	vadd.f32 $1.258291200e+07, v11  }
0x94: {  	s30 =	sor.u32 $0x250, s22;
	v11 =	vnsel vm10, $0x3F800000, v2;
	v36 =	vadd.f32 $1.258291200e+07, v36;
	v47 =	vadd.f32 $1.258291200e+07, v35  }
0x95: {  	s26 =	sor.u32 $0x600, s22;
	v13 =	vld [tilespmem:s30+$0x0];
	v50 =	vadd.f32 $1.258291200e+07, v50;
	v0 =	vmax.f32 v0, v23;
	v23 =	vadd.f32 $1.258291200e+07, v34  }
0x96: {  	s28 =	sor.u32 $0x230, s22;
	v7 =	vld [tilespmem:s26+$0x0];
	v0 =	vmax.f32 v0, v44;
	v3 =	vadd.f32 $-1.258291200e+07, v3;
	v60 =	vadd.f32 $-1.258291200e+07, v4  }
0x97: {  	v14 =	vld [tilespmem:s28+$0x0];
	v62 =	vadd.f32 $-1.258291200e+07, v5;
	v34 =	vadd.f32 $-1.258291200e+07, v61;
	v51 =	vand.u32 $0x7FFFFFFF, v16  }
0x98: {  	v0 =	vmax.f32 v0, v52;
	v55 =	vand.u32 $0x7FFFFFFF, v31;
	v44 =	vadd.f32 $-1.258291200e+07, v23  }
0x99: {  	[tilespmem:$0x1FEF0] =	vst v1;
	s28 =	sor.u32 $0x610, s22;
	v52 =	vadd.f32 $-1.258291200e+07, v36;
	v23 =	vadd.f32 $1.258291200e+07, v42;
	v1 =	vmax.f32 v49, v51  }
0x9a: {  	s29 =	sor.u32 $0x620, s22;
	v6 =	vld [tilespmem:s28+$0x0];
	v56 =	vand.u32 $0x7FFFFFFF, v13;
	v0 =	vmax.f32 v0, v55;
	v49 =	vmul.f32 v3, v11  }
0x9b: {  	v5 =	vld [tilespmem:s29+$0x0];
	v59 =	vand.u32 $0x7FFFFFFF, v7;
	v46 =	vmul.f32 v60, v11;
	v2 =	vmul.f32 v62, v11  }
0x9c: {  	v3 =	vmul.f32 v34, v11;
	v60 =	vadd.f32 $1.258291200e+07, v41;
	v53 =	vand.u32 $0x7FFFFFFF, v14  }
0x9d: {  	v55 =	vadd.f32 $1.258291200e+07, v39;
	(xrf0) =	vmax.scan.msk.f32 $0xffff, v0;
	v35 =	vadd.f32 $-1.258291200e+07, v23;
	v1 =	vmax.f32 v1, v53  }
0x9e: {  	[tilespmem:$0x1FF00] =	vst v2;
	v53 =	vadd.f32 $1.258291200e+07, v37;
	v2 =	vmul.f32 v52, v11;
	v36 =	vadd.f32 $-1.258291200e+07, v60  }
0x9f: {  	s30 =	sor.u32 $0x630, s22;
	v52 =	vadd.f32 $1.258291200e+07, v43;
	v37 =	vand.u32 $0x7FFFFFFF, v6;
	v1 =	vmax.f32 v1, v54  }
0xa0: {  	s26 =	sor.u32 $0x660, s22;
	v4 =	vld [tilespmem:s30+$0x0];
	v54 =	vadd.f32 $-1.258291200e+07, v47;
	v42 =	vand.u32 $0x7FFFFFFF, v5;
	v1 =	vmax.f32 v1, v56  }
0xa1: {  	s28 =	sor.u32 $0x280, s22;
	v23 =	vld [tilespmem:s26+$0x0];
	v56 =	vmul.f32 v44, v11;
	v34 =	vadd.f32 $-1.258291200e+07, v52;
	v1 =	vmax.f32 v1, v57  }
0xa2: {  	s31 =	sor.u32 $0x640, s22;
	v60 =	vld [tilespmem:s28+$0x0];
	v57 =	vadd.f32 $-1.258291200e+07, v53;
	v61 =	vmul.f32 v54, v11;
	v1 =	vmax.f32 v1, v58  }
0xa3: {  	s25 =	sor.u32 $0x650, s22;
	[tilespmem:$0x1FF10] =	vst v3;
	v3 =	vld [tilespmem:s31+$0x0];
	v53 =	vadd.f32 $1.258291200e+07, v48;
	v58 =	vadd.f32 $1.258291200e+07, v40;
	v51 =	vmax.f32 v1, v59;
	v52, _, _ =	vpop (xrf0)  }
0xa4: {  	s29 =	sor.u32 $0x290, s22;
	[tilespmem:$0x1FF30] =	vst v2;
	v2 =	vld [tilespmem:s25+$0x0];
	v59 =	vadd.f32 $-1.258291200e+07, v55;
	v44 =	vmul.f32 v57, v11;
	v39 =	vbroadcast v52, $0xF  }
0xa5: {  	s31 =	sor.u32 $0x2B0, s22;
	v55 =	vadd.f32 $1.258291200e+07, v45;
	v45 =	vmul.f32 v36, v11;
	v48 =	vadd.f32 $-1.258291200e+07, v53;
	v57 =	vld [tilespmem:s29+$0x0]  }
0xa6: {  	s30 =	sor.u32 $0x2A0, s22;
	[tilespmem:$0x1FF40] =	vst v61;
	v53 =	vmul.f32 v35, v11;
	v61 =	vld [tilespmem:s31+$0x0];
	v62 =	vadd.f32 $-1.258291200e+07, v58;
	(erf) = vrcp.f32 v39  }
0xa7: {  	s25 =	sor.u32 $0x2C0, s22;
	v43 =	vand.u32 $0x7FFFFFFF, v60;
	v58 =	vadd.f32 $-1.258291200e+07, v50;
	v47 =	vmul.f32 v59, v11;
	v59 =	vld [tilespmem:s30+$0x0]  }
0xa8: {  	s26 =	sor.u32 $0x2D0, s22;
	[tilespmem:$0x1FF20] =	vst v56;
	v41 =	vmax.f32 v51, v37;
	v56 =	vmul.f32 v48, v11;
	v54 =	vmul.f32 v62, v11;
	v62 =	vld [tilespmem:s25+$0x0]  }
0xa9: {  	s28 =	sor.u32 $0x2E0, s22;
	[tilespmem:$0x1FF70] =	vst v53;
	v48 =	vand.u32 $0x7FFFFFFF, v4;
	v0 =	vand.u32 $0x7FFFFFFF, v2;
	v40 =	vmul.f32 v58, v11;
	v58 =	vld [tilespmem:s26+$0x0]  }
0xaa: {  	v53 =	vld [tilespmem:s28+$0x0];
	vm11 =	vgt.f32 v39, $0.0e+00;
	v39 =	vmul.f32 $1.428571490e-01, v39;
	[tilespmem:$0x1FF50] =	vst v54;
	v54 =	vadd.f32 $-1.258291200e+07, v55  }
0xab: {  	s31 =	sor.u32 $0x670, s22;
	[tilespmem:$0x1FF60] =	vst v45;
	v55 =	vmul.f32 v34, v11;
	v45 =	vand.u32 $0x7FFFFFFF, v57;
	v52 =	vand.u32 $0x7FFFFFFF, v61  }
0xac: {  	v1 =	vld [tilespmem:s31+$0x0];
	[tilespmem:$0x1FF90] =	vst v56;
	v36 =	vmul.f32 v54, v11;
	v11 =	vmax.f32 v41, v42;
	v50 =	vand.u32 $0x7FFFFFFF, v59  }
0xad: {  	[tilespmem:$0x1FFB0] =	vst v40;
	v34 =	vmax.f32 v43, v45;
	v54 =	vand.u32 $0x7FFFFFFF, v3;
	v35 =	vmax.f32 v11, v48  }
0xae: {  	s29 =	sor.u32 $0x2F0, s22;
	[tilespmem:$0x1FF80] =	vst v55;
	v51 =	vmax.f32 v34, v50;
	v55 =	vand.u32 $0x7FFFFFFF, v62;
	v56 =	vand.u32 $0x7FFFFFFF, v58  }
0xaf: {  	v11 =	vand.u32 $0x7FFFFFFF, v53;
	[tilespmem:$0x1FFA0] =	vst v36;
	v36 =	vld [tilespmem:s29+$0x0];
	v37 =	vmax.f32 v51, v52;
	v40 =	vmax.f32 v35, v54;
	v50 =	vpop (erf)  }
0xb0: {  	s30 =	sor.u32 $0x680, s22;
	v51 =	vand.u32 $0x7FFFFFFF, v23;
	v37 =	vmax.f32 v37, v55;
	v42 =	vmul.f32 $7.000000000e+00, v50  }
0xb1: {  	s25 =	sor.u32 $0x690, s22;
	v34 =	vld [tilespmem:s30+$0x0];
	v54 =	vand.u32 $0x7FFFFFFF, v1;
	v40 =	vmax.f32 v40, v0;
	v37 =	vmax.f32 v37, v56  }
0xb2: {  	s26 =	sor.u32 $0x6A0, s22;
	v35 =	vld [tilespmem:s25+$0x0];
	v40 =	vmax.f32 v40, v51;
	v45 =	vmax.f32 v37, v11;
	v42 =	vnsel vm11, $0x3F800000, v42  }
0xb3: {  	s29 =	sor.u32 $0x6C0, s22;
	v37 =	vld [tilespmem:s26+$0x0];
	v40 =	vmax.f32 v40, v54;
	v38 =	vmul.f32 v42, v38;
	v32 =	vmul.f32 v42, v32  }
0xb4: {  	s28 =	sor.u32 $0x6B0, s22;
	v54 =	vld [tilespmem:s29+$0x0];
	v48 =	vand.u32 $0x7FFFFFFF, v36;
	v43 =	vmul.f32 v42, v33;
	v18 =	vmul.f32 v42, v18  }
0xb5: {  	v41 =	vmax.f32 v45, v48;
	v48 =	vld [tilespmem:s28+$0x0];
	v12 =	vmul.f32 v42, v12;
	v19 =	vmul.f32 v42, v19  }
0xb6: {  	v52 =	vand.u32 $0x7FFFFFFF, v34;
	v15 =	vmul.f32 v42, v15;
	v17 =	vmul.f32 v42, v17  }
0xb7: {  	v55 =	vand.u32 $0x7FFFFFFF, v35;
	v20 =	vmul.f32 v42, v20;
	v22 =	vmul.f32 v42, v22  }
0xb8: {  	(xrf0) =	vmax.scan.msk.f32 $0xffff, v40;
	v41 =	vmax.f32 v41, v52;
	v51 =	vmul.f32 v42, v24;
	v40 =	vmul.f32 v42, v28  }
0xb9: {  	v29 =	vmul.f32 v42, v29;
	v41 =	vmax.f32 v41, v55;
	v56 =	vand.u32 $0x7FFFFFFF, v37  }
0xba: {  	v11 =	vand.u32 $0x7FFFFFFF, v54;
	v41 =	vmax.f32 v41, v56;
	v0 =	vand.u32 $0x7FFFFFFF, v48  }
0xbb: {  	s30 =	sor.u32 $0x6D0, s22;
	v38 =	vadd.f32 $1.258291200e+07, v38;
	v52 =	vadd.f32 $1.258291200e+07, v32;
	v41 =	vmax.f32 v41, v0  }
0xbc: {  	v33 =	vld [tilespmem:s30+$0x0];
	v12 =	vadd.f32 $1.258291200e+07, v12;
	v41 =	vmax.f32 v41, v11;
	v11 =	vadd.f32 $1.258291200e+07, v43  }
0xbd: {  	v55 =	vmul.f32 v42, v25;
	v19 =	vadd.f32 $1.258291200e+07, v19;
	v15 =	vadd.f32 $1.258291200e+07, v15  }
0xbe: {  	s31 =	sor.u32 $0x6E0, s22;
	v32 =	vnsel vm11, $0x3F800000, v39;
	v39 =	vadd.f32 $1.258291200e+07, v20;
	v51 =	vadd.f32 $1.258291200e+07, v51  }
0xbf: {  	v24 =	vld [tilespmem:s31+$0x0];
	v56 =	vmul.f32 v42, v26;
	v29 =	vadd.f32 $1.258291200e+07, v29;
	v0 =	vadd.f32 $-1.258291200e+07, v38  }
0xc0: {  	v42 =	vmul.f32 v42, v31;
	v26 =	vadd.f32 $-1.258291200e+07, v52;
	v43 =	vadd.f32 $-1.258291200e+07, v11;
	v11, _, _ =	vpop (xrf0)  }
0xc1: {  	v50 =	vand.u32 $0x7FFFFFFF, v33;
	v45 =	vmul.f32 v0, v32;
	v0 =	vbroadcast v11, $0xF  }
0xc2: {  	v12 =	vadd.f32 $-1.258291200e+07, v12;
	v25 =	vmax.f32 v41, v50;
	v50 =	vmul.f32 v26, v32  }
0xc3: {  	v15 =	vadd.f32 $-1.258291200e+07, v15;
	v52 =	vmul.f32 v43, v32;
	v43 =	vld [tilespmem:$0x1FD30];
	(erf) = vrcp.f32 v0  }
0xc4: {  	v28 =	vmul.f32 v12, v32;
	v41 =	vand.u32 $0x7FFFFFFF, v24;
	v26 =	vadd.f32 $-1.258291200e+07, v19  }
0xc5: {  	v19 =	vadd.f32 $-1.258291200e+07, v39;
	v41 =	vmax.f32 v25, v41;
	[tilespmem:$0x1FFC0] =	vst v50;
	v50 =	vadd.f32 $1.258291200e+07, v22  }
0xc6: {  	v31 =	vld [tilespmem:$0x1FD40];
	v25 =	vmul.f32 v26, v32;
	v26 =	vmul.f32 v15, v32;
	v15 =	vadd.f32 $-1.258291200e+07, v51  }
0xc7: {  	v39 =	vld [tilespmem:$0x1FD50];
	v12 =	vadd.f32 $-1.258291200e+07, v50;
	v50 =	vmul.f32 v19, v32;
	v19 =	vadd.f32 $1.258291200e+07, v40  }
0xc8: {  	[tilespmem:s22+$0x8010] =	vst v43;
	v43 =	vadd.f32 $1.258291200e+07, v56;
	v56 =	vld [tilespmem:$0x1FD80]  }
0xc9: {  	[tilespmem:s22+$0x8040] =	vst v30;
	v38 =	vld [tilespmem:$0x1FD20];
	v30 =	vmul.f32 v15, v32;
	v15 =	vadd.f32 $-1.258291200e+07, v19;
	v19 =	vadd.f32 $-1.258291200e+07, v29  }
0xca: {  	[tilespmem:s22+$0x8050] =	vst v27;
	v51 =	vld [tilespmem:$0x1FD70]  }
0xcb: {  	[tilespmem:s22+$0x8020] =	vst v31;
	v20 =	vmul.f32 v19, v32;
	v19 =	vld [tilespmem:$0x1FDA0]  }
0xcc: {  	v17 =	vadd.f32 $1.258291200e+07, v17;
	[tilespmem:s22+$0x8030] =	vst v39;
	v29 =	vpop (erf)  }
0xcd: {  	v39 =	vadd.f32 $1.258291200e+07, v42;
	[tilespmem:s22+$0x8400] =	vst v56;
	v56 =	vmul.f32 v15, v32;
	v15 =	vmul.f32 $7.000000000e+00, v29  }
0xce: {  	s25 =	sor.u32 $0x300, s22;
	v31 =	vld [tilespmem:$0x1FD60];
	[tilespmem:s22+$0x8000] =	vst v38;
	v27 =	vmul.f32 v12, v32;
	vm12 =	vgt.f32 v0, $0.0e+00;
	v12 =	vadd.f32 $-1.258291200e+07, v43  }
0xcf: {  	v17 =	vadd.f32 $-1.258291200e+07, v17;
	v38 =	vadd.f32 $1.258291200e+07, v55;
	v55 =	vld [tilespmem:s25+$0x0];
	[tilespmem:s22+$0x8070] =	vst v51;
	v15 =	vnsel vm12, $0x3F800000, v15  }
0xd0: {  	s24 =	sor.u32 $0x6F0, s22;
	v51 =	vmul.f32 v12, v32;
	v12 =	vadd.f32 $-1.258291200e+07, v39;
	[tilespmem:s22+$0x8420] =	vst v19;
	v19 =	vmul.f32 v15, v63;
	v63 =	vld [tilespmem:$0x1FDF0]  }
0xd1: {  	s26 =	sor.u32 $0x310, s22;
	v22 =	vmul.f32 v17, v32;
	v17 =	vadd.f32 $-1.258291200e+07, v38;
	v38 =	vld [tilespmem:s24+$0x0]  }
0xd2: {  	v43 =	vld [tilespmem:s26+$0x0];
	[tilespmem:$0x1FFE0] =	vst v20;
	v20 =	vmul.f32 v12, v32  }
0xd3: {  	v29 =	vld [tilespmem:$0x1FDB0]  }
0xd4: {  	[tilespmem:$0x1FFF0] =	vst v20;
	v20 =	vld [tilespmem:$0x1FDD0]  }
0xd5: {  	s29 =	sor.u32 $0x330, s22;
	v18 =	vadd.f32 $1.258291200e+07, v18;
	[tilespmem:s22+$0x8470] =	vst v63;
	v63 =	vld [tilespmem:$0x1FE10]  }
0xd6: {  	s28 =	sor.u32 $0x320, s22;
	v40 =	vld [tilespmem:s29+$0x0];
	[tilespmem:$0x1FFD0] =	vst v52  }
0xd7: {  	v18 =	vadd.f32 $-1.258291200e+07, v18;
	[tilespmem:s22+$0x8060] =	vst v31;
	v42 =	vld [tilespmem:s28+$0x0]  }
0xd8: {  	v39 =	vand.u32 $0x7FFFFFFF, v38;
	[tilespmem:s22+$0x8430] =	vst v29;
	v29 =	vld [tilespmem:$0x1FDC0]  }
0xd9: {  	v52 =	vmul.f32 v18, v32;
	v18 =	vld [tilespmem:$0x1FD90];
	v31 =	vmul.f32 v17, v32;
	v12 =	vmax.f32 v41, v39;
	[tilespmem:s22+$0x8450] =	vst v20  }
0xda: {  	s30 =	sor.u32 $0x340, s22;
	v32 =	vand.u32 $0x7FFFFFFF, v55;
	v41 =	vand.u32 $0x7FFFFFFF, v43;
	v20 =	vmul.f32 v15, v21;
	[tilespmem:s22+$0x8090] =	vst v63;
	v63 =	vld [tilespmem:$0x1FE40]  }
0xdb: {  	v39 =	vld [tilespmem:s30+$0x0];
	v17 =	vmax.f32 v32, v41  }
0xdc: {  	v32 =	vand.u32 $0x7FFFFFFF, v42;
	v21 =	vmul.f32 v15, v13;
	v13 =	vadd.f32 $1.258291200e+07, v20;
	v20 =	vld [tilespmem:$0x1FE50]  }
0xdd: {  	v17 =	vmax.f32 v17, v32;
	v32 =	vld [tilespmem:$0x1FDE0];
	[tilespmem:s22+$0x8440] =	vst v29;
	v29 =	vand.u32 $0x7FFFFFFF, v40  }
0xde: {  	v17 =	vmax.f32 v17, v29;
	v29 =	vld [tilespmem:$0x1FE00]  }
0xdf: {  	s31 =	sor.u32 $0x350, s22;
	[tilespmem:s22+$0x80C0] =	vst v63;
	v63 =	vld [tilespmem:$0x1FE60]  }
0xe0: {  	[tilespmem:s22+$0x8410] =	vst v18;
	v41 =	vld [tilespmem:s31+$0x0]  }
0xe1: {  	s24 =	sor.u32 $0x360, s22;
	[tilespmem:s22+$0x80D0] =	vst v20;
	v20 =	vld [tilespmem:$0x1FE70]  }
0xe2: {  	s25 =	sor.u32 $0x370, s22;
	v0 =	vmul.f32 $1.428571490e-01, v0;
	[tilespmem:s22+$0x8460] =	vst v32;
	v32 =	vld [tilespmem:s24+$0x0]  }
0xe3: {  	v16 =	vmul.f32 v15, v16;
	v14 =	vmul.f32 v15, v14;
	[tilespmem:s22+$0x8080] =	vst v29;
	v29 =	vld [tilespmem:s25+$0x0]  }
0xe4: {  	v10 =	vmul.f32 v15, v10;
	v18 =	vand.u32 $0x7FFFFFFF, v39;
	v9 =	vmul.f32 v15, v9;
	[tilespmem:s22+$0x80E0] =	vst v63;
	v63 =	vld [tilespmem:$0x1FE80]  }
0xe5: {  	(xrf0) =	vmax.scan.msk.f32 $0xffff, v12;
	v8 =	vmul.f32 v15, v8;
	v11 =	vand.u32 $0x7FFFFFFF, v41;
	v17 =	vmax.f32 v17, v18;
	v18 =	vld [tilespmem:$0x1FE20]  }
0xe6: {  	v7 =	vmul.f32 v15, v7;
	v5 =	vmul.f32 v15, v5;
	v12 =	vmax.f32 v17, v11;
	[tilespmem:s22+$0x80F0] =	vst v20;
	v20 =	vld [tilespmem:$0x1FEA0]  }
0xe7: {  	v17 =	vmul.f32 v15, v6;
	v11 =	vmul.f32 v15, v23;
	v23 =	vand.u32 $0x7FFFFFFF, v32  }
0xe8: {  	v6 =	vadd.f32 $1.258291200e+07, v19;
	v19 =	vld [tilespmem:$0x1FE30];
	v12 =	vmax.f32 v12, v23;
	v23 =	vand.u32 $0x7FFFFFFF, v29  }
0xe9: {  	v4 =	vmul.f32 v15, v4;
	v3 =	vmul.f32 v15, v3;
	v10 =	vadd.f32 $1.258291200e+07, v10;
	[tilespmem:s22+$0x8480] =	vst v63;
	v63 =	vld [tilespmem:$0x1FEB0]  }
0xea: {  	v2 =	vmul.f32 v15, v2;
	v8 =	vadd.f32 $1.258291200e+07, v8;
	v7 =	vadd.f32 $1.258291200e+07, v7;
	[tilespmem:s22+$0x80A0] =	vst v18  }
0xeb: {  	v5 =	vadd.f32 $1.258291200e+07, v5;
	v4 =	vadd.f32 $1.258291200e+07, v4;
	v18 =	vmax.f32 v12, v23;
	[tilespmem:s22+$0x84A0] =	vst v20;
	v20 =	vld [tilespmem:$0x1FEC0];
	v23, _, _ =	vpop (xrf0)  }
0xec: {  	v3 =	vadd.f32 $1.258291200e+07, v3;
	v21 =	vadd.f32 $1.258291200e+07, v21;
	v23 =	vbroadcast v23, $0xF  }
0xed: {  	v1 =	vmul.f32 v15, v1;
	[tilespmem:s22+$0x80B0] =	vst v19;
	v19 =	vld [tilespmem:$0x1FE90];
	v12 =	vadd.f32 $-1.258291200e+07, v13;
	v13 =	vadd.f32 $1.258291200e+07, v16  }
0xee: {  	s26 =	sor.u32 $0x700, s22;
	v8 =	vadd.f32 $-1.258291200e+07, v8;
	v16 =	vnsel vm12, $0x3F800000, v0;
	(erf) = vrcp.f32 v23;
	[tilespmem:s22+$0x84B0] =	vst v63;
	v63 =	vld [tilespmem:$0x1FED0]  }
0xef: {  	v0 =	vadd.f32 $1.258291200e+07, v14;
	v15 =	vadd.f32 $-1.258291200e+07, v13;
	v13 =	vmul.f32 v12, v16;
	v12 =	vld [tilespmem:s26+$0x0]  }
0xf0: {  	v7 =	vadd.f32 $-1.258291200e+07, v7;
	v21 =	vadd.f32 $-1.258291200e+07, v21;
	[tilespmem:s22+$0x84C0] =	vst v20;
	v20 =	vld [tilespmem:$0x1FEE0]  }
0xf1: {  	[tilespmem:s22+$0x8100] =	vst v49;
	v49 =	vld [tilespmem:$0x1FF00];
	v14 =	vadd.f32 $-1.258291200e+07, v10;
	v0 =	vadd.f32 $-1.258291200e+07, v0  }
0xf2: {  	[tilespmem:s22+$0x8490] =	vst v19;
	v19 =	vadd.f32 $1.258291200e+07, v9;
	v9 =	vmul.f32 v15, v16;
	v15 =	vmul.f32 v21, v16;
	v21 =	vld [tilespmem:$0x1FEF0]  }
0xf3: {  	v10 =	vmul.f32 v0, v16;
	v0 =	vadd.f32 $1.258291200e+07, v17;
	[tilespmem:s22+$0x84D0] =	vst v63;
	v63 =	vmul.f32 v8, v16;
	v8 =	vld [tilespmem:$0x1FF20]  }
0xf4: {  	[tilespmem:s22+$0x8110] =	vst v46;
	v5 =	vadd.f32 $-1.258291200e+07, v5;
	v19 =	vadd.f32 $-1.258291200e+07, v19  }
0xf5: {  	v4 =	vadd.f32 $-1.258291200e+07, v4;
	v0 =	vadd.f32 $-1.258291200e+07, v0;
	v46 =	vand.u32 $0x7FFFFFFF, v12;
	[tilespmem:s22+$0x84E0] =	vst v20;
	v20 =	vld [tilespmem:$0x1FF10]  }
0xf6: {  	[tilespmem:s22+$0x8120] =	vst v49;
	v17 =	vmul.f32 v19, v16;
	v19 =	vmul.f32 v7, v16;
	v7 =	vmax.f32 v18, v46  }
0xf7: {  	s28 =	sor.u32 $0x710, s22;
	v46 =	vmul.f32 v0, v16;
	v0 =	vadd.f32 $-1.258291200e+07, v3;
	v3 =	vadd.f32 $1.258291200e+07, v2;
	[tilespmem:s22+$0x84F0] =	vst v21;
	v21 =	vpop (erf)  }
0xf8: {  	v49 =	vld [tilespmem:s28+$0x0];
	v18 =	vmul.f32 v5, v16;
	v5 =	vadd.f32 $1.258291200e+07, v1;
	[tilespmem:s22+$0x8140] =	vst v8;
	v8 =	vmul.f32 $7.000000000e+00, v21  }
0xf9: {  	s29 =	sor.u32 $0x720, s22;
	vm13 =	vgt.f32 v23, $0.0e+00;
	v1 =	vmul.f32 v0, v16;
	v3 =	vadd.f32 $-1.258291200e+07, v3;
	v21 =	vld [tilespmem:$0x1FF30]  }
0xfa: {  	v2 =	vld [tilespmem:s29+$0x0];
	v5 =	vadd.f32 $-1.258291200e+07, v5;
	[tilespmem:s22+$0x8130] =	vst v20;
	v20 =	vmul.f32 v4, v16;
	v0 =	vnsel vm13, $0x3F800000, v8  }
0xfb: {  	v4 =	vadd.f32 $1.258291200e+07, v11;
	v8 =	vmul.f32 v0, v61;
	v61 =	vmul.f32 v0, v62;
	v62 =	vld [tilespmem:$0x1FF80]  }
0xfc: {  	[tilespmem:s22+$0x8170] =	vst v44;
	v11 =	vld [tilespmem:$0x1FF40]  }
0xfd: {  	[tilespmem:s22+$0x8500] =	vst v47;
	v44 =	vmul.f32 v3, v16;
	v47 =	vmul.f32 v5, v16;
	v4 =	vadd.f32 $-1.258291200e+07, v4  }
0xfe: {  	v5 =	vmul.f32 $1.428571490e-01, v23;
	v23 =	vld [tilespmem:$0x1FF60];
	v3 =	vmul.f32 v0, v60;
	[tilespmem:s22+$0x8150] =	vst v21;
	v21 =	vand.u32 $0x7FFFFFFF, v49  }
0xff: {  	v60 =	vmul.f32 v4, v16;
	v4 =	vmax.f32 v7, v21;
	v7 =	vmul.f32 v0, v59;
	v59 =	vld [tilespmem:$0x1FF70]  }
0x100: {  	v6 =	vadd.f32 $-1.258291200e+07, v6;
	v21 =	vand.u32 $0x7FFFFFFF, v2;
	[tilespmem:s22+$0x8540] =	vst v62;
	v62 =	vld [tilespmem:$0x1FFB0]  }
0x101: {  	[tilespmem:s22+$0x8160] =	vst v11;
	v3 =	vadd.f32 $1.258291200e+07, v3;
	v11 =	vmax.f32 v4, v21;
	v4 =	vmul.f32 v0, v57;
	v57 =	vld [tilespmem:$0x1FF90]  }
0x102: {  	[tilespmem:s22+$0x8180] =	vst v45;
	v6 =	vmul.f32 v6, v16  }
0x103: {  	v14 =	vmul.f32 v14, v16;
	[tilespmem:s22+$0x8520] =	vst v23;
	v16 =	vld [tilespmem:$0x1FF50];
	v3 =	vadd.f32 $-1.258291200e+07, v3;
	v23 =	vadd.f32 $1.258291200e+07, v7  }
0x104: {  	v45 =	vld [tilespmem:$0x1FFC0];
	v7 =	vadd.f32 $1.258291200e+07, v8;
	v8 =	vadd.f32 $1.258291200e+07, v61;
	[tilespmem:s22+$0x8530] =	vst v59  }
0x105: {  	s30 =	sor.u32 $0x730, s22;
	v61 =	vld [tilespmem:$0x1FFA0];
	v21 =	vadd.f32 $-1.258291200e+07, v23;
	v59 =	vnsel vm13, $0x3F800000, v5;
	[tilespmem:s22+$0x8570] =	vst v62;
	v62 =	vmul.f32 v0, v53  }
0x106: {  	v4 =	vadd.f32 $1.258291200e+07, v4;
	[tilespmem:s22+$0x8550] =	vst v57;
	v57 =	vmul.f32 v3, v59;
	v3 =	vld [tilespmem:s30+$0x0]  }
0x107: {  	s31 =	sor.u32 $0x740, s22;
	v53 =	vmul.f32 v21, v59;
	v21 =	vadd.f32 $1.258291200e+07, v62;
	v62 =	vld [tilespmem:$0x1FFD0]  }
0x108: {  	s25 =	sor.u32 $0x750, s22;
	[tilespmem:s22+$0x8510] =	vst v16;
	v16 =	vadd.f32 $-1.258291200e+07, v4;
	v4 =	vld [tilespmem:s31+$0x0]  }
0x109: {  	[tilespmem:s22+$0x81F0] =	vst v22;
	s26 =	sor.u32 $0x760, s22;
	v8 =	vadd.f32 $-1.258291200e+07, v8;
	v5 =	vld [tilespmem:s25+$0x0]  }
0x10a: {  	s28 =	sor.u32 $0x770, s22;
	[tilespmem:s22+$0x81B0] =	vst v52;
	v54 =	vmul.f32 v0, v54;
	v23 =	vmul.f32 v0, v58;
	v58 =	vadd.f32 $-1.258291200e+07, v7;
	v7 =	vld [tilespmem:s26+$0x0]  }
0x10b: {  	[tilespmem:s22+$0x8190] =	vst v45;
	v45 =	vmul.f32 v8, v59;
	v8 =	vld [tilespmem:s28+$0x0]  }
0x10c: {  	v34 =	vmul.f32 v0, v34;
	v22 =	vadd.f32 $1.258291200e+07, v54;
	[tilespmem:s22+$0x81A0] =	vst v62;
	v62 =	vand.u32 $0x7FFFFFFF, v3  }
0x10d: {  	[tilespmem:s22+$0x8560] =	vst v61;
	v61 =	vmul.f32 v16, v59;
	v52 =	vand.u32 $0x7FFFFFFF, v4;
	v11 =	vmax.f32 v11, v62  }
0x10e: {  	v16 =	vadd.f32 $1.258291200e+07, v23;
	v62 =	vand.u32 $0x7FFFFFFF, v5;
	v11 =	vmax.f32 v11, v52  }
0x10f: {  	v23 =	vmul.f32 v0, v36;
	v36 =	vand.u32 $0x7FFFFFFF, v7;
	v11 =	vmax.f32 v11, v62  }
0x110: {  	[tilespmem:s22+$0x81C0] =	vst v28;
	v62 =	vand.u32 $0x7FFFFFFF, v8;
	v11 =	vmax.f32 v11, v36;
	v36 =	vmul.f32 v0, v48  }
0x111: {  	[tilespmem:s22+$0x85A0] =	vst v30;
	v34 =	vadd.f32 $1.258291200e+07, v34;
	v11 =	vmax.f32 v11, v62  }
0x112: {  	v30 =	vld [tilespmem:$0x1FFF0];
	v33 =	vmul.f32 v0, v33;
	v22 =	vadd.f32 $-1.258291200e+07, v22;
	s31 =	sor.u32 $0x3A0, s22;
	(xrf0) =	vmax.scan.msk.f32 $0xffff, v11;
	v62 =	vadd.f32 $1.258291200e+07, v36  }
0x113: {  	[tilespmem:s22+$0x8220] =	vst v9;
	v9 =	vmul.f32 v0, v24;
	s30 =	sor.u32 $0x390, s22;
	v28 =	vld [tilespmem:s31+$0x0];
	v16 =	vadd.f32 $-1.258291200e+07, v16;
	v23 =	vadd.f32 $1.258291200e+07, v23  }
0x114: {  	[tilespmem:s22+$0x81D0] =	vst v25;
	s29 =	sor.u32 $0x380, s22;
	v25 =	vld [tilespmem:s30+$0x0];
	v52 =	vmul.f32 v0, v35;
	v35 =	vmul.f32 v0, v37;
	v62 =	vadd.f32 $-1.258291200e+07, v62  }
0x115: {  	[tilespmem:s22+$0x81E0] =	vst v26;
	v21 =	vadd.f32 $-1.258291200e+07, v21;
	v37 =	vadd.f32 $-1.258291200e+07, v34;
	v34 =	vmul.f32 v16, v59;
	v16 =	vld [tilespmem:s29+$0x0]  }
0x116: {  	[tilespmem:s22+$0x85B0] =	vst v31;
	s24 =	sor.u32 $0x3B0, s22;
	v26 =	vadd.f32 $1.258291200e+07, v52;
	v52 =	vadd.f32 $1.258291200e+07, v35;
	v36 =	vmul.f32 v62, v59;
	v62 =	vld [tilespmem:$0x1FFE0]  }
0x117: {  	[tilespmem:s22+$0x85C0] =	vst v51;
	v31 =	vld [tilespmem:s24+$0x0];
	v9 =	vadd.f32 $1.258291200e+07, v9;
	s25 =	sor.u32 $0x3C0, s22;
	v51 =	vmul.f32 v22, v59;
	v23 =	vadd.f32 $-1.258291200e+07, v23  }
0x118: {  	[tilespmem:s22+$0x85D0] =	vst v56;
	s26 =	sor.u32 $0x3D0, s22;
	v48 =	vmul.f32 v21, v59;
	v21 =	vld [tilespmem:s25+$0x0];
	v26 =	vadd.f32 $-1.258291200e+07, v26;
	v35 =	vadd.f32 $-1.258291200e+07, v52;
	v56, _, _ =	vpop (xrf0)  }
0x119: {  	[tilespmem:s22+$0x8580] =	vst v50;
	v22 =	vld [tilespmem:s26+$0x0];
	s28 =	sor.u32 $0x3E0, s22;
	v52 =	vmul.f32 v23, v59;
	v11 =	vadd.f32 $1.258291200e+07, v33;
	v54 =	vbroadcast v56, $0xF  }
0x11a: {  	[tilespmem:s22+$0x85F0] =	vst v30;
	s29 =	sor.u32 $0x3F0, s22;
	v23 =	vld [tilespmem:s28+$0x0];
	v33 =	vand.u32 $0x7FFFFFFF, v16;
	v50 =	vmul.f32 v26, v59;
	v56 =	vand.u32 $0x7FFFFFFF, v25  }
0x11b: {  	s30 =	sor.u32 $0x780, s22;
	v26 =	vld [tilespmem:s29+$0x0];
	[tilespmem:s22+$0x85E0] =	vst v62;
	(erf) = vrcp.f32 v54;
	v62 =	vmax.f32 v33, v56;
	v33 =	vand.u32 $0x7FFFFFFF, v28  }
0x11c: {  	[tilespmem:s22+$0x8200] =	vst v6;
	v30 =	vld [tilespmem:s30+$0x0];
	v0 =	vmul.f32 v0, v38;
	s29 =	sor.u32 $0x7E0, s22;
	v56 =	vand.u32 $0x7FFFFFFF, v31;
	v6 =	vmax.f32 v62, v33  }
0x11d: {  	[tilespmem:s22+$0x8590] =	vst v27;
	s31 =	sor.u32 $0x790, s22;
	v38 =	vadd.f32 $-1.258291200e+07, v9;
	v9 =	vld [tilespmem:s29+$0x0];
	v62 =	vand.u32 $0x7FFFFFFF, v21;
	v6 =	vmax.f32 v6, v56  }
0x11e: {  	s24 =	sor.u32 $0x7A0, s22;
	[tilespmem:s22+$0x8210] =	vst v13;
	v58 =	vmul.f32 v58, v59;
	v13 =	vand.u32 $0x7FFFFFFF, v22;
	v33 =	vld [tilespmem:s31+$0x0];
	v6 =	vmax.f32 v6, v62  }
0x11f: {  	[tilespmem:s22+$0x8240] =	vst v14;
	v24 =	vld [tilespmem:s24+$0x0];
	s25 =	sor.u32 $0x7B0, s22;
	v11 =	vadd.f32 $-1.258291200e+07, v11;
	v14 =	vand.u32 $0x7FFFFFFF, v23;
	v6 =	vmax.f32 v6, v13  }
0x120: {  	[tilespmem:s22+$0x8230] =	vst v10;
	s26 =	sor.u32 $0x7C0, s22;
	v27 =	vld [tilespmem:s25+$0x0];
	v0 =	vadd.f32 $1.258291200e+07, v0;
	v62 =	vand.u32 $0x7FFFFFFF, v26;
	v10 =	vmax.f32 v6, v14  }
0x121: {  	[tilespmem:s22+$0x8250] =	vst v15;
	s28 =	sor.u32 $0x7D0, s22;
	v56 =	vmul.f32 v11, v59;
	v11 =	vld [tilespmem:s26+$0x0];
	v10 =	vmax.f32 v10, v62;
	v62 =	vand.u32 $0x7FFFFFFF, v30  }
0x122: {  	[tilespmem:s22+$0x8630] =	vst v20;
	v37 =	vmul.f32 v37, v59;
	v35 =	vmul.f32 v35, v59;
	v0 =	vadd.f32 $-1.258291200e+07, v0;
	v6 =	vld [tilespmem:s28+$0x0]  }
0x123: {  	[tilespmem:s22+$0x8270] =	vst v63;
	s30 =	sor.u32 $0x7F0, s22;
	v20 =	vand.u32 $0x7FFFFFFF, v9;
	v63 =	vand.u32 $0x7FFFFFFF, v33;
	v13 =	vmax.f32 v10, v62  }
0x124: {  	[tilespmem:s22+$0x8260] =	vst v17;
	v14 =	vmul.f32 v38, v59;
	v38 =	vand.u32 $0x7FFFFFFF, v24;
	v10 =	vld [tilespmem:s30+$0x0];
	v13 =	vmax.f32 v13, v63;
	v62 =	vpop (erf)  }
0x125: {  	[tilespmem:s22+$0x8600] =	vst v19;
	v63 =	vand.u32 $0x7FFFFFFF, v27;
	v13 =	vmax.f32 v13, v38;
	v17 =	vmul.f32 $7.000000000e+00, v62  }
0x126: {  	[tilespmem:s22+$0x8620] =	vst v18;
	vm14 =	vgt.f32 v54, $0.0e+00;
	v18 =	vand.u32 $0x7FFFFFFF, v11;
	v13 =	vmax.f32 v13, v63  }
0x127: {  	[tilespmem:s22+$0x8640] =	vst v1;
	v19 =	vand.u32 $0x7FFFFFFF, v6;
	v13 =	vmax.f32 v13, v18;
	v1 =	vnsel vm14, $0x3F800000, v17  }
0x128: {  	[tilespmem:s22+$0x8650] =	vst v44;
	v13 =	vmax.f32 v13, v19;
	v17 =	vmul.f32 v1, v55;
	v43 =	vmul.f32 v1, v43  }
0x129: {  	[tilespmem:s22+$0x8660] =	vst v60;
	v38 =	vand.u32 $0x7FFFFFFF, v10;
	v44 =	vmul.f32 v1, v42;
	v55 =	vmul.f32 v1, v40  }
0x12a: {  	[tilespmem:s22+$0x8290] =	vst v61;
	v13 =	vmax.f32 v13, v20;
	v60 =	vmul.f32 v1, v39;
	v61 =	vmul.f32 v1, v41  }
0x12b: {  	[tilespmem:s22+$0x8610] =	vst v46;
	v32 =	vmul.f32 v1, v32;
	v29 =	vmul.f32 v1, v29;
	v13 =	vmax.f32 v13, v38  }
0x12c: {  	v12 =	vmul.f32 v1, v12;
	v41 =	vmul.f32 v1, v49;
	(xrf0) =	vmax.scan.msk.f32 $0xffff, v13;
	v46 =	vadd.f32 $1.258291200e+07, v17  }
0x12d: {  	[tilespmem:s22+$0x8670] =	vst v47;
	v2 =	vmul.f32 v1, v2;
	v15 =	vadd.f32 $1.258291200e+07, v43;
	v18 =	vadd.f32 $1.258291200e+07, v44  }
0x12e: {  	[tilespmem:s22+$0x8280] =	vst v57;
	v3 =	vmul.f32 v1, v3;
	v17 =	vadd.f32 $1.258291200e+07, v55;
	v20 =	vadd.f32 $1.258291200e+07, v60  }
0x12f: {  	[tilespmem:s22+$0x82B0] =	vst v58;
	v4 =	vmul.f32 v1, v4;
	v38 =	vadd.f32 $1.258291200e+07, v61;
	v32 =	vadd.f32 $1.258291200e+07, v32  }
0x130: {  	[tilespmem:s22+$0x82C0] =	vst v45;
	v5 =	vmul.f32 v1, v5;
	v29 =	vadd.f32 $1.258291200e+07, v29;
	v12 =	vadd.f32 $1.258291200e+07, v12  }
0x131: {  	[tilespmem:s22+$0x82E0] =	vst v48;
	v48 =	vmul.f32 v1, v7;
	v43 =	vadd.f32 $1.258291200e+07, v41;
	v2 =	vadd.f32 $1.258291200e+07, v2  }
0x132: {  	[tilespmem:s22+$0x86C0] =	vst v51;
	v1 =	vmul.f32 v1, v8;
	v3 =	vadd.f32 $1.258291200e+07, v3;
	v47 =	vadd.f32 $1.258291200e+07, v4;
	v62, _, _ =	vpop (xrf0)  }
0x133: {  	[tilespmem:s22+$0x82A0] =	vst v53;
	v5 =	vadd.f32 $1.258291200e+07, v5;
	v4 =	vadd.f32 $1.258291200e+07, v48;
	v63 =	vbroadcast v62, $0xF  }
0x134: {  	[tilespmem:s22+$0x82D0] =	vst v34;
	v0 =	vmul.f32 v0, v59;
	v1 =	vadd.f32 $1.258291200e+07, v1;
	v13 =	vadd.f32 $-1.258291200e+07, v46  }
0x135: {  	[tilespmem:s22+$0x8680] =	vst v37;
	v15 =	vadd.f32 $-1.258291200e+07, v15;
	v18 =	vadd.f32 $-1.258291200e+07, v18;
	(erf) = vrcp.f32 v63  }
0x136: {  	[tilespmem:s22+$0x82F0] =	vst v52;
	v59 =	vmul.f32 $1.428571490e-01, v54;
	v17 =	vadd.f32 $-1.258291200e+07, v17;
	v20 =	vadd.f32 $-1.258291200e+07, v20  }
0x137: {  	[tilespmem:s22+$0x8690] =	vst v50;
	v40 =	vadd.f32 $-1.258291200e+07, v38;
	v32 =	vadd.f32 $-1.258291200e+07, v32  }
0x138: {  	[tilespmem:s22+$0x86A0] =	vst v35;
	v19 =	vnsel vm14, $0x3F800000, v59;
	v29 =	vadd.f32 $-1.258291200e+07, v29;
	v12 =	vadd.f32 $-1.258291200e+07, v12  }
0x139: {  	[tilespmem:s22+$0x86B0] =	vst v36;
	v44 =	vadd.f32 $-1.258291200e+07, v43;
	v13 =	vmul.f32 v13, v19;
	v15 =	vmul.f32 v15, v19  }
0x13a: {  	[tilespmem:s22+$0x86F0] =	vst v0;
	v2 =	vadd.f32 $-1.258291200e+07, v2;
	v18 =	vmul.f32 v18, v19;
	v17 =	vmul.f32 v17, v19  }
0x13b: {  	[tilespmem:s22+$0x86D0] =	vst v56;
	v3 =	vadd.f32 $-1.258291200e+07, v3;
	v20 =	vmul.f32 v20, v19;
	v42 =	vmul.f32 v40, v19  }
0x13c: {  	[tilespmem:s22+$0x86E0] =	vst v14;
	v5 =	vadd.f32 $-1.258291200e+07, v5;
	v32 =	vmul.f32 v32, v19;
	v29 =	vmul.f32 v29, v19  }
0x13d: {  	v4 =	vadd.f32 $-1.258291200e+07, v4;
	v12 =	vmul.f32 v12, v19;
	v45 =	vmul.f32 v44, v19;
	[tilespmem:s22+$0x8300] =	vst v13  }
0x13e: {  	v1 =	vadd.f32 $-1.258291200e+07, v1;
	v46 =	vmul.f32 v2, v19;
	v3 =	vmul.f32 v3, v19;
	[tilespmem:s22+$0x8310] =	vst v15;
	v49 =	vpop (erf)  }
0x13f: {  	v2 =	vadd.f32 $-1.258291200e+07, v47;
	v5 =	vmul.f32 v5, v19;
	[tilespmem:s22+$0x8320] =	vst v18;
	v7 =	vmul.f32 $7.000000000e+00, v49  }
0x140: {  	v4 =	vmul.f32 v4, v19;
	v1 =	vmul.f32 v1, v19;
	[tilespmem:s22+$0x8330] =	vst v17;
	vm15 =	vgt.f32 v63, $0.0e+00  }
0x141: {  	v2 =	vmul.f32 v2, v19;
	[tilespmem:s22+$0x8340] =	vst v20;
	v53 =	vmul.f32 $1.428571490e-01, v63;
	v7 =	vnsel vm15, $0x3F800000, v7  }
0x142: {  	[tilespmem:s22+$0x8350] =	vst v42;
	v50 =	vmul.f32 v7, v16;
	v51 =	vmul.f32 v7, v25  }
0x143: {  	[tilespmem:s22+$0x8360] =	vst v32;
	v52 =	vmul.f32 v7, v28;
	v54 =	vmul.f32 v7, v31  }
0x144: {  	[tilespmem:s22+$0x8370] =	vst v29;
	v59 =	vmul.f32 v7, v21;
	v62 =	vmul.f32 v7, v22  }
0x145: {  	[tilespmem:s22+$0x8700] =	vst v12;
	v19 =	vmul.f32 v7, v23;
	v22 =	vmul.f32 v7, v26  }
0x146: {  	[tilespmem:s22+$0x8710] =	vst v45;
	v14 =	vnsel vm15, $0x3F800000, v53;
	v26 =	vmul.f32 v7, v30;
	v30 =	vmul.f32 v7, v33  }
0x147: {  	[tilespmem:s22+$0x8720] =	vst v46;
	v38 =	vmul.f32 v7, v24;
	v40 =	vmul.f32 v7, v27;
	v8 =	vadd.f32 $1.258291200e+07, v50  }
0x148: {  	[tilespmem:s22+$0x8730] =	vst v3;
	v43 =	vmul.f32 v7, v11;
	v13 =	vadd.f32 $1.258291200e+07, v51;
	v55 =	vadd.f32 $1.258291200e+07, v52  }
0x149: {  	[tilespmem:s22+$0x8750] =	vst v5;
	v6 =	vmul.f32 v7, v6;
	v56 =	vadd.f32 $1.258291200e+07, v54;
	v8 =	vadd.f32 $-1.258291200e+07, v8  }
0x14a: {  	[tilespmem:s22+$0x8760] =	vst v4;
	v48 =	vmul.f32 v7, v9;
	v18 =	vadd.f32 $1.258291200e+07, v59;
	v13 =	vadd.f32 $-1.258291200e+07, v13  }
0x14b: {  	[tilespmem:s22+$0x8770] =	vst v1;
	v21 =	vadd.f32 $1.258291200e+07, v62;
	v58 =	vadd.f32 $-1.258291200e+07, v55;
	v57 =	vmul.f32 v8, v14  }
0x14c: {  	[tilespmem:s22+$0x8740] =	vst v2;
	v25 =	vadd.f32 $1.258291200e+07, v19;
	v61 =	vadd.f32 $-1.258291200e+07, v56;
	v60 =	vmul.f32 v13, v14  }
0x14d: {  	v29 =	vadd.f32 $1.258291200e+07, v22;
	v23 =	vadd.f32 $-1.258291200e+07, v18;
	v63 =	vmul.f32 v58, v14;
	[tilespmem:s22+$0x8380] =	vst v57  }
0x14e: {  	v33 =	vadd.f32 $1.258291200e+07, v26;
	v28 =	vadd.f32 $-1.258291200e+07, v21;
	v20 =	vmul.f32 v61, v14;
	[tilespmem:s22+$0x8390] =	vst v60  }
0x14f: {  	v35 =	vadd.f32 $1.258291200e+07, v30;
	v32 =	vadd.f32 $-1.258291200e+07, v25;
	v31 =	vmul.f32 v23, v14;
	[tilespmem:s22+$0x83A0] =	vst v63  }
0x150: {  	v42 =	vadd.f32 $1.258291200e+07, v38;
	v34 =	vadd.f32 $-1.258291200e+07, v29;
	v1 =	vmul.f32 v28, v14;
	[tilespmem:s22+$0x83B0] =	vst v20  }
0x151: {  	v45 =	vadd.f32 $1.258291200e+07, v40;
	v37 =	vadd.f32 $-1.258291200e+07, v33;
	v36 =	vmul.f32 v32, v14;
	[tilespmem:s22+$0x83C0] =	vst v31  }
0x152: {  	v47 =	vadd.f32 $1.258291200e+07, v43;
	v39 =	vadd.f32 $-1.258291200e+07, v35;
	v3 =	vmul.f32 v34, v14;
	[tilespmem:s22+$0x83D0] =	vst v1  }
0x153: {  	v51 =	vmul.f32 v7, v10;
	v46 =	vadd.f32 $-1.258291200e+07, v42;
	v41 =	vmul.f32 v37, v14;
	[tilespmem:s22+$0x83E0] =	vst v36  }
0x154: {  	v54 =	vadd.f32 $1.258291200e+07, v48;
	v49 =	vadd.f32 $-1.258291200e+07, v45;
	v44 =	vmul.f32 v39, v14;
	[tilespmem:s22+$0x83F0] =	vst v3  }
0x155: {  	v50 =	vadd.f32 $1.258291200e+07, v6;
	v53 =	vadd.f32 $-1.258291200e+07, v47;
	v52 =	vmul.f32 v46, v14;
	[tilespmem:s22+$0x8780] =	vst v41  }
0x156: {  	v59 =	vadd.f32 $-1.258291200e+07, v54;
	v55 =	vmul.f32 v49, v14;
	[tilespmem:s22+$0x8790] =	vst v44;
	v57 =	vadd.f32 $1.258291200e+07, v51  }
0x157: {  	p1 =	slt.u32 s21, $0x38;
	v56 =	vadd.f32 $-1.258291200e+07, v50;
	v58 =	vmul.f32 v53, v14;
	[tilespmem:s22+$0x87A0] =	vst v52  }
.Ltmp0:
0x158: {  	v62 =	vmul.f32 v59, v14;
	[tilespmem:s22+$0x87B0] =	vst v55;
	v61 =	vadd.f32 $-1.258291200e+07, v57;
	(pc) =	sbr.rel @p1 .LBB2_3-.Ltmp0, $4  }
0x159: {  	v60 =	vmul.f32 v56, v14;
	[tilespmem:s22+$0x87C0] =	vst v58  }
0x15a: {  	[tilespmem:s22+$0x87E0] =	vst v62;
	v63 =	vmul.f32 v61, v14  }
0x15b: {  	s31 =	sadd.s32 $0x8, s21;
	[tilespmem:s22+$0x87D0] =	vst v60  }
0x15c: {  	s21 =	smov.u32 s31;
	[tilespmem:s22+$0x87F0] =	vst v63  }
0x15d: {  	p1 =	sne.s32 s18, $0xF  }
.Ltmp1:
0x15e: {  	_ = 	snop;
	(pc) =	sbr.rel @p1 .LBB2_6-.Ltmp1, $3  }
0x15f: {  	_ =	sdelay $0x1  }
0x160: {  	s21 =	sadd.s32 s20, s6  }
0x161: {  	[hbm4b:s21+s4] =	stream.linear.scatter [tilespmem:s12], [sflag:$0x3], $0x4000, $0x38;
	[tilespmem:$0x10000] =	vst v63  }
.Ltmp2:
0x162: {  	(pc) =	sbr.rel .LBB2_7-.Ltmp2, $4  }
0x163: {  	_ = 	snop  }
0x164: {  	_ =	swait.ge [sflag:s13], $0x4000  }
0x165: {  	[sflag:s13] =	ssyncset.done $0x0  }
0x166: {  	[sflag:s13] =	ssyncadd.s32 $0xFFFFC000  }
.LBB2_6:
.Ltmp3:
0x167: {  	s20 =	sadd.s32 s20, s7;
	(pc) =	sbr.rel @p0 .LBB2_8-.Ltmp3, $4  }
0x168: {  	[tilespmem:s4], [sflag:$0x1] =	stream.linear.gather [hbm4b:s20+s4], $0x4000, $0x38;
	[tilespmem:$0x10000] =	vst v63  }
0x169: {  	_ =	swait.ge [sflag:s13], $0x4000  }
0x16a: {  	[sflag:s13] =	ssyncset.done $0x0  }
0x16b: {  	[sflag:s13] =	ssyncadd.s32 $0xFFFFC000  }
.LBB2_7:
0x16c: {  	_ =	swait.ge [sflag:s14], $0x4000  }
0x16d: {  	[sflag:s14] =	ssyncset.done $0x0  }
0x16e: {  	[sflag:s14] =	ssyncadd.s32 $0xFFFFC000  }
.LBB2_8:
0x16f: {  	s20 =	simm.s32 $0x0  }
.LBB2_9:
0x170: {  	s21 =	sshll.u32 s20, $0x8  }
0x171: {  	v16 =	vld [tilespmem:s21+$0x4000]  }
0x172: {  	v17 =	vld [tilespmem:s21+$0x4010]  }
0x173: {  	v19 =	vld [tilespmem:s21+$0x4020]  }
0x174: {  	v20 =	vld [tilespmem:s21+$0x4030]  }
0x175: {  	v21 =	vld [tilespmem:s21+$0x4040]  }
0x176: {  	v22 =	vld [tilespmem:s21+$0x4050]  }
0x177: {  	v23 =	vld [tilespmem:s21+$0x4060];
	v0 =	vand.u32 $0x7FFFFFFF, v16;
	v1 =	vand.u32 $0x7FFFFFFF, v17  }
0x178: {  	v24 =	vld [tilespmem:s21+$0x4070];
	v36 =	vand.u32 $0x7FFFFFFF, v19;
	v0 =	vmax.f32 v0, v1  }
0x179: {  	v25 =	vld [tilespmem:s21+$0x4400];
	v37 =	vand.u32 $0x7FFFFFFF, v20;
	v0 =	vmax.f32 v0, v36  }
0x17a: {  	v26 =	vld [tilespmem:s21+$0x4410];
	v38 =	vand.u32 $0x7FFFFFFF, v21;
	v0 =	vmax.f32 v0, v37  }
0x17b: {  	v27 =	vld [tilespmem:s21+$0x4420];
	v39 =	vand.u32 $0x7FFFFFFF, v22;
	v0 =	vmax.f32 v0, v38  }
0x17c: {  	v29 =	vld [tilespmem:s21+$0x4430];
	v40 =	vand.u32 $0x7FFFFFFF, v23;
	v0 =	vmax.f32 v0, v39  }
0x17d: {  	v13 =	vld [tilespmem:s21+$0x4440];
	v41 =	vand.u32 $0x7FFFFFFF, v24;
	v0 =	vmax.f32 v0, v40  }
0x17e: {  	v15 =	vld [tilespmem:s21+$0x4450];
	v42 =	vand.u32 $0x7FFFFFFF, v25;
	v0 =	vmax.f32 v0, v41  }
0x17f: {  	v30 =	vld [tilespmem:s21+$0x4460];
	v43 =	vand.u32 $0x7FFFFFFF, v26;
	v0 =	vmax.f32 v0, v42  }
0x180: {  	v31 =	vld [tilespmem:s21+$0x4470];
	v44 =	vand.u32 $0x7FFFFFFF, v27;
	v0 =	vmax.f32 v0, v43  }
0x181: {  	v45 =	vand.u32 $0x7FFFFFFF, v29;
	v0 =	vmax.f32 v0, v44  }
0x182: {  	v46 =	vand.u32 $0x7FFFFFFF, v13;
	v0 =	vmax.f32 v0, v45  }
0x183: {  	v47 =	vand.u32 $0x7FFFFFFF, v15;
	v0 =	vmax.f32 v0, v46  }
0x184: {  	v48 =	vand.u32 $0x7FFFFFFF, v30;
	v0 =	vmax.f32 v0, v47  }
0x185: {  	v49 =	vand.u32 $0x7FFFFFFF, v31;
	v0 =	vmax.f32 v0, v48  }
0x186: {  	v0 =	vmax.f32 v0, v49  }
0x187: {  	(xrf0) =	vmax.scan.msk.f32 $0xffff, v0  }
0x188: {  	v33 =	vld [tilespmem:s21+$0x4080]  }
0x189: {  	v18 =	vld [tilespmem:s21+$0x4090]  }
0x18a: {  	v14 =	vld [tilespmem:s21+$0x40A0]  }
0x18b: {  	v12 =	vld [tilespmem:s21+$0x40B0]  }
0x18c: {  	v11 =	vld [tilespmem:s21+$0x40C0]  }
0x18d: {  	v10 =	vld [tilespmem:s21+$0x40D0];
	v0, _, _ =	vpop (xrf0)  }
0x18e: {  	v9 =	vld [tilespmem:s21+$0x40E0];
	v28 =	vbroadcast v0, $0xF  }
0x18f: {  	v6 =	vld [tilespmem:s21+$0x40F0];
	v50 =	vand.u32 $0x7FFFFFFF, v33;
	v51 =	vand.u32 $0x7FFFFFFF, v18  }
0x190: {  	v7 =	vld [tilespmem:s21+$0x4480];
	v52 =	vand.u32 $0x7FFFFFFF, v14;
	v0 =	vmax.f32 v50, v51;
	(erf) = vrcp.f32 v28  }
0x191: {  	v8 =	vld [tilespmem:s21+$0x4490];
	v53 =	vand.u32 $0x7FFFFFFF, v12;
	v0 =	vmax.f32 v0, v52  }
0x192: {  	v3 =	vld [tilespmem:s21+$0x44A0];
	v54 =	vand.u32 $0x7FFFFFFF, v11;
	v0 =	vmax.f32 v0, v53  }
0x193: {  	v4 =	vld [tilespmem:s21+$0x44B0];
	v55 =	vand.u32 $0x7FFFFFFF, v10;
	v0 =	vmax.f32 v0, v54  }
0x194: {  	v5 =	vld [tilespmem:s21+$0x44C0];
	v56 =	vand.u32 $0x7FFFFFFF, v9;
	v0 =	vmax.f32 v0, v55  }
0x195: {  	v2 =	vld [tilespmem:s21+$0x44D0];
	v57 =	vand.u32 $0x7FFFFFFF, v6;
	v0 =	vmax.f32 v0, v56  }
0x196: {  	v32 =	vand.u32 $0x7FFFFFFF, v7;
	v1 =	vmax.f32 v0, v57  }
0x197: {  	v34 =	vand.u32 $0x7FFFFFFF, v8;
	v0 =	vld [tilespmem:s21+$0x44E0];
	v32 =	vmax.f32 v1, v32  }
0x198: {  	v58 =	vand.u32 $0x7FFFFFFF, v3;
	v1 =	vld [tilespmem:s21+$0x44F0];
	v32 =	vmax.f32 v32, v34  }
0x199: {  	v59 =	vand.u32 $0x7FFFFFFF, v4;
	v60 =	vand.u32 $0x7FFFFFFF, v5;
	v32 =	vmax.f32 v32, v58;
	v35 =	vpop (erf)  }
0x19a: {  	v61 =	vand.u32 $0x7FFFFFFF, v2;
	v32 =	vmax.f32 v32, v59;
	v35 =	vmul.f32 $7.000000000e+00, v35  }
0x19b: {  	vm0 =	vgt.f32 v28, $0.0e+00;
	v28 =	vmul.f32 $1.428571490e-01, v28;
	v32 =	vmax.f32 v32, v60  }
0x19c: {  	v62 =	vand.u32 $0x7FFFFFFF, v0;
	v32 =	vmax.f32 v32, v61;
	v35 =	vnsel vm0, $0x3F800000, v35  }
0x19d: {  	v63 =	vand.u32 $0x7FFFFFFF, v1;
	v16 =	vmul.f32 v35, v16;
	v17 =	vmul.f32 v35, v17  }
0x19e: {  	v32 =	vmax.f32 v32, v62;
	v19 =	vmul.f32 v35, v19;
	v20 =	vmul.f32 v35, v20  }
0x19f: {  	v32 =	vmax.f32 v32, v63;
	v21 =	vmul.f32 v35, v21;
	v37 =	vmul.f32 v35, v22  }
0x1a0: {  	(xrf0) =	vmax.scan.msk.f32 $0xffff, v32;
	v40 =	vmul.f32 v35, v23;
	v42 =	vmul.f32 v35, v24  }
0x1a1: {  	v34 =	vnsel vm0, $0x3F800000, v28;
	v49 =	vmul.f32 v35, v25;
	v50 =	vmul.f32 v35, v26  }
0x1a2: {  	v51 =	vmul.f32 v35, v27;
	v16 =	vadd.f32 $1.258291200e+07, v16;
	v17 =	vadd.f32 $1.258291200e+07, v17  }
0x1a3: {  	v52 =	vmul.f32 v35, v29;
	v19 =	vadd.f32 $1.258291200e+07, v19;
	v36 =	vadd.f32 $1.258291200e+07, v20  }
0x1a4: {  	v13 =	vmul.f32 v35, v13;
	v38 =	vadd.f32 $1.258291200e+07, v21;
	v16 =	vadd.f32 $-1.258291200e+07, v16  }
0x1a5: {  	v15 =	vmul.f32 v35, v15;
	v39 =	vadd.f32 $1.258291200e+07, v37;
	v47 =	vadd.f32 $1.258291200e+07, v40  }
0x1a6: {  	v48 =	vadd.f32 $1.258291200e+07, v42;
	v25 =	vadd.f32 $1.258291200e+07, v49;
	v16 =	vmul.f32 v16, v34;
	v41, _, _ =	vpop (xrf0)  }
0x1a7: {  	v54 =	vadd.f32 $1.258291200e+07, v50;
	v55 =	vadd.f32 $1.258291200e+07, v51;
	v21 =	vbroadcast v41, $0xF  }
0x1a8: {  	v61 =	vmul.f32 v35, v30;
	v57 =	vadd.f32 $1.258291200e+07, v52;
	[tilespmem:$0x1FA60] =	vst v16;
	v16 =	vadd.f32 $-1.258291200e+07, v36  }
0x1a9: {  	v17 =	vadd.f32 $-1.258291200e+07, v17;
	v19 =	vadd.f32 $-1.258291200e+07, v19;
	(erf) = vrcp.f32 v21  }
0x1aa: {  	v29 =	vadd.f32 $1.258291200e+07, v15;
	v43 =	vadd.f32 $-1.258291200e+07, v39;
	v16 =	vmul.f32 v16, v34  }
0x1ab: {  	v17 =	vmul.f32 v17, v34;
	v53 =	vmul.f32 v19, v34;
	v19 =	vadd.f32 $-1.258291200e+07, v47  }
0x1ac: {  	v63 =	vadd.f32 $1.258291200e+07, v13;
	v56 =	vadd.f32 $-1.258291200e+07, v25;
	[tilespmem:$0x1FA80] =	vst v16;
	v16 =	vmul.f32 v43, v34  }
0x1ad: {  	v24 =	vadd.f32 $-1.258291200e+07, v29;
	[tilespmem:$0x1FA70] =	vst v17;
	v17 =	vadd.f32 $-1.258291200e+07, v38;
	v19 =	vmul.f32 v19, v34  }
0x1ae: {  	v20 =	vadd.f32 $-1.258291200e+07, v48;
	v59 =	vadd.f32 $-1.258291200e+07, v57;
	[tilespmem:$0x1FA90] =	vst v16;
	v16 =	vmul.f32 v56, v34  }
0x1af: {  	v13 =	vld [tilespmem:s21+$0x4100];
	v36 =	vmul.f32 v24, v34;
	v47 =	vmul.f32 v17, v34;
	[tilespmem:$0x1FAA0] =	vst v19;
	v17 =	vadd.f32 $-1.258291200e+07, v54  }
0x1b0: {  	v28 =	vmul.f32 v35, v31;
	v15 =	vld [tilespmem:s21+$0x4110];
	v58 =	vadd.f32 $-1.258291200e+07, v55;
	[tilespmem:$0x1FAC0] =	vst v16;
	v16 =	vmul.f32 v59, v34  }
0x1b1: {  	v20 =	vmul.f32 v20, v34;
	[tilespmem:$0x1FB10] =	vst v36;
	v17 =	vmul.f32 v17, v34  }
0x1b2: {  	v42 =	vld [tilespmem:s21+$0x4540];
	v60 =	vmul.f32 v58, v34;
	v35 =	vmul.f32 $1.428571490e-01, v21;
	[tilespmem:$0x1FAF0] =	vst v16;
	v62 =	vpop (erf);
	v16 =	vadd.f32 $1.258291200e+07, v61  }
0x1b3: {  	vm9 =	vgt.f32 v21, $0.0e+00;
	v19 =	vadd.f32 $-1.258291200e+07, v63;
	v36 =	vld [tilespmem:s21+$0x4500];
	[tilespmem:$0x1FAD0] =	vst v17;
	v17 =	vmul.f32 $7.000000000e+00, v62  }
0x1b4: {  	v44 =	vand.u32 $0x7FFFFFFF, v13;
	v40 =	vnsel vm9, $0x3F800000, v35;
	v35 =	vld [tilespmem:s21+$0x4170];
	v30 =	vadd.f32 $-1.258291200e+07, v16  }
0x1b5: {  	v39 =	vld [tilespmem:s21+$0x4530];
	v45 =	vand.u32 $0x7FFFFFFF, v15;
	v32 =	vmul.f32 v19, v34;
	v23 =	vnsel vm9, $0x3F800000, v17  }
0x1b6: {  	[tilespmem:$0x1FAB0] =	vst v20;
	v20 =	vadd.f32 $1.258291200e+07, v28;
	v31 =	vmul.f32 v23, v33;
	v37 =	vmul.f32 v30, v34  }
0x1b7: {  	[tilespmem:$0x1FAE0] =	vst v60;
	v60 =	vand.u32 $0x7FFFFFFF, v42;
	v18 =	vmul.f32 v23, v18;
	v14 =	vmul.f32 v23, v14  }
0x1b8: {  	v56 =	vand.u32 $0x7FFFFFFF, v36;
	v12 =	vmul.f32 v23, v12;
	v11 =	vmul.f32 v23, v11  }
0x1b9: {  	v55 =	vand.u32 $0x7FFFFFFF, v35;
	v10 =	vmul.f32 v23, v10;
	v9 =	vmul.f32 v23, v9  }
0x1ba: {  	v59 =	vand.u32 $0x7FFFFFFF, v39;
	v6 =	vmul.f32 v23, v6;
	v7 =	vmul.f32 v23, v7  }
0x1bb: {  	v33 =	vadd.f32 $-1.258291200e+07, v20;
	v8 =	vmul.f32 v23, v8;
	v3 =	vmul.f32 v23, v3  }
0x1bc: {  	v16 =	vld [tilespmem:s21+$0x4120];
	v20 =	vmax.f32 v44, v45;
	v4 =	vmul.f32 v23, v4;
	v5 =	vmul.f32 v23, v5  }
0x1bd: {  	v17 =	vld [tilespmem:s21+$0x4130];
	v2 =	vmul.f32 v23, v2;
	v38 =	vadd.f32 $1.258291200e+07, v31;
	v18 =	vadd.f32 $1.258291200e+07, v18  }
0x1be: {  	v0 =	vmul.f32 v23, v0;
	v31 =	vld [tilespmem:s21+$0x4140];
	v14 =	vadd.f32 $1.258291200e+07, v14;
	v12 =	vadd.f32 $1.258291200e+07, v12  }
0x1bf: {  	v19 =	vmul.f32 v33, v34;
	v34 =	vld [tilespmem:s21+$0x4150];
	v11 =	vadd.f32 $1.258291200e+07, v11;
	v43 =	vadd.f32 $-1.258291200e+07, v38  }
0x1c0: {  	v1 =	vmul.f32 v23, v1;
	v33 =	vld [tilespmem:s21+$0x4160];
	v10 =	vadd.f32 $1.258291200e+07, v10;
	v9 =	vadd.f32 $1.258291200e+07, v9  }
0x1c1: {  	v6 =	vadd.f32 $1.258291200e+07, v6;
	v46 =	vand.u32 $0x7FFFFFFF, v16;
	[tilespmem:$0x1FB30] =	vst v19;
	v19 =	vmul.f32 v43, v40  }
0x1c2: {  	[tilespmem:$0x1FB20] =	vst v37;
	v48 =	vmax.f32 v20, v46;
	v49 =	vand.u32 $0x7FFFFFFF, v17;
	v18 =	vadd.f32 $-1.258291200e+07, v18  }
0x1c3: {  	v37 =	vld [tilespmem:s21+$0x4510];
	v7 =	vadd.f32 $1.258291200e+07, v7;
	v50 =	vand.u32 $0x7FFFFFFF, v31;
	[tilespmem:$0x1FB40] =	vst v19;
	v19 =	vmax.f32 v48, v49  }
0x1c4: {  	v38 =	vld [tilespmem:s21+$0x4520];
	v18 =	vmul.f32 v18, v40;
	v51 =	vand.u32 $0x7FFFFFFF, v34;
	v19 =	vmax.f32 v19, v50  }
0x1c5: {  	v8 =	vadd.f32 $1.258291200e+07, v8;
	v54 =	vand.u32 $0x7FFFFFFF, v33;
	v52 =	vmax.f32 v19, v51  }
0x1c6: {  	v3 =	vadd.f32 $1.258291200e+07, v3;
	v4 =	vadd.f32 $1.258291200e+07, v4;
	[tilespmem:$0x1FB50] =	vst v18;
	v18 =	vmax.f32 v52, v54  }
0x1c7: {  	v44 =	vld [tilespmem:s21+$0x4550];
	v5 =	vadd.f32 $1.258291200e+07, v5;
	v2 =	vadd.f32 $1.258291200e+07, v2;
	v18 =	vmax.f32 v18, v55  }
0x1c8: {  	v45 =	vld [tilespmem:s21+$0x4560];
	v0 =	vadd.f32 $1.258291200e+07, v0;
	v57 =	vand.u32 $0x7FFFFFFF, v37;
	v18 =	vmax.f32 v18, v56  }
0x1c9: {  	v1 =	vadd.f32 $1.258291200e+07, v1;
	v46 =	vld [tilespmem:s21+$0x4570];
	v58 =	vand.u32 $0x7FFFFFFF, v38;
	v18 =	vmax.f32 v18, v57  }
0x1ca: {  	v14 =	vadd.f32 $-1.258291200e+07, v14;
	v12 =	vadd.f32 $-1.258291200e+07, v12;
	v18 =	vmax.f32 v18, v58  }
0x1cb: {  	v11 =	vadd.f32 $-1.258291200e+07, v11;
	v10 =	vadd.f32 $-1.258291200e+07, v10;
	v18 =	vmax.f32 v18, v59  }
0x1cc: {  	v9 =	vadd.f32 $-1.258291200e+07, v9;
	v61 =	vand.u32 $0x7FFFFFFF, v44;
	v18 =	vmax.f32 v18, v60  }
0x1cd: {  	v6 =	vadd.f32 $-1.258291200e+07, v6;
	v62 =	vand.u32 $0x7FFFFFFF, v45;
	v18 =	vmax.f32 v18, v61  }
0x1ce: {  	v7 =	vadd.f32 $-1.258291200e+07, v7;
	v63 =	vand.u32 $0x7FFFFFFF, v46;
	v18 =	vmax.f32 v18, v62  }
0x1cf: {  	v8 =	vadd.f32 $-1.258291200e+07, v8;
	v3 =	vadd.f32 $-1.258291200e+07, v3;
	v21 =	vmax.f32 v18, v63  }
0x1d0: {  	v4 =	vadd.f32 $-1.258291200e+07, v4;
	v14 =	vmul.f32 v14, v40;
	v12 =	vmul.f32 v12, v40;
	(xrf0) =	vmax.scan.msk.f32 $0xffff, v21  }
0x1d1: {  	v5 =	vadd.f32 $-1.258291200e+07, v5;
	v11 =	vmul.f32 v11, v40;
	v10 =	vmul.f32 v10, v40  }
0x1d2: {  	v2 =	vadd.f32 $-1.258291200e+07, v2;
	v9 =	vmul.f32 v9, v40;
	v6 =	vmul.f32 v6, v40  }
0x1d3: {  	v25 =	vld [tilespmem:s21+$0x4180];
	v0 =	vadd.f32 $-1.258291200e+07, v0;
	v27 =	vmul.f32 v7, v40;
	v28 =	vmul.f32 v8, v40  }
0x1d4: {  	v24 =	vld [tilespmem:s21+$0x4590];
	v1 =	vadd.f32 $-1.258291200e+07, v1;
	v3 =	vmul.f32 v3, v40;
	v29 =	vmul.f32 v4, v40  }
0x1d5: {  	v20 =	vld [tilespmem:s21+$0x41E0];
	v30 =	vmul.f32 v5, v40;
	v2 =	vmul.f32 v2, v40  }
0x1d6: {  	v0 =	vmul.f32 v0, v40;
	v1 =	vmul.f32 v1, v40;
	v40 =	vld [tilespmem:s21+$0x45D0];
	v22, _, _ =	vpop (xrf0)  }
0x1d7: {  	[tilespmem:$0x1FB80] =	vst v11;
	v11 =	vld [tilespmem:s21+$0x4190];
	v48 =	vbroadcast v22, $0xF  }
0x1d8: {  	[tilespmem:$0x1FB60] =	vst v14;
	v14 =	vld [tilespmem:s21+$0x41A0]  }
0x1d9: {  	v18 =	vld [tilespmem:s21+$0x41B0];
	(erf) = vrcp.f32 v48  }
0x1da: {  	[tilespmem:$0x1FB70] =	vst v12;
	v12 =	vld [tilespmem:s21+$0x41C0]  }
0x1db: {  	[tilespmem:$0x1FB00] =	vst v32;
	v19 =	vld [tilespmem:s21+$0x41D0]  }
0x1dc: {  	v32 =	vand.u32 $0x7FFFFFFF, v25;
	[tilespmem:$0x1FBC0] =	vst v27;
	v27 =	vld [tilespmem:s21+$0x45A0];
	v41 =	vand.u32 $0x7FFFFFFF, v11  }
0x1dd: {  	v49 =	vand.u32 $0x7FFFFFFF, v14;
	v43 =	vmax.f32 v32, v41;
	v21 =	vld [tilespmem:s21+$0x41F0]  }
0x1de: {  	v23 =	vld [tilespmem:s21+$0x4580];
	[tilespmem:$0x1FC10] =	vst v2;
	v2 =	vmax.f32 v43, v49;
	v50 =	vand.u32 $0x7FFFFFFF, v18  }
0x1df: {  	[tilespmem:$0x1FBF0] =	vst v29;
	v29 =	vld [tilespmem:s21+$0x45B0];
	v51 =	vand.u32 $0x7FFFFFFF, v12;
	v2 =	vmax.f32 v2, v50  }
0x1e0: {  	v8 =	vand.u32 $0x7FFFFFFF, v24;
	v32 =	vld [tilespmem:s21+$0x4210];
	v52 =	vand.u32 $0x7FFFFFFF, v19;
	v2 =	vmax.f32 v2, v51  }
0x1e1: {  	[tilespmem:$0x1FB90] =	vst v10;
	v54 =	vand.u32 $0x7FFFFFFF, v20;
	v26 =	vand.u32 $0x7FFFFFFF, v40;
	v2 =	vmax.f32 v2, v52  }
0x1e2: {  	[tilespmem:$0x1FBA0] =	vst v9;
	v9 =	vand.u32 $0x7FFFFFFF, v27;
	v56 =	vand.u32 $0x7FFFFFFF, v21;
	v2 =	vmax.f32 v2, v54;
	v55 =	vpop (erf)  }
0x1e3: {  	[tilespmem:$0x1FBD0] =	vst v28;
	v28 =	vld [tilespmem:s21+$0x4220];
	v57 =	vand.u32 $0x7FFFFFFF, v23;
	v2 =	vmax.f32 v2, v56;
	v4 =	vmul.f32 $7.000000000e+00, v55  }
0x1e4: {  	[tilespmem:$0x1FC20] =	vst v0;
	v10 =	vand.u32 $0x7FFFFFFF, v29;
	v41 =	vld [tilespmem:s21+$0x45E0];
	vm10 =	vgt.f32 v48, $0.0e+00;
	v0 =	vmax.f32 v2, v57  }
0x1e5: {  	v43 =	vld [tilespmem:s21+$0x45F0];
	v49 =	vand.u32 $0x7FFFFFFF, v32;
	v0 =	vmax.f32 v0, v8;
	v58 =	vnsel vm10, $0x3F800000, v4  }
0x1e6: {  	[tilespmem:$0x1FBE0] =	vst v3;
	v22 =	vld [tilespmem:s21+$0x4230];
	v0 =	vmax.f32 v0, v9;
	v59 =	vmul.f32 v58, v13;
	v3 =	vmul.f32 v58, v15  }
0x1e7: {  	v0 =	vmax.f32 v0, v10;
	v10 =	vld [tilespmem:s21+$0x4600];
	v4 =	vmul.f32 v58, v16;
	v5 =	vmul.f32 v58, v17  }
0x1e8: {  	[tilespmem:$0x1FC00] =	vst v30;
	v30 =	vld [tilespmem:s21+$0x45C0];
	v51 =	vand.u32 $0x7FFFFFFF, v28;
	v8 =	vmul.f32 v58, v31;
	v31 =	vmul.f32 v58, v34  }
0x1e9: {  	v63 =	vld [tilespmem:s21+$0x4200];
	v52 =	vand.u32 $0x7FFFFFFF, v41;
	v33 =	vmul.f32 v58, v33;
	v34 =	vmul.f32 v58, v35  }
0x1ea: {  	v56 =	vand.u32 $0x7FFFFFFF, v43;
	v35 =	vmul.f32 v58, v36;
	v36 =	vmul.f32 v58, v37  }
0x1eb: {  	v54 =	vand.u32 $0x7FFFFFFF, v22;
	v37 =	vmul.f32 v58, v38;
	v38 =	vmul.f32 v58, v39  }
0x1ec: {  	v60 =	vand.u32 $0x7FFFFFFF, v10;
	v39 =	vmul.f32 v58, v42;
	v42 =	vmul.f32 v58, v44  }
0x1ed: {  	v13 =	vand.u32 $0x7FFFFFFF, v30;
	v44 =	vmul.f32 v58, v45;
	v45 =	vmul.f32 v58, v46  }
0x1ee: {  	v46 =	vand.u32 $0x7FFFFFFF, v63;
	v2 =	vadd.f32 $1.258291200e+07, v59;
	v3 =	vadd.f32 $1.258291200e+07, v3  }
0x1ef: {  	v0 =	vmax.f32 v0, v13;
	v4 =	vadd.f32 $1.258291200e+07, v4;
	v62 =	vadd.f32 $1.258291200e+07, v5  }
0x1f0: {  	v16 =	vld [tilespmem:s21+$0x4240];
	v0 =	vmax.f32 v0, v26;
	v8 =	vadd.f32 $1.258291200e+07, v8;
	v26 =	vadd.f32 $1.258291200e+07, v31  }
0x1f1: {  	v17 =	vld [tilespmem:s21+$0x4250];
	v50 =	vmax.f32 v46, v49;
	v33 =	vadd.f32 $1.258291200e+07, v33;
	v34 =	vadd.f32 $1.258291200e+07, v34  }
0x1f2: {  	[tilespmem:$0x1FC30] =	vst v1;
	v15 =	vld [tilespmem:s21+$0x4260];
	v1 =	vmax.f32 v50, v51;
	v50 =	vadd.f32 $1.258291200e+07, v35;
	v2 =	vadd.f32 $-1.258291200e+07, v2  }
0x1f3: {  	v13 =	vld [tilespmem:s21+$0x4270];
	v59 =	vmul.f32 $1.428571490e-01, v48;
	v61 =	vadd.f32 $-1.258291200e+07, v3;
	v4 =	vadd.f32 $-1.258291200e+07, v4  }
0x1f4: {  	v0 =	vmax.f32 v0, v52;
	v9 =	vadd.f32 $-1.258291200e+07, v62;
	v31 =	vadd.f32 $-1.258291200e+07, v8  }
0x1f5: {  	v1 =	vmax.f32 v1, v54;
	v3 =	vadd.f32 $-1.258291200e+07, v26;
	v46 =	vadd.f32 $-1.258291200e+07, v33  }
0x1f6: {  	v0 =	vmax.f32 v0, v56;
	v54 =	vadd.f32 $-1.258291200e+07, v34;
	v8 =	vadd.f32 $-1.258291200e+07, v50  }
0x1f7: {  	v62 =	vadd.f32 $1.258291200e+07, v39;
	v55 =	vand.u32 $0x7FFFFFFF, v16;
	v49 =	vand.u32 $0x7FFFFFFF, v17  }
0x1f8: {  	v57 =	vand.u32 $0x7FFFFFFF, v15;
	v1 =	vmax.f32 v1, v55;
	v58 =	vand.u32 $0x7FFFFFFF, v13  }
0x1f9: {  	v55 =	vadd.f32 $1.258291200e+07, v36;
	v1 =	vmax.f32 v1, v49;
	v49 =	vnsel vm10, $0x3F800000, v59  }
0x1fa: {  	v7 =	vld [tilespmem:s21+$0x4620];
	[tilespmem:$0x1FBB0] =	vst v6;
	v33 =	vadd.f32 $-1.258291200e+07, v62;
	v1 =	vmax.f32 v1, v57;
	v57 =	vmul.f32 v61, v49  }
0x1fb: {  	v6 =	vld [tilespmem:s21+$0x4630];
	(xrf0) =	vmax.scan.msk.f32 $0xffff, v0;
	v59 =	vadd.f32 $1.258291200e+07, v37;
	v56 =	vmul.f32 v4, v49;
	v51 =	vmul.f32 v9, v49  }
0x1fc: {  	v5 =	vld [tilespmem:s21+$0x4640];
	v52 =	vmul.f32 v31, v49;
	v3 =	vmul.f32 v3, v49;
	v61 =	vadd.f32 $1.258291200e+07, v38  }
0x1fd: {  	v35 =	vld [tilespmem:s21+$0x4690];
	v8 =	vmul.f32 v8, v49;
	v38 =	vadd.f32 $1.258291200e+07, v42;
	v42 =	vadd.f32 $1.258291200e+07, v44  }
0x1fe: {  	v9 =	vld [tilespmem:s21+$0x4610];
	v1 =	vmax.f32 v1, v58;
	v58 =	vmul.f32 v2, v49;
	v31 =	vadd.f32 $-1.258291200e+07, v59  }
0x1ff: {  	v4 =	vld [tilespmem:s21+$0x4650];
	v2 =	vmul.f32 v46, v49;
	v46 =	vmul.f32 v54, v49;
	v48 =	vmax.f32 v1, v60  }
0x200: {  	v59 =	vld [tilespmem:s21+$0x42A0];
	v60 =	vadd.f32 $-1.258291200e+07, v55;
	v26 =	vadd.f32 $-1.258291200e+07, v61;
	v44 =	vmul.f32 v31, v49  }
0x201: {  	[tilespmem:$0x1FC40] =	vst v3;
	v61 =	vld [tilespmem:s21+$0x4280];
	v50 =	vadd.f32 $-1.258291200e+07, v38;
	v37 =	vadd.f32 $-1.258291200e+07, v42;
	v38 =	vmul.f32 v33, v49;
	v62, _, _ =	vpop (xrf0)  }
0x202: {  	v55 =	vld [tilespmem:s21+$0x4290];
	v39 =	vmul.f32 v60, v49;
	[tilespmem:$0x1FC80] =	vst v44;
	v44 =	vbroadcast v62, $0xF  }
0x203: {  	[tilespmem:$0x1FC60] =	vst v8;
	v3 =	vld [tilespmem:s21+$0x4660];
	v60 =	vadd.f32 $1.258291200e+07, v45;
	v26 =	vmul.f32 v26, v49;
	v45 =	vmul.f32 v37, v49  }
0x204: {  	v0 =	vand.u32 $0x7FFFFFFF, v7;
	v37 =	vld [tilespmem:s21+$0x42F0];
	[tilespmem:$0x1FC70] =	vst v39;
	v39 =	vmul.f32 v50, v49;
	(erf) = vrcp.f32 v44  }
0x205: {  	v62 =	vld [tilespmem:s21+$0x42C0];
	[tilespmem:$0x1FC90] =	vst v26;
	v42 =	vadd.f32 $-1.258291200e+07, v60;
	v50 =	vand.u32 $0x7FFFFFFF, v9;
	v26 =	vand.u32 $0x7FFFFFFF, v6  }
0x206: {  	[tilespmem:$0x1FCA0] =	vst v38;
	v60 =	vld [tilespmem:s21+$0x42B0];
	v38 =	vand.u32 $0x7FFFFFFF, v59;
	v8 =	vmax.f32 v48, v50;
	v1 =	vand.u32 $0x7FFFFFFF, v61  }
0x207: {  	[tilespmem:$0x1FC50] =	vst v2;
	v50 =	vld [tilespmem:s21+$0x42D0];
	v2 =	vand.u32 $0x7FFFFFFF, v55;
	v48 =	vand.u32 $0x7FFFFFFF, v5;
	vm11 =	vgt.f32 v44, $0.0e+00  }
0x208: {  	v44 =	vmul.f32 $1.428571490e-01, v44;
	v54 =	vmul.f32 v42, v49;
	v8 =	vmax.f32 v8, v0;
	v42 =	vld [tilespmem:s21+$0x42E0]  }
0x209: {  	v34 =	vld [tilespmem:s21+$0x4680];
	v31 =	vmax.f32 v1, v2;
	v0 =	vand.u32 $0x7FFFFFFF, v4;
	v33 =	vmax.f32 v8, v26  }
0x20a: {  	[tilespmem:$0x1FCB0] =	vst v39;
	v39 =	vmax.f32 v31, v38;
	v8 =	vld [tilespmem:s21+$0x4670];
	v2 =	vand.u32 $0x7FFFFFFF, v37;
	v49 =	vand.u32 $0x7FFFFFFF, v62  }
0x20b: {  	[tilespmem:$0x1FCC0] =	vst v45;
	v33 =	vmax.f32 v33, v48;
	v48 =	vand.u32 $0x7FFFFFFF, v3;
	v45 =	vand.u32 $0x7FFFFFFF, v60  }
0x20c: {  	[tilespmem:$0x1FCD0] =	vst v54;
	v33 =	vmax.f32 v33, v0;
	v31 =	vmax.f32 v39, v45;
	v54 =	vand.u32 $0x7FFFFFFF, v50  }
0x20d: {  	v36 =	vld [tilespmem:s21+$0x46A0];
	v33 =	vmax.f32 v33, v48;
	v31 =	vmax.f32 v31, v49;
	v1 =	vand.u32 $0x7FFFFFFF, v42;
	v26 =	vpop (erf)  }
0x20e: {  	v49 =	vand.u32 $0x7FFFFFFF, v34;
	v31 =	vmax.f32 v31, v54;
	v54 =	vmul.f32 $7.000000000e+00, v26  }
0x20f: {  	v0 =	vand.u32 $0x7FFFFFFF, v8;
	v31 =	vmax.f32 v31, v1;
	v1 =	vand.u32 $0x7FFFFFFF, v35  }
0x210: {  	v38 =	vld [tilespmem:s21+$0x46B0];
	v45 =	vmax.f32 v33, v0;
	v31 =	vmax.f32 v31, v2;
	v2 =	vnsel vm11, $0x3F800000, v54  }
0x211: {  	v31 =	vmax.f32 v31, v49;
	v25 =	vmul.f32 v2, v25;
	v11 =	vmul.f32 v2, v11  }
0x212: {  	v39 =	vld [tilespmem:s21+$0x46C0];
	v49 =	vand.u32 $0x7FFFFFFF, v36;
	v14 =	vmul.f32 v2, v14;
	v18 =	vmul.f32 v2, v18  }
0x213: {  	v33 =	vld [tilespmem:s21+$0x46D0];
	v31 =	vmax.f32 v31, v1;
	v12 =	vmul.f32 v2, v12;
	v19 =	vmul.f32 v2, v19  }
0x214: {  	v31 =	vmax.f32 v31, v49;
	v20 =	vmul.f32 v2, v20;
	v49 =	vmul.f32 v2, v21  }
0x215: {  	v54 =	vand.u32 $0x7FFFFFFF, v38;
	v23 =	vmul.f32 v2, v23;
	v24 =	vmul.f32 v2, v24  }
0x216: {  	v31 =	vmax.f32 v31, v54;
	v54 =	vmul.f32 v2, v27;
	v29 =	vmul.f32 v2, v29  }
0x217: {  	v0 =	vand.u32 $0x7FFFFFFF, v39;
	v21 =	vld [tilespmem:s21+$0x46E0];
	v30 =	vmul.f32 v2, v30;
	v40 =	vmul.f32 v2, v40  }
0x218: {  	(xrf0) =	vmax.scan.msk.f32 $0xffff, v45;
	v41 =	vmul.f32 v2, v41;
	v1 =	vand.u32 $0x7FFFFFFF, v33;
	v48 =	vmul.f32 v2, v43  }
0x219: {  	v31 =	vmax.f32 v31, v0;
	v25 =	vadd.f32 $1.258291200e+07, v25;
	v11 =	vadd.f32 $1.258291200e+07, v11  }
0x21a: {  	v0 =	vnsel vm11, $0x3F800000, v44;
	v14 =	vadd.f32 $1.258291200e+07, v14;
	v18 =	vadd.f32 $1.258291200e+07, v18  }
0x21b: {  	v27 =	vmax.f32 v31, v1;
	v12 =	vadd.f32 $1.258291200e+07, v12;
	v25 =	vadd.f32 $-1.258291200e+07, v25  }
0x21c: {  	v49 =	vadd.f32 $1.258291200e+07, v49;
	v11 =	vadd.f32 $-1.258291200e+07, v11;
	v2 =	vand.u32 $0x7FFFFFFF, v21  }
0x21d: {  	v2 =	vmax.f32 v27, v2;
	v27 =	vmul.f32 v25, v0;
	v25 =	vadd.f32 $-1.258291200e+07, v18  }
0x21e: {  	v44, _, _ =	vpop (xrf0);
	v18 =	vadd.f32 $-1.258291200e+07, v49;
	v49 =	vadd.f32 $1.258291200e+07, v54;
	v54 =	vld [tilespmem:$0x1FA90]  }
0x21f: {  	v31 =	vadd.f32 $1.258291200e+07, v19;
	v1 =	vbroadcast v44, $0xF;
	v14 =	vadd.f32 $-1.258291200e+07, v14  }
0x220: {  	v44 =	vadd.f32 $1.258291200e+07, v24;
	v12 =	vadd.f32 $-1.258291200e+07, v12;
	v45 =	vmul.f32 v11, v0  }
0x221: {  	[tilespmem:s21+$0xC020] =	vst v53;
	v26 =	vmul.f32 v14, v0;
	v11 =	vmul.f32 v25, v0;
	v25 =	vadd.f32 $-1.258291200e+07, v31  }
0x222: {  	[tilespmem:s21+$0xC040] =	vst v47;
	v47 =	vld [tilespmem:$0x1FAA0];
	v31 =	vadd.f32 $1.258291200e+07, v23;
	v23 =	vmul.f32 v12, v0;
	v12 =	vadd.f32 $-1.258291200e+07, v44  }
0x223: {  	v44 =	vadd.f32 $1.258291200e+07, v30;
	[tilespmem:s21+$0xC050] =	vst v54;
	v54 =	vadd.f32 $1.258291200e+07, v48;
	v48 =	vld [tilespmem:$0x1FAC0]  }
0x224: {  	[tilespmem:$0x1FCE0] =	vst v26;
	v26 =	vld [tilespmem:$0x1FA60];
	v53 =	vadd.f32 $-1.258291200e+07, v31;
	v31 =	vadd.f32 $1.258291200e+07, v29  }
0x225: {  	v43 =	vadd.f32 $1.258291200e+07, v20;
	(erf) = vrcp.f32 v1  }
0x226: {  	v19 =	vadd.f32 $-1.258291200e+07, v31;
	v31 =	vmul.f32 v12, v0;
	v12 =	vadd.f32 $-1.258291200e+07, v44  }
0x227: {  	[tilespmem:s21+$0xC060] =	vst v47;
	v41 =	vadd.f32 $1.258291200e+07, v41;
	v14 =	vadd.f32 $-1.258291200e+07, v43;
	v43 =	vld [tilespmem:$0x1FA70]  }
0x228: {  	v40 =	vadd.f32 $1.258291200e+07, v40;
	[tilespmem:s21+$0xC400] =	vst v48;
	v48 =	vmul.f32 v12, v0;
	v12 =	vadd.f32 $-1.258291200e+07, v54;
	v54 =	vld [tilespmem:$0x1FAD0]  }
0x229: {  	v47 =	vadd.f32 $-1.258291200e+07, v41;
	v24 =	vmul.f32 v25, v0;
	[tilespmem:s21+$0xC000] =	vst v26;
	v26 =	vmul.f32 v18, v0;
	v18 =	vld [tilespmem:s21+$0x46F0]  }
0x22a: {  	[tilespmem:$0x1FCF0] =	vst v11;
	v25 =	vmul.f32 v14, v0;
	v14 =	vadd.f32 $-1.258291200e+07, v49;
	v11 =	vadd.f32 $-1.258291200e+07, v40  }
0x22b: {  	v20 =	vmul.f32 v47, v0;
	v53 =	vmul.f32 v53, v0  }
0x22c: {  	v29 =	vmul.f32 v14, v0;
	v30 =	vmul.f32 v19, v0  }
0x22d: {  	[tilespmem:s21+$0xC410] =	vst v54;
	v54 =	vmul.f32 v11, v0;
	v0 =	vmul.f32 v12, v0  }
0x22e: {  	[tilespmem:s21+$0xC010] =	vst v43;
	v43 =	vld [tilespmem:$0x1FA80];
	v40 =	vand.u32 $0x7FFFFFFF, v18;
	v11 =	vpop (erf)  }
0x22f: {  	v47 =	vld [tilespmem:$0x1FAE0];
	[tilespmem:$0x1FD10] =	vst v0;
	v0 =	vmax.f32 v2, v40;
	v2 =	vmul.f32 $7.000000000e+00, v11  }
0x230: {  	v41 =	vld [tilespmem:s21+$0x4330];
	vm12 =	vgt.f32 v1, $0.0e+00  }
0x231: {  	v49 =	vld [tilespmem:s21+$0x4300];
	v2 =	vnsel vm12, $0x3F800000, v2  }
0x232: {  	v12 =	vmul.f32 v2, v63;
	v63 =	vld [tilespmem:$0x1FB20]  }
0x233: {  	[tilespmem:s21+$0xC030] =	vst v43;
	v43 =	vld [tilespmem:$0x1FAB0]  }
0x234: {  	[tilespmem:s21+$0xC420] =	vst v47;
	v47 =	vld [tilespmem:$0x1FB00]  }
0x235: {  	v44 =	vld [tilespmem:s21+$0x4310]  }
0x236: {  	v14 =	vld [tilespmem:$0x1FAF0]  }
0x237: {  	[tilespmem:s21+$0xC460] =	vst v63;
	v63 =	vld [tilespmem:$0x1FB40]  }
0x238: {  	[tilespmem:s21+$0xC070] =	vst v43;
	v43 =	vld [tilespmem:s21+$0x4320]  }
0x239: {  	[tilespmem:s21+$0xC440] =	vst v47;
	v47 =	vld [tilespmem:s21+$0x4350]  }
0x23a: {  	[tilespmem:$0x1FD00] =	vst v20;
	v19 =	vand.u32 $0x7FFFFFFF, v49;
	v20 =	vand.u32 $0x7FFFFFFF, v44;
	v40 =	vld [tilespmem:s21+$0x4340]  }
0x23b: {  	v11 =	vmax.f32 v19, v20;
	v20 =	vld [tilespmem:$0x1FB10]  }
0x23c: {  	[tilespmem:s21+$0xC080] =	vst v63;
	v63 =	vld [tilespmem:$0x1FB50]  }
0x23d: {  	v19 =	vand.u32 $0x7FFFFFFF, v43  }
0x23e: {  	[tilespmem:s21+$0xC430] =	vst v14;
	v14 =	vand.u32 $0x7FFFFFFF, v41;
	v11 =	vmax.f32 v11, v19  }
0x23f: {  	v28 =	vmul.f32 v2, v28;
	v11 =	vmax.f32 v11, v14;
	v14 =	vmul.f32 v2, v32;
	v32 =	vld [tilespmem:$0x1FB30]  }
0x240: {  	v22 =	vmul.f32 v2, v22;
	v16 =	vmul.f32 v2, v16;
	[tilespmem:s21+$0xC450] =	vst v20;
	v20 =	vld [tilespmem:s21+$0x4360];
	v19 =	vand.u32 $0x7FFFFFFF, v40  }
0x241: {  	v11 =	vmax.f32 v11, v19;
	v19 =	vld [tilespmem:s21+$0x4370];
	[tilespmem:s21+$0xC090] =	vst v63;
	v63 =	vmul.f32 v2, v13;
	v13 =	vand.u32 $0x7FFFFFFF, v47  }
0x242: {  	(xrf0) =	vmax.scan.msk.f32 $0xffff, v0;
	v17 =	vmul.f32 v2, v17;
	v10 =	vmul.f32 v2, v10;
	v0 =	vmax.f32 v11, v13;
	v13 =	vld [tilespmem:$0x1FB70]  }
0x243: {  	v9 =	vmul.f32 v2, v9;
	v7 =	vmul.f32 v2, v7  }
0x244: {  	v5 =	vmul.f32 v2, v5;
	v4 =	vmul.f32 v2, v4  }
0x245: {  	v3 =	vmul.f32 v2, v3;
	[tilespmem:s21+$0xC470] =	vst v32;
	v32 =	vmul.f32 v2, v15;
	v11 =	vadd.f32 $1.258291200e+07, v12  }
0x246: {  	v12 =	vmul.f32 v2, v6;
	v6 =	vand.u32 $0x7FFFFFFF, v20;
	v2 =	vmul.f32 v2, v8  }
0x247: {  	v0 =	vmax.f32 v0, v6;
	v8 =	vadd.f32 $-1.258291200e+07, v11;
	v11 =	vand.u32 $0x7FFFFFFF, v19;
	[tilespmem:s21+$0xC0B0] =	vst v13;
	v13 =	vld [tilespmem:$0x1FB80]  }
0x248: {  	v0 =	vmax.f32 v0, v11;
	v11 =	vadd.f32 $1.258291200e+07, v28;
	v28 =	vld [tilespmem:$0x1FBB0];
	_ =	sdelay $0x2  }
0x249: {  	v1 =	vmul.f32 $1.428571490e-01, v1  }
0x24a: {  	[tilespmem:s21+$0xC0C0] =	vst v13;
	v13 =	vld [tilespmem:$0x1FBA0]  }
0x24b: {  	[tilespmem:s21+$0xC0F0] =	vst v28;
	v28 =	vnsel vm12, $0x3F800000, v1;
	v1 =	vadd.f32 $1.258291200e+07, v22;
	v22 =	vld [tilespmem:$0x1FBC0];
	_ =	sdelay $0x3  }
0x24c: {  	[tilespmem:s21+$0xC0E0] =	vst v13;
	v13, _, _ =	vpop (xrf0)  }
0x24d: {  	[tilespmem:s21+$0xC480] =	vst v22;
	v22 =	vbroadcast v13, $0xF;
	v13 =	vld [tilespmem:$0x1FBD0]  }
0x24e: {  	v6 =	vadd.f32 $1.258291200e+07, v14;
	_ =	sdelay $0x1  }
0x24f: {  	v6 =	vadd.f32 $-1.258291200e+07, v6;
	_ =	sdelay $0x1  }
0x250: {  	[tilespmem:s21+$0xC490] =	vst v13;
	v13 =	vmul.f32 v6, v28;
	v6 =	vadd.f32 $1.258291200e+07, v17;
	v17 =	vld [tilespmem:$0x1FBF0];
	_ =	sdelay $0x1  }
0x251: {  	v15 =	vld [tilespmem:$0x1FB60];
	_ =	sdelay $0x2  }
0x252: {  	[tilespmem:s21+$0xC4B0] =	vst v17;
	v17 =	vadd.f32 $1.258291200e+07, v63;
	v63 =	vld [tilespmem:$0x1FC10]  }
0x253: {  	v14 =	vadd.f32 $1.258291200e+07, v16;
	v16 =	vld [tilespmem:$0x1FBE0]  }
0x254: {  	[tilespmem:s21+$0xC0A0] =	vst v15;
	v15 =	vld [tilespmem:$0x1FB90];
	_ =	sdelay $0x2  }
0x255: {  	[tilespmem:s21+$0xC4D0] =	vst v63;
	v63 =	vld [tilespmem:$0x1FC20]  }
0x256: {  	[tilespmem:s21+$0xC4A0] =	vst v16;
	v16 =	vadd.f32 $1.258291200e+07, v32;
	v32 =	vld [tilespmem:$0x1FC00];
	v1 =	vadd.f32 $-1.258291200e+07, v1;
	(erf) = vrcp.f32 v22  }
0x257: {  	[tilespmem:s21+$0xC0D0] =	vst v15;
	v15 =	vmul.f32 v8, v28  }
0x258: {  	v8 =	vadd.f32 $-1.258291200e+07, v11;
	v11 =	vmul.f32 v1, v28;
	v1 =	vadd.f32 $-1.258291200e+07, v6;
	v6 =	vld [tilespmem:s21+$0x4700]  }
0x259: {  	v10 =	vadd.f32 $1.258291200e+07, v10;
	v14 =	vadd.f32 $-1.258291200e+07, v14  }
0x25a: {  	v7 =	vadd.f32 $1.258291200e+07, v7;
	v5 =	vadd.f32 $1.258291200e+07, v5;
	[tilespmem:s21+$0xC4E0] =	vst v63;
	v63 =	vld [tilespmem:$0x1FC30]  }
0x25b: {  	[tilespmem:s21+$0xC4C0] =	vst v32;
	v32 =	vmul.f32 v14, v28;
	v14 =	vmul.f32 v1, v28;
	v1 =	vadd.f32 $1.258291200e+07, v9  }
0x25c: {  	[tilespmem:s21+$0xC110] =	vst v57;
	v4 =	vadd.f32 $1.258291200e+07, v4;
	v10 =	vadd.f32 $-1.258291200e+07, v10  }
0x25d: {  	[tilespmem:s21+$0xC140] =	vst v52;
	v52 =	vld [tilespmem:$0x1FC40];
	v1 =	vadd.f32 $-1.258291200e+07, v1;
	v17 =	vadd.f32 $-1.258291200e+07, v17;
	v57 =	vand.u32 $0x7FFFFFFF, v6  }
0x25e: {  	[tilespmem:s21+$0xC100] =	vst v58;
	v7 =	vadd.f32 $-1.258291200e+07, v7;
	v58 =	vmul.f32 v10, v28;
	v10 =	vmax.f32 v0, v57  }
0x25f: {  	v57 =	vmul.f32 v1, v28;
	v1 =	vld [tilespmem:s21+$0x4710];
	[tilespmem:s21+$0xC4F0] =	vst v63;
	v63 =	vmul.f32 v17, v28;
	v17 =	vadd.f32 $1.258291200e+07, v12;
	v12 =	vpop (erf)  }
0x260: {  	v4 =	vadd.f32 $-1.258291200e+07, v4;
	v0 =	vadd.f32 $-1.258291200e+07, v5;
	v5 =	vmul.f32 $7.000000000e+00, v12;
	v12 =	vld [tilespmem:$0x1FC50]  }
0x261: {  	vm13 =	vgt.f32 v22, $0.0e+00;
	v9 =	vadd.f32 $-1.258291200e+07, v17;
	v17 =	vadd.f32 $1.258291200e+07, v3;
	v3 =	vld [tilespmem:s21+$0x4720]  }
0x262: {  	[tilespmem:s21+$0xC150] =	vst v52;
	v2 =	vadd.f32 $1.258291200e+07, v2;
	v52 =	vmul.f32 v0, v28;
	v0 =	vnsel vm13, $0x3F800000, v5  }
0x263: {  	[tilespmem:s21+$0xC170] =	vst v46;
	v16 =	vadd.f32 $-1.258291200e+07, v16;
	v46 =	vmul.f32 v4, v28;
	v4 =	vmul.f32 v0, v61;
	v61 =	vld [tilespmem:$0x1FC60]  }
0x264: {  	[tilespmem:s21+$0xC120] =	vst v56;
	v2 =	vadd.f32 $-1.258291200e+07, v2;
	v56 =	vmul.f32 v7, v28  }
0x265: {  	v16 =	vmul.f32 v16, v28;
	v7 =	vadd.f32 $-1.258291200e+07, v17;
	v17 =	vand.u32 $0x7FFFFFFF, v1  }
0x266: {  	v5 =	vmul.f32 $1.428571490e-01, v22;
	[tilespmem:s21+$0xC160] =	vst v12;
	v12 =	vmax.f32 v10, v17;
	v22 =	vand.u32 $0x7FFFFFFF, v3  }
0x267: {  	[tilespmem:s21+$0xC130] =	vst v51;
	v8 =	vmul.f32 v8, v28;
	v51 =	vmul.f32 v9, v28;
	v12 =	vmax.f32 v12, v22;
	v22 =	vld [tilespmem:$0x1FC90]  }
0x268: {  	v9 =	vmul.f32 v7, v28;
	[tilespmem:s21+$0xC500] =	vst v61;
	v61 =	vmul.f32 v2, v28;
	v28 =	vld [tilespmem:$0x1FC80];
	_ =	sdelay $0x1  }
0x269: {  	v17 =	vld [tilespmem:$0x1FC70];
	_ =	sdelay $0x1  }
0x26a: {  	[tilespmem:s21+$0xC530] =	vst v22;
	v22 =	vld [tilespmem:$0x1FCB0]  }
0x26b: {  	v2 =	vmul.f32 v0, v55;
	[tilespmem:s21+$0xC520] =	vst v28;
	v28 =	vmul.f32 v0, v62;
	_ =	sdelay $0x1  }
0x26c: {  	[tilespmem:s21+$0xC510] =	vst v17;
	v62 =	vadd.f32 $1.258291200e+07, v2;
	v17 =	vadd.f32 $1.258291200e+07, v28  }
0x26d: {  	v10 =	vmul.f32 v0, v60;
	v60 =	vld [tilespmem:$0x1FCA0]  }
0x26e: {  	[tilespmem:s21+$0xC550] =	vst v22;
	v22 =	vadd.f32 $-1.258291200e+07, v62;
	v17 =	vadd.f32 $-1.258291200e+07, v17;
	v62 =	vmul.f32 v0, v42  }
0x26f: {  	v55 =	vmul.f32 v0, v59;
	v59 =	vnsel vm13, $0x3F800000, v5;
	v5 =	vld [tilespmem:s21+$0x4750]  }
0x270: {  	v4 =	vadd.f32 $1.258291200e+07, v4;
	v42 =	vmul.f32 v17, v59;
	v17 =	vadd.f32 $1.258291200e+07, v62;
	v62 =	vld [tilespmem:$0x1FCE0]  }
0x271: {  	v28 =	vld [tilespmem:$0x1FCC0]  }
0x272: {  	v4 =	vadd.f32 $-1.258291200e+07, v4;
	[tilespmem:s21+$0xC540] =	vst v60;
	v7 =	vadd.f32 $1.258291200e+07, v55;
	v60 =	vld [tilespmem:$0x1FCD0]  }
0x273: {  	[tilespmem:s21+$0xC180] =	vst v27;
	v10 =	vadd.f32 $1.258291200e+07, v10;
	v2 =	vld [tilespmem:s21+$0x4730]  }
0x274: {  	[tilespmem:s21+$0xC190] =	vst v45;
	v55 =	vmul.f32 v4, v59;
	v4 =	vld [tilespmem:s21+$0x4740];
	v7 =	vadd.f32 $-1.258291200e+07, v7  }
0x275: {  	v10 =	vadd.f32 $-1.258291200e+07, v10;
	[tilespmem:s21+$0xC1A0] =	vst v62;
	v62 =	vld [tilespmem:$0x1FCF0]  }
0x276: {  	[tilespmem:s21+$0xC560] =	vst v28;
	v28 =	vmul.f32 v0, v50;
	v50 =	vmul.f32 v7, v59;
	v7 =	vld [tilespmem:s21+$0x4760]  }
0x277: {  	[tilespmem:s21+$0xC1C0] =	vst v23;
	v27 =	vmul.f32 v0, v37;
	v45 =	vmul.f32 v10, v59;
	v10 =	vld [tilespmem:s21+$0x4770]  }
0x278: {  	[tilespmem:s21+$0xC570] =	vst v60;
	v60 =	vmul.f32 v22, v59;
	v22 =	vadd.f32 $1.258291200e+07, v28;
	v28 =	vand.u32 $0x7FFFFFFF, v2  }
0x279: {  	[tilespmem:s21+$0xC1D0] =	vst v24;
	v24 =	vmul.f32 v0, v34;
	v37 =	vand.u32 $0x7FFFFFFF, v4;
	v12 =	vmax.f32 v12, v28  }
0x27a: {  	v23 =	vadd.f32 $1.258291200e+07, v27;
	v12 =	vmax.f32 v12, v37;
	[tilespmem:s21+$0xC1B0] =	vst v62;
	v62 =	vand.u32 $0x7FFFFFFF, v5  }
0x27b: {  	[tilespmem:s21+$0xC1E0] =	vst v25;
	v37 =	vmul.f32 v0, v35;
	v34 =	vand.u32 $0x7FFFFFFF, v7;
	v12 =	vmax.f32 v12, v62  }
0x27c: {  	[tilespmem:s21+$0xC580] =	vst v53;
	v22 =	vadd.f32 $-1.258291200e+07, v22;
	v62 =	vand.u32 $0x7FFFFFFF, v10;
	v12 =	vmax.f32 v12, v34  }
0x27d: {  	[tilespmem:s21+$0xC5A0] =	vst v29;
	v25 =	vadd.f32 $1.258291200e+07, v37;
	v34 =	vmul.f32 v0, v36;
	v12 =	vmax.f32 v12, v62  }
0x27e: {  	v29 =	vld [tilespmem:s21+$0x4390];
	v24 =	vadd.f32 $1.258291200e+07, v24;
	v35 =	vmul.f32 v0, v38;
	v62 =	vmul.f32 v0, v39;
	(xrf0) =	vmax.scan.msk.f32 $0xffff, v12  }
0x27f: {  	[tilespmem:s21+$0xC590] =	vst v31;
	v31 =	vld [tilespmem:s21+$0x43B0];
	v36 =	vmul.f32 v22, v59;
	v22 =	vadd.f32 $-1.258291200e+07, v25;
	v53 =	vadd.f32 $1.258291200e+07, v34  }
0x280: {  	[tilespmem:s21+$0xC1F0] =	vst v26;
	v26 =	vld [tilespmem:s21+$0x4780];
	v34 =	vadd.f32 $1.258291200e+07, v35;
	v62 =	vadd.f32 $1.258291200e+07, v62  }
0x281: {  	[tilespmem:s21+$0xC5B0] =	vst v30;
	v28 =	vld [tilespmem:s21+$0x4380];
	v12 =	vadd.f32 $-1.258291200e+07, v24;
	v35 =	vadd.f32 $-1.258291200e+07, v53  }
0x282: {  	[tilespmem:s21+$0xC5C0] =	vst v48;
	v38 =	vmul.f32 v22, v59;
	v27 =	vadd.f32 $-1.258291200e+07, v34;
	v48 =	vadd.f32 $-1.258291200e+07, v62;
	v62 =	vld [tilespmem:$0x1FD00]  }
0x283: {  	v30 =	vld [tilespmem:s21+$0x43A0];
	[tilespmem:s21+$0xC5D0] =	vst v54;
	v23 =	vadd.f32 $-1.258291200e+07, v23;
	v37 =	vmul.f32 v12, v59;
	v12 =	vmul.f32 v0, v33  }
0x284: {  	[tilespmem:s21+$0xC200] =	vst v15;
	v17 =	vadd.f32 $-1.258291200e+07, v17;
	v22 =	vld [tilespmem:s21+$0x43C0];
	v34 =	vmul.f32 v35, v59;
	v35 =	vmul.f32 v27, v59;
	v54, _, _ =	vpop (xrf0)  }
0x285: {  	[tilespmem:s21+$0xC240] =	vst v32;
	v32 =	vand.u32 $0x7FFFFFFF, v26;
	v27 =	vld [tilespmem:$0x1FD10];
	v33 =	vmul.f32 v48, v59;
	v48 =	vbroadcast v54, $0xF  }
0x286: {  	[tilespmem:s21+$0xC260] =	vst v16;
	v39 =	vmul.f32 v17, v59;
	v53 =	vmul.f32 v23, v59;
	v23 =	vld [tilespmem:s21+$0x43D0];
	v12 =	vadd.f32 $1.258291200e+07, v12  }
0x287: {  	v17 =	vld [tilespmem:s21+$0x43E0];
	v54 =	vand.u32 $0x7FFFFFFF, v28;
	[tilespmem:s21+$0xC5E0] =	vst v62;
	v62 =	vand.u32 $0x7FFFFFFF, v29;
	(erf) = vrcp.f32 v48  }
0x288: {  	[tilespmem:s21+$0xC220] =	vst v8;
	v8 =	vmul.f32 v0, v21;
	v24 =	vld [tilespmem:s21+$0x43F0];
	v54 =	vmax.f32 v54, v62;
	v62 =	vand.u32 $0x7FFFFFFF, v30  }
0x289: {  	v16 =	vld [tilespmem:s21+$0x47D0];
	[tilespmem:s21+$0xC230] =	vst v11;
	v12 =	vadd.f32 $-1.258291200e+07, v12;
	v54 =	vmax.f32 v54, v62;
	v62 =	vand.u32 $0x7FFFFFFF, v31  }
0x28a: {  	v0 =	vmul.f32 v0, v18;
	[tilespmem:s21+$0xC5F0] =	vst v27;
	v27 =	vld [tilespmem:s21+$0x4790];
	v15 =	vmax.f32 v54, v62;
	v54 =	vand.u32 $0x7FFFFFFF, v22  }
0x28b: {  	[tilespmem:s21+$0xC210] =	vst v13;
	v13 =	vld [tilespmem:s21+$0x47A0];
	v11 =	vmul.f32 v12, v59;
	v62 =	vand.u32 $0x7FFFFFFF, v23;
	v12 =	vmax.f32 v15, v54  }
0x28c: {  	v54 =	vadd.f32 $1.258291200e+07, v8;
	v15 =	vld [tilespmem:s21+$0x47B0];
	v12 =	vmax.f32 v12, v62;
	v62 =	vand.u32 $0x7FFFFFFF, v17  }
0x28d: {  	v0 =	vadd.f32 $1.258291200e+07, v0;
	v21 =	vand.u32 $0x7FFFFFFF, v24;
	v8 =	vld [tilespmem:s21+$0x47C0];
	v12 =	vmax.f32 v12, v62  }
0x28e: {  	[tilespmem:s21+$0xC600] =	vst v58;
	v58 =	vand.u32 $0x7FFFFFFF, v16;
	v25 =	vadd.f32 $-1.258291200e+07, v54;
	v12 =	vmax.f32 v12, v21  }
0x28f: {  	[tilespmem:s21+$0xC620] =	vst v56;
	v0 =	vadd.f32 $-1.258291200e+07, v0;
	v54 =	vand.u32 $0x7FFFFFFF, v27;
	v21 =	vld [tilespmem:s21+$0x47E0];
	v12 =	vmax.f32 v12, v32  }
0x290: {  	[tilespmem:s21+$0xC270] =	vst v63;
	v62 =	vand.u32 $0x7FFFFFFF, v13;
	v18 =	vmul.f32 v25, v59;
	v12 =	vmax.f32 v12, v54;
	v63 =	vpop (erf)  }
0x291: {  	[tilespmem:s21+$0xC650] =	vst v46;
	v25 =	vld [tilespmem:s21+$0x47F0];
	v54 =	vand.u32 $0x7FFFFFFF, v15;
	v12 =	vmax.f32 v12, v62;
	v32 =	vmul.f32 $7.000000000e+00, v63  }
0x292: {  	[tilespmem:s21+$0xC610] =	vst v57;
	vm14 =	vgt.f32 v48, $0.0e+00;
	v57 =	vand.u32 $0x7FFFFFFF, v8;
	v12 =	vmax.f32 v12, v54  }
0x293: {  	[tilespmem:s21+$0xC250] =	vst v14;
	v0 =	vmul.f32 v0, v59;
	v12 =	vmax.f32 v12, v57;
	v32 =	vnsel vm14, $0x3F800000, v32  }
0x294: {  	[tilespmem:s21+$0xC640] =	vst v52;
	v62 =	vand.u32 $0x7FFFFFFF, v21;
	v12 =	vmax.f32 v12, v58;
	v63 =	vmul.f32 v32, v49  }
0x295: {  	[tilespmem:s21+$0xC630] =	vst v51;
	v12 =	vmax.f32 v12, v62;
	v52 =	vmul.f32 v32, v44;
	v54 =	vmul.f32 v32, v43  }
0x296: {  	[tilespmem:s21+$0xC660] =	vst v9;
	v49 =	vand.u32 $0x7FFFFFFF, v25;
	v41 =	vmul.f32 v32, v41;
	v40 =	vmul.f32 v32, v40  }
0x297: {  	[tilespmem:s21+$0xC670] =	vst v61;
	v58 =	vmul.f32 v32, v47;
	v20 =	vmul.f32 v32, v20;
	v51 =	vmax.f32 v12, v49  }
0x298: {  	v19 =	vmul.f32 v32, v19;
	v6 =	vmul.f32 v32, v6;
	(xrf0) =	vmax.scan.msk.f32 $0xffff, v51;
	v56 =	vadd.f32 $1.258291200e+07, v63  }
0x299: {  	[tilespmem:s21+$0xC280] =	vst v55;
	v1 =	vmul.f32 v32, v1;
	v12 =	vadd.f32 $1.258291200e+07, v52;
	v14 =	vadd.f32 $1.258291200e+07, v54  }
0x29a: {  	[tilespmem:s21+$0xC2B0] =	vst v45;
	v3 =	vmul.f32 v32, v3;
	v41 =	vadd.f32 $1.258291200e+07, v41;
	v40 =	vadd.f32 $1.258291200e+07, v40  }
0x29b: {  	[tilespmem:s21+$0xC290] =	vst v60;
	v2 =	vmul.f32 v32, v2;
	v62 =	vadd.f32 $1.258291200e+07, v58;
	v20 =	vadd.f32 $1.258291200e+07, v20  }
0x29c: {  	[tilespmem:s21+$0xC2C0] =	vst v42;
	v5 =	vmul.f32 v32, v5;
	v19 =	vadd.f32 $1.258291200e+07, v19;
	v6 =	vadd.f32 $1.258291200e+07, v6  }
0x29d: {  	[tilespmem:s21+$0xC2A0] =	vst v50;
	v44 =	vmul.f32 v32, v10;
	v1 =	vadd.f32 $1.258291200e+07, v1;
	v3 =	vadd.f32 $1.258291200e+07, v3  }
0x29e: {  	[tilespmem:s21+$0xC2D0] =	vst v36;
	v42 =	vmul.f32 v32, v7;
	v2 =	vadd.f32 $1.258291200e+07, v2;
	v5 =	vadd.f32 $1.258291200e+07, v5;
	v59, _, _ =	vpop (xrf0)  }
0x29f: {  	[tilespmem:s21+$0xC2E0] =	vst v39;
	v7 =	vadd.f32 $1.258291200e+07, v44;
	v9 =	vadd.f32 $-1.258291200e+07, v56;
	v60 =	vbroadcast v59, $0xF  }
0x2a0: {  	[tilespmem:s21+$0xC690] =	vst v38;
	v57 =	vmul.f32 $1.428571490e-01, v48;
	v12 =	vadd.f32 $-1.258291200e+07, v12;
	v14 =	vadd.f32 $-1.258291200e+07, v14  }
0x2a1: {  	[tilespmem:s21+$0xC2F0] =	vst v53;
	v41 =	vadd.f32 $-1.258291200e+07, v41;
	v40 =	vadd.f32 $-1.258291200e+07, v40;
	(erf) = vrcp.f32 v60  }
0x2a2: {  	[tilespmem:s21+$0xC680] =	vst v37;
	v63 =	vadd.f32 $-1.258291200e+07, v62;
	v20 =	vadd.f32 $-1.258291200e+07, v20  }
0x2a3: {  	[tilespmem:s21+$0xC6A0] =	vst v34;
	v43 =	vnsel vm14, $0x3F800000, v57;
	v19 =	vadd.f32 $-1.258291200e+07, v19;
	v6 =	vadd.f32 $-1.258291200e+07, v6  }
0x2a4: {  	[tilespmem:s21+$0xC6B0] =	vst v35;
	v4 =	vmul.f32 v32, v4;
	v1 =	vadd.f32 $-1.258291200e+07, v1;
	v3 =	vadd.f32 $-1.258291200e+07, v3  }
0x2a5: {  	[tilespmem:s21+$0xC6C0] =	vst v33;
	v2 =	vadd.f32 $-1.258291200e+07, v2;
	v9 =	vmul.f32 v9, v43;
	v12 =	vmul.f32 v12, v43  }
0x2a6: {  	[tilespmem:s21+$0xC6D0] =	vst v11;
	v5 =	vadd.f32 $-1.258291200e+07, v5;
	v14 =	vmul.f32 v14, v43;
	v41 =	vmul.f32 v41, v43  }
0x2a7: {  	[tilespmem:s21+$0xC6F0] =	vst v0;
	v7 =	vadd.f32 $-1.258291200e+07, v7;
	v61 =	vmul.f32 v40, v43;
	v37 =	vmul.f32 v63, v43  }
0x2a8: {  	[tilespmem:s21+$0xC6E0] =	vst v18;
	v20 =	vmul.f32 v20, v43;
	v19 =	vmul.f32 v19, v43;
	v40 =	vadd.f32 $1.258291200e+07, v4  }
0x2a9: {  	v6 =	vmul.f32 v6, v43;
	v1 =	vmul.f32 v1, v43;
	v4 =	vadd.f32 $1.258291200e+07, v42;
	[tilespmem:s21+$0xC300] =	vst v9  }
0x2aa: {  	v38 =	vmul.f32 v3, v43;
	v2 =	vmul.f32 v2, v43;
	[tilespmem:s21+$0xC310] =	vst v12;
	v3 =	vadd.f32 $-1.258291200e+07, v40;
	v45 =	vpop (erf)  }
0x2ab: {  	v5 =	vmul.f32 v5, v43;
	[tilespmem:s21+$0xC320] =	vst v14;
	v4 =	vadd.f32 $-1.258291200e+07, v4;
	v9 =	vmul.f32 $7.000000000e+00, v45  }
0x2ac: {  	v51 =	vmul.f32 v7, v43;
	[tilespmem:s21+$0xC330] =	vst v41;
	v3 =	vmul.f32 v3, v43;
	vm15 =	vgt.f32 v60, $0.0e+00  }
0x2ad: {  	[tilespmem:s21+$0xC340] =	vst v61;
	v4 =	vmul.f32 v4, v43;
	v49 =	vmul.f32 $1.428571490e-01, v60;
	v9 =	vnsel vm15, $0x3F800000, v9  }
0x2ae: {  	[tilespmem:s21+$0xC350] =	vst v37;
	v46 =	vmul.f32 v9, v28;
	v47 =	vmul.f32 v9, v29  }
0x2af: {  	[tilespmem:s21+$0xC360] =	vst v20;
	v48 =	vmul.f32 v9, v30;
	v50 =	vmul.f32 v9, v31  }
0x2b0: {  	[tilespmem:s21+$0xC370] =	vst v19;
	v57 =	vmul.f32 v9, v22;
	v60 =	vmul.f32 v9, v23  }
0x2b1: {  	[tilespmem:s21+$0xC700] =	vst v6;
	v63 =	vmul.f32 v9, v17;
	v19 =	vmul.f32 v9, v24  }
0x2b2: {  	[tilespmem:s21+$0xC710] =	vst v1;
	v1 =	vnsel vm15, $0x3F800000, v49;
	v23 =	vmul.f32 v9, v26;
	v28 =	vmul.f32 v9, v27  }
0x2b3: {  	[tilespmem:s21+$0xC720] =	vst v38;
	v37 =	vmul.f32 v9, v13;
	v10 =	vadd.f32 $1.258291200e+07, v46;
	v11 =	vadd.f32 $1.258291200e+07, v47  }
0x2b4: {  	[tilespmem:s21+$0xC730] =	vst v2;
	v40 =	vmul.f32 v9, v15;
	v53 =	vadd.f32 $1.258291200e+07, v48;
	v54 =	vadd.f32 $1.258291200e+07, v50  }
0x2b5: {  	[tilespmem:s21+$0xC750] =	vst v5;
	v43 =	vmul.f32 v9, v8;
	v62 =	vadd.f32 $1.258291200e+07, v57;
	v52 =	vadd.f32 $-1.258291200e+07, v10  }
0x2b6: {  	[tilespmem:s21+$0xC770] =	vst v51;
	v49 =	vmul.f32 v9, v21;
	v18 =	vadd.f32 $1.258291200e+07, v60;
	v11 =	vadd.f32 $-1.258291200e+07, v11  }
0x2b7: {  	[tilespmem:s21+$0xC740] =	vst v3;
	v22 =	vadd.f32 $1.258291200e+07, v63;
	v56 =	vadd.f32 $-1.258291200e+07, v53;
	v55 =	vmul.f32 v52, v1  }
0x2b8: {  	[tilespmem:s21+$0xC760] =	vst v4;
	v26 =	vadd.f32 $1.258291200e+07, v19;
	v59 =	vadd.f32 $-1.258291200e+07, v54;
	v58 =	vmul.f32 v11, v1  }
0x2b9: {  	v31 =	vadd.f32 $1.258291200e+07, v23;
	v20 =	vadd.f32 $-1.258291200e+07, v62;
	v61 =	vmul.f32 v56, v1;
	[tilespmem:s21+$0xC380] =	vst v55  }
0x2ba: {  	v34 =	vadd.f32 $1.258291200e+07, v28;
	v24 =	vadd.f32 $-1.258291200e+07, v18;
	v17 =	vmul.f32 v59, v1;
	[tilespmem:s21+$0xC390] =	vst v58  }
0x2bb: {  	v42 =	vadd.f32 $1.258291200e+07, v37;
	v30 =	vadd.f32 $-1.258291200e+07, v22;
	v29 =	vmul.f32 v20, v1;
	[tilespmem:s21+$0xC3A0] =	vst v61  }
0x2bc: {  	v45 =	vadd.f32 $1.258291200e+07, v40;
	v33 =	vadd.f32 $-1.258291200e+07, v26;
	v32 =	vmul.f32 v24, v1;
	[tilespmem:s21+$0xC3B0] =	vst v17  }
0x2bd: {  	v46 =	vmul.f32 v9, v16;
	v36 =	vadd.f32 $-1.258291200e+07, v31;
	v35 =	vmul.f32 v30, v1;
	[tilespmem:s21+$0xC3C0] =	vst v29  }
0x2be: {  	v48 =	vadd.f32 $1.258291200e+07, v43;
	v39 =	vadd.f32 $-1.258291200e+07, v34;
	v38 =	vmul.f32 v33, v1;
	[tilespmem:s21+$0xC3D0] =	vst v32  }
0x2bf: {  	v47 =	vadd.f32 $-1.258291200e+07, v42;
	v50 =	vadd.f32 $-1.258291200e+07, v45;
	v41 =	vmul.f32 v36, v1;
	[tilespmem:s21+$0xC3E0] =	vst v35  }
0x2c0: {  	v51 =	vadd.f32 $1.258291200e+07, v46;
	v44 =	vmul.f32 v39, v1;
	v52 =	vmul.f32 v9, v25;
	[tilespmem:s21+$0xC3F0] =	vst v38  }
0x2c1: {  	v54 =	vadd.f32 $-1.258291200e+07, v48;
	v53 =	vmul.f32 v47, v1;
	[tilespmem:s21+$0xC780] =	vst v41;
	v55 =	vadd.f32 $1.258291200e+07, v49  }
0x2c2: {  	v56 =	vmul.f32 v50, v1;
	v57 =	vadd.f32 $-1.258291200e+07, v51;
	[tilespmem:s21+$0xC790] =	vst v44;
	v58 =	vadd.f32 $1.258291200e+07, v52  }
0x2c3: {  	p0 =	slt.u32 s20, $0x38;
	v59 =	vmul.f32 v54, v1;
	[tilespmem:s21+$0xC7A0] =	vst v53;
	v60 =	vadd.f32 $-1.258291200e+07, v55  }
.Ltmp4:
0x2c4: {  	[tilespmem:s21+$0xC7B0] =	vst v56;
	v61 =	vmul.f32 v57, v1;
	v62 =	vadd.f32 $-1.258291200e+07, v58;
	(pc) =	sbr.rel @p0 .LBB2_9-.Ltmp4, $4  }
0x2c5: {  	[tilespmem:s21+$0xC7C0] =	vst v59;
	v63 =	vmul.f32 v60, v1  }
0x2c6: {  	[tilespmem:s21+$0xC7D0] =	vst v61;
	v1 =	vmul.f32 v62, v1  }
0x2c7: {  	[tilespmem:s21+$0xC7E0] =	vst v63  }
0x2c8: {  	s20 =	sadd.s32 $0x8, s20;
	[tilespmem:s21+$0xC7F0] =	vst v1  }
0x2c9: {  	s18 =	sadd.s32 $0x1, s18  }
0x2ca: {  	p0 =	sne.s32 s18, $0x10  }
.Ltmp5:
0x2cb: {  	_ = 	snop;
	(pc) =	sbr.rel @p0 .LBB2_2-.Ltmp5, $3  }
0x2cc: {  	_ =	sdelay $0x1  }
0x2cd: {  	s19 =	sadd.s32 s3, s19  }
0x2ce: {  	[hbm4b:s19+s4] =	stream.linear.scatter [tilespmem:s15], [sflag:$0x4], $0x4000, $0x38;
	[tilespmem:$0x10000] =	vst v63  }
0x2cf: {  	s17 =	sadd.s32 $0x1, s17  }
0x2d0: {  	_ =	swait.ge [sflag:s16], $0x4000;
	p0 =	sne.s32 s17, s8  }
.Ltmp6:
0x2d1: {  	[sflag:s16] =	ssyncset.done $0x0;
	(pc) =	sbr.rel @p0 .LBB2_1-.Ltmp6, $4  }
0x2d2: {  	[sflag:s16] =	ssyncadd.s32 $0xFFFFC000  }
0x2d3: {  	_ =	swait.ge [sflag:s14], $0x4000  }
0x2d4: {  	[sflag:s14] =	ssyncset.done $0x0  }
0x2d5: {  	[sflag:s14] =	ssyncadd.s32 $0xFFFFC000  }
0x2d6: {  	_ =	sfence.sel $0x180000  }
0x2d7: {  	[bflag:$0x0] =	sbarrier.arrive $0xFFFF  }
0x2d8: {  	p0 =	sne.s32 s2, $0x0;
	_ =	strace $0x90000047  }
0x2d9: {  	s0 =	sadd.s32 @!p0 $0x100000, s0;
	[bflag:$0x2] =	sbarrier.arrive $0xFFFF  }
0x2da: {  	[sflag:s0] =	ssyncadd.tile.s32 @!p0 $0x1;
	_ =	shalt  }
.Lfunc_end2:
_tile_overlayer_lowered:
.L_overlay_start_2:
0x2db: {  	(tag) =	ssettag $0x2  }
0x2dc: {  	s0 =	rddreg [dreg:$0x0];
	s2 =	stileid.u32  }
0x2dd: {  	s1 =	rddreg [dreg:$0x1];
	p0 =	sne.s32 s2, $0x0  }
0x2de: {  	s3 =	rddreg [dreg:$0x2];
	[bflag:$0x3] =	sbarrier.arrive $0xFFFF;
	s2 =	simm.s32 @!p0 $0x1C05  }
0x2df: {  	[timem:s3], [sflag:s2] =	dma.local @!p0 [hbm:s0], s1  }
0x2e0: {  	s0 =	simm.s32 @!p0 $0x5  }
0x2e1: {  	_ =	swait.ge @!p0 [sflag:s0], s1  }
0x2e2: {  	s1 =	ssub.s32 @!p0 $0x0, s1;
	[sflag:s0] =	ssyncset.done @!p0 $0x0  }
0x2e3: {  	[sflag:s0] =	ssyncadd.s32 @!p0 s1  }
0x2e4: {  	[bflag:$0x3] =	sbarrier.arrive $0xFFFF  }
0x2e5: {  	_ =	shalt  }

</sc_bundles>
